<compile_context>
chip_gen: v7x
topology: tpu7x:2x2x1
jax: 0.10.2.dev20260603
libtpu: 0.0.44.dev20260713+nightly
codegen_flags: <defaults>
</compile_context>

<pallas_src>
import functools

import jax
import jax.numpy as jnp
from jax import lax
from jax.experimental import pallas as pl
from jax.experimental.pallas import tpu as pltpu
from jax.experimental.pallas import tpu_sc as plsc

B = 4096
V = 100000
K = 64

_info = plsc.get_sparse_core_info()
_NC, _NS = _info.num_cores, _info.num_subcores
NW = _NC * _NS
R = B // NW
NEG_W = R * K
WAVE = 256
NWAVES = NEG_W // WAVE


def _sc_gather(out2d, target, noise_flat):
    mesh = plsc.VectorSubcoreMesh(core_axis_name="c", subcore_axis_name="s")

    @functools.partial(
        pl.kernel,
        mesh=mesh,
        out_type=[
            jax.ShapeDtypeStruct((B,), jnp.float32),
            jax.ShapeDtypeStruct((B * K,), jnp.float32),
        ],
        scratch_types=[
            pltpu.VMEM((R,), jnp.int32),
            pltpu.VMEM((NEG_W,), jnp.int32),
            pltpu.VMEM((R * 8,), jnp.int32),
            pltpu.VMEM((WAVE, 128), jnp.float32),
            pltpu.VMEM((WAVE, 128), jnp.float32),
            pltpu.VMEM((R,), jnp.float32),
            pltpu.VMEM((NEG_W,), jnp.float32),
            pltpu.SemaphoreType.DMA,
            pltpu.SemaphoreType.DMA,
        ],
        compiler_params=pltpu.CompilerParams(needs_layout_passes=False),
    )
    def k(x_hbm, tgt_hbm, noise_hbm, pos_hbm, neg_hbm,
          tgt_v, noise_v, rows_v, bufa, bufb, pscore_v, nscore_v,
          sema, semb):
        wid = lax.axis_index("s") * _NC + lax.axis_index("c")
        base = wid * R
        pltpu.sync_copy(tgt_hbm.at[pl.ds(base, R)], tgt_v)
        pltpu.sync_copy(noise_hbm.at[pl.ds(base * K, NEG_W)], noise_v)

        iota = lax.iota(jnp.int32, 16)
        for c in range(R // 2):
            rows_v[pl.ds(c * 16, 16)] = (base + c * 2) + (iota >> 3)


        def fire(w, buf, sem):
            def body(i, carry):
                s = i * 16
                e0 = w * WAVE + s
                cols = noise_v[pl.ds(e0, 16)]
                r_local = e0 >> 6
                row_ref = rows_v.at[pl.ds(r_local * 8, 1)]
                for t in range(16):
                    start = pl.multiple_of((cols[t] >> 7) << 7, 128)
                    pltpu.async_copy(
                        x_hbm.at[row_ref, pl.ds(start, 128)],
                        buf.at[pl.ds(s + t, 1)],
                        sem,
                    )
                return carry
            lax.fori_loop(0, WAVE // 16, body, 0)

        def drain(buf, sem):
            pltpu.make_async_copy(
                x_hbm.at[pl.ds(0, WAVE), pl.ds(0, 128)], buf, sem
            ).wait()

        def extract(w, buf):
            def body(i, carry):
                s = i * 16
                lanes = noise_v[pl.ds(w * WAVE + s, 16)] & 127
                vals = plsc.load_gather(buf, [s + iota, lanes])
                nscore_v[pl.ds(w * WAVE + s, 16)] = vals
                return carry
            lax.fori_loop(0, WAVE // 16, body, 0)

        fire(0, bufa, sema)

        def pair(k, carry):
            w = k * 2
            fire(w + 1, bufb, semb)
            drain(bufa, sema)
            extract(w, bufa)

            @pl.when(w + 2 < NWAVES)
            def _():
                fire(w + 2, bufa, sema)
            drain(bufb, semb)
            extract(w + 1, bufb)
            return carry
        lax.fori_loop(0, NWAVES // 2, pair, 0)

        def pfire(i, carry):
            s = i * 16
            cols = tgt_v[pl.ds(s, 16)]
            for t in range(16):
                start = pl.multiple_of((cols[t] >> 7) << 7, 128)
                pltpu.async_copy(
                    x_hbm.at[rows_v.at[pl.ds((s + t) * 8, 1)],
                             pl.ds(start, 128)],
                    bufa.at[pl.ds(s + t, 1)],
                    sema,
                )
            return carry
        lax.fori_loop(0, R // 16, pfire, 0)
        pltpu.make_async_copy(
            x_hbm.at[pl.ds(0, R), pl.ds(0, 128)],
            bufa.at[pl.ds(0, R)], sema,
        ).wait()

        def pextract(i, carry):
            s = i * 16
            lanes = tgt_v[pl.ds(s, 16)] & 127
            pscore_v[pl.ds(s, 16)] = plsc.load_gather(bufa, [s + iota, lanes])
            return carry
        lax.fori_loop(0, R // 16, pextract, 0)

        pltpu.sync_copy(pscore_v, pos_hbm.at[pl.ds(base, R)])
        pltpu.sync_copy(nscore_v, neg_hbm.at[pl.ds(base * K, NEG_W)])

    return k(out2d, target, noise_flat)


def _tc_loss_body(pos_ref, neg_ref, out_ref):
    p = pos_ref[...]
    n = neg_ref[...]
    lp = jnp.minimum(p, 0.0) - jnp.log1p(jnp.exp(-jnp.abs(p)))
    ln = jnp.minimum(-n, 0.0) - jnp.log1p(jnp.exp(-jnp.abs(n)))
    out_ref[0, 0] = -(jnp.sum(lp) + jnp.sum(ln)) / B


def _tc_loss(pos2d, neg2d):
    return pl.pallas_call(
        _tc_loss_body,
        out_shape=jax.ShapeDtypeStruct((1, 1), jnp.float32),
        out_specs=pl.BlockSpec(memory_space=pltpu.SMEM),
    )(pos2d, neg2d)


def kernel(output, target, noise):
    pos, neg = _sc_gather(
        output,
        target.astype(jnp.int32),
        noise.reshape(-1).astype(jnp.int32),
    )
    loss = _tc_loss(pos.reshape(B // 128, 128), neg.reshape(B * K // 128, 128))
    return loss[0, 0]

# --- scband reference (transcript-rebuilt; emitter-appended) ---
"""Pipeline reference for scband-negative-sampling-36850819399737 (READ-ONLY COPY).

The authoritative reference and input builder live on the scoring server;
editing this copy changes nothing except your own understanding.
"""

import jax, jax.numpy as jnp
import numpy as np


def setup_inputs(seed: int = 0) -> dict:
    key = jax.random.key(seed)
    k1, k2, k3 = jax.random.split(key, 3)
    output = jax.random.normal(k1, (4096, 100000), dtype=jnp.float32)
    target = jax.random.randint(k2, (4096,), 0, 100000, dtype=jnp.int64 if jax.config.read('jax_enable_x64') else jnp.int32)
    noise = jax.random.randint(k3, (4096, 64), 0, 100000, dtype=jnp.int64 if jax.config.read('jax_enable_x64') else jnp.int32)
    return {"output": output, "target": target, "noise": noise}


def reference(output, target, noise):
    # pos_scores = output.gather(1, target.unsqueeze(1))
    pos_scores = jnp.take_along_axis(output, target[:, None], axis=1)
    pos_loss = jax.nn.log_sigmoid(pos_scores)[:, 0]
    # neg_scores = output.gather(1, noise)
    neg_scores = jnp.take_along_axis(output, noise, axis=1)
    neg_loss = jnp.sum(jax.nn.log_sigmoid(-neg_scores), axis=1)
    return -jnp.mean(pos_loss + neg_loss)

if __name__ == "__main__":
    import jax
    _d = setup_inputs()
    print(jax.jit(kernel)(*tuple(_d.values())))

</pallas_src>

<mosaic_0001>
#map = affine_map<(d0, d1) -> (0, 0)>
#map1 = affine_map<(d0, d1) -> (0)>
module attributes {stable_mosaic.version = 14 : i64} {
  func.func @k(%arg0: i32, %arg1: i32, %arg2: memref<4096x100000xf32, #tpu.memory_space<hbm>>, %arg3: memref<4096xi32, #tpu.memory_space<hbm>>, %arg4: memref<262144xi32, #tpu.memory_space<hbm>>, %arg5: memref<4096xf32, #tpu.memory_space<hbm>>, %arg6: memref<262144xf32, #tpu.memory_space<hbm>>, %arg7: memref<128xi32, #tpu.memory_space<vmem>>, %arg8: memref<8192xi32, #tpu.memory_space<vmem>>, %arg9: memref<1024xi32, #tpu.memory_space<vmem>>, %arg10: memref<256x128xf32, #tpu.memory_space<vmem>>, %arg11: memref<256x128xf32, #tpu.memory_space<vmem>>, %arg12: memref<128xf32, #tpu.memory_space<vmem>>, %arg13: memref<8192xf32, #tpu.memory_space<vmem>>, %arg14: memref<!tpu.dma_semaphore, #tpu.memory_space<semaphore_mem>>, %arg15: memref<!tpu.dma_semaphore, #tpu.memory_space<semaphore_mem>>) attributes {dimension_semantics = [#tpu.dimension_semantics<core_parallel>, #tpu.dimension_semantics<subcore_parallel>], iteration_bounds = array<i64: 2, 16>, scalar_prefetch = 0 : i64, scratch_operands = 9 : i64, tpu.core_type = #tpu.core_type<sc_vector_subcore>, window_params = [{transform_indices = #map}, {transform_indices = #map1}, {transform_indices = #map1}, {transform_indices = #map1}, {transform_indices = #map1}]} {
    %mul3A = arith.constant 2 : i32
    %mul3A_0 = arith.muli %arg1, %mul3A : i32
    %add3A = arith.addi %mul3A_0, %arg0 : i32
    %mul3A_1 = arith.constant 128 : i32
    %mul3A_2 = arith.muli %add3A, %mul3A_1 : i32
    "tpu.region"() ({
      %run_scoped3A = tpu.sem_alloc : memref<!tpu.dma_semaphore, #tpu.memory_space<semaphore_mem>>
      %dma_start3A = tpu.memref_slice %arg3[%mul3A_2] : memref<4096xi32, #tpu.memory_space<hbm>> -> memref<128xi32, #tpu.memory_space<hbm>>
      %dma_start3A_615 = tpu.memref_slice %arg3[%mul3A_2] : memref<4096xi32, #tpu.memory_space<hbm>> -> memref<128xi32, #tpu.memory_space<hbm>>
      tpu.enqueue_dma source(%dma_start3A_615 : memref<128xi32, #tpu.memory_space<hbm>>) target(%arg7 : memref<128xi32, #tpu.memory_space<vmem>>) target_semaphore(%run_scoped3A : memref<!tpu.dma_semaphore, #tpu.memory_space<semaphore_mem>>)
      %dma_wait3A_616 = tpu.memref_slice %arg3[%mul3A_2] : memref<4096xi32, #tpu.memory_space<hbm>> -> memref<128xi32, #tpu.memory_space<hbm>>
      %dma_wait3A_617 = tpu.memref_slice %arg3[%mul3A_2] : memref<4096xi32, #tpu.memory_space<hbm>> -> memref<128xi32, #tpu.memory_space<hbm>>
      tpu.wait_dma2 semaphore(%run_scoped3A : memref<!tpu.dma_semaphore, #tpu.memory_space<semaphore_mem>>) src(%dma_wait3A_617 : memref<128xi32, #tpu.memory_space<hbm>>) dst(%arg7 : memref<128xi32, #tpu.memory_space<vmem>>)
      tpu.yield
    }) : () -> ()
    %mul3A_3 = arith.constant 64 : i32
    %mul3A_4 = arith.muli %mul3A_2, %mul3A_3 : i32
    "tpu.region"() ({
      %run_scoped3A = tpu.sem_alloc : memref<!tpu.dma_semaphore, #tpu.memory_space<semaphore_mem>>
      %dma_start3A = tpu.memref_slice %arg4[%mul3A_4] : memref<262144xi32, #tpu.memory_space<hbm>> -> memref<8192xi32, #tpu.memory_space<hbm>>
      %dma_start3A_615 = tpu.memref_slice %arg4[%mul3A_4] : memref<262144xi32, #tpu.memory_space<hbm>> -> memref<8192xi32, #tpu.memory_space<hbm>>
      tpu.enqueue_dma source(%dma_start3A_615 : memref<8192xi32, #tpu.memory_space<hbm>>) target(%arg8 : memref<8192xi32, #tpu.memory_space<vmem>>) target_semaphore(%run_scoped3A : memref<!tpu.dma_semaphore, #tpu.memory_space<semaphore_mem>>)
      %dma_wait3A_616 = tpu.memref_slice %arg4[%mul3A_4] : memref<262144xi32, #tpu.memory_space<hbm>> -> memref<8192xi32, #tpu.memory_space<hbm>>
      %dma_wait3A_617 = tpu.memref_slice %arg4[%mul3A_4] : memref<262144xi32, #tpu.memory_space<hbm>> -> memref<8192xi32, #tpu.memory_space<hbm>>
      tpu.wait_dma2 semaphore(%run_scoped3A : memref<!tpu.dma_semaphore, #tpu.memory_space<semaphore_mem>>) src(%dma_wait3A_617 : memref<8192xi32, #tpu.memory_space<hbm>>) dst(%arg8 : memref<8192xi32, #tpu.memory_space<vmem>>)
      tpu.yield
    }) : () -> ()
    %iota3A = tpu.iota {dimensions = array<i32: 0>} : vector<16xi32>
    %add3A_5 = arith.constant 0 : i32
    %add3A_6 = arith.addi %mul3A_2, %add3A_5 : i32
    %shift_right_arithmetic3A = arith.constant 3 : i32
    %shift_right_arithmetic3A_7 = vector.broadcast %shift_right_arithmetic3A : i32 to vector<16xi32>
    %shift_right_arithmetic3A_8 = arith.shrsi %iota3A, %shift_right_arithmetic3A_7 : vector<16xi32>
    %add3A_9 = vector.broadcast %add3A_6 : i32 to vector<16xi32>
    %add3A_10 = arith.addi %add3A_9, %shift_right_arithmetic3A_8 : vector<16xi32>
    %swap3A = arith.constant 0 : index
    %swap3A_11 = tpu.vector_load %arg9[%swap3A] {strides = array<i32>} : memref<1024xi32, #tpu.memory_space<vmem>>, vector<16xi32>,
    tpu.vector_store %arg9[%swap3A], %add3A_10 {strides = array<i32>} : memref<1024xi32, #tpu.memory_space<vmem>>, vector<16xi32>,
    %add3A_12 = arith.constant 2 : i32
    %add3A_13 = arith.addi %mul3A_2, %add3A_12 : i32
    %shift_right_arithmetic3A_14 = arith.constant 3 : i32
    %shift_right_arithmetic3A_15 = vector.broadcast %shift_right_arithmetic3A_14 : i32 to vector<16xi32>
    %shift_right_arithmetic3A_16 = arith.shrsi %iota3A, %shift_right_arithmetic3A_15 : vector<16xi32>
    %add3A_17 = vector.broadcast %add3A_13 : i32 to vector<16xi32>
    %add3A_18 = arith.addi %add3A_17, %shift_right_arithmetic3A_16 : vector<16xi32>
    %swap3A_19 = arith.constant 16 : index
    %swap3A_20 = tpu.vector_load %arg9[%swap3A_19] {strides = array<i32>} : memref<1024xi32, #tpu.memory_space<vmem>>, vector<16xi32>,
    tpu.vector_store %arg9[%swap3A_19], %add3A_18 {strides = array<i32>} : memref<1024xi32, #tpu.memory_space<vmem>>, vector<16xi32>,
    %add3A_21 = arith.constant 4 : i32
    %add3A_22 = arith.addi %mul3A_2, %add3A_21 : i32
    %shift_right_arithmetic3A_23 = arith.constant 3 : i32
    %shift_right_arithmetic3A_24 = vector.broadcast %shift_right_arithmetic3A_23 : i32 to vector<16xi32>
    %shift_right_arithmetic3A_25 = arith.shrsi %iota3A, %shift_right_arithmetic3A_24 : vector<16xi32>
    %add3A_26 = vector.broadcast %add3A_22 : i32 to vector<16xi32>
    %add3A_27 = arith.addi %add3A_26, %shift_right_arithmetic3A_25 : vector<16xi32>
    %swap3A_28 = arith.constant 32 : index
    %swap3A_29 = tpu.vector_load %arg9[%swap3A_28] {strides = array<i32>} : memref<1024xi32, #tpu.memory_space<vmem>>, vector<16xi32>,
    tpu.vector_store %arg9[%swap3A_28], %add3A_27 {strides = array<i32>} : memref<1024xi32, #tpu.memory_space<vmem>>, vector<16xi32>,
    %add3A_30 = arith.constant 6 : i32
    %add3A_31 = arith.addi %mul3A_2, %add3A_30 : i32
    %shift_right_arithmetic3A_32 = arith.constant 3 : i32
    %shift_right_arithmetic3A_33 = vector.broadcast %shift_right_arithmetic3A_32 : i32 to vector<16xi32>
    %shift_right_arithmetic3A_34 = arith.shrsi %iota3A, %shift_right_arithmetic3A_33 : vector<16xi32>
    %add3A_35 = vector.broadcast %add3A_31 : i32 to vector<16xi32>
    %add3A_36 = arith.addi %add3A_35, %shift_right_arithmetic3A_34 : vector<16xi32>
    %swap3A_37 = arith.constant 48 : index
    %swap3A_38 = tpu.vector_load %arg9[%swap3A_37] {strides = array<i32>} : memref<1024xi32, #tpu.memory_space<vmem>>, vector<16xi32>,
    tpu.vector_store %arg9[%swap3A_37], %add3A_36 {strides = array<i32>} : memref<1024xi32, #tpu.memory_space<vmem>>, vector<16xi32>,
    %add3A_39 = arith.constant 8 : i32
    %add3A_40 = arith.addi %mul3A_2, %add3A_39 : i32
    %shift_right_arithmetic3A_41 = arith.constant 3 : i32
    %shift_right_arithmetic3A_42 = vector.broadcast %shift_right_arithmetic3A_41 : i32 to vector<16xi32>
    %shift_right_arithmetic3A_43 = arith.shrsi %iota3A, %shift_right_arithmetic3A_42 : vector<16xi32>
    %add3A_44 = vector.broadcast %add3A_40 : i32 to vector<16xi32>
    %add3A_45 = arith.addi %add3A_44, %shift_right_arithmetic3A_43 : vector<16xi32>
    %swap3A_46 = arith.constant 64 : index
    %swap3A_47 = tpu.vector_load %arg9[%swap3A_46] {strides = array<i32>} : memref<1024xi32, #tpu.memory_space<vmem>>, vector<16xi32>,
    tpu.vector_store %arg9[%swap3A_46], %add3A_45 {strides = array<i32>} : memref<1024xi32, #tpu.memory_space<vmem>>, vector<16xi32>,
    %add3A_48 = arith.constant 10 : i32
    %add3A_49 = arith.addi %mul3A_2, %add3A_48 : i32
    %shift_right_arithmetic3A_50 = arith.constant 3 : i32
    %shift_right_arithmetic3A_51 = vector.broadcast %shift_right_arithmetic3A_50 : i32 to vector<16xi32>
    %shift_right_arithmetic3A_52 = arith.shrsi %iota3A, %shift_right_arithmetic3A_51 : vector<16xi32>
    %add3A_53 = vector.broadcast %add3A_49 : i32 to vector<16xi32>
    %add3A_54 = arith.addi %add3A_53, %shift_right_arithmetic3A_52 : vector<16xi32>
    %swap3A_55 = arith.constant 80 : index
    %swap3A_56 = tpu.vector_load %arg9[%swap3A_55] {strides = array<i32>} : memref<1024xi32, #tpu.memory_space<vmem>>, vector<16xi32>,
    tpu.vector_store %arg9[%swap3A_55], %add3A_54 {strides = array<i32>} : memref<1024xi32, #tpu.memory_space<vmem>>, vector<16xi32>,
    %add3A_57 = arith.constant 12 : i32
    %add3A_58 = arith.addi %mul3A_2, %add3A_57 : i32
    %shift_right_arithmetic3A_59 = arith.constant 3 : i32
    %shift_right_arithmetic3A_60 = vector.broadcast %shift_right_arithmetic3A_59 : i32 to vector<16xi32>
    %shift_right_arithmetic3A_61 = arith.shrsi %iota3A, %shift_right_arithmetic3A_60 : vector<16xi32>
    %add3A_62 = vector.broadcast %add3A_58 : i32 to vector<16xi32>
    %add3A_63 = arith.addi %add3A_62, %shift_right_arithmetic3A_61 : vector<16xi32>
    %swap3A_64 = arith.constant 96 : index
    %swap3A_65 = tpu.vector_load %arg9[%swap3A_64] {strides = array<i32>} : memref<1024xi32, #tpu.memory_space<vmem>>, vector<16xi32>,
    tpu.vector_store %arg9[%swap3A_64], %add3A_63 {strides = array<i32>} : memref<1024xi32, #tpu.memory_space<vmem>>, vector<16xi32>,
    %add3A_66 = arith.constant 14 : i32
    %add3A_67 = arith.addi %mul3A_2, %add3A_66 : i32
    %shift_right_arithmetic3A_68 = arith.constant 3 : i32
    %shift_right_arithmetic3A_69 = vector.broadcast %shift_right_arithmetic3A_68 : i32 to vector<16xi32>
    %shift_right_arithmetic3A_70 = arith.shrsi %iota3A, %shift_right_arithmetic3A_69 : vector<16xi32>
    %add3A_71 = vector.broadcast %add3A_67 : i32 to vector<16xi32>
    %add3A_72 = arith.addi %add3A_71, %shift_right_arithmetic3A_70 : vector<16xi32>
    %swap3A_73 = arith.constant 112 : index
    %swap3A_74 = tpu.vector_load %arg9[%swap3A_73] {strides = array<i32>} : memref<1024xi32, #tpu.memory_space<vmem>>, vector<16xi32>,
    tpu.vector_store %arg9[%swap3A_73], %add3A_72 {strides = array<i32>} : memref<1024xi32, #tpu.memory_space<vmem>>, vector<16xi32>,
    %add3A_75 = arith.constant 16 : i32
    %add3A_76 = arith.addi %mul3A_2, %add3A_75 : i32
    %shift_right_arithmetic3A_77 = arith.constant 3 : i32
    %shift_right_arithmetic3A_78 = vector.broadcast %shift_right_arithmetic3A_77 : i32 to vector<16xi32>
    %shift_right_arithmetic3A_79 = arith.shrsi %iota3A, %shift_right_arithmetic3A_78 : vector<16xi32>
    %add3A_80 = vector.broadcast %add3A_76 : i32 to vector<16xi32>
    %add3A_81 = arith.addi %add3A_80, %shift_right_arithmetic3A_79 : vector<16xi32>
    %swap3A_82 = arith.constant 128 : index
    %swap3A_83 = tpu.vector_load %arg9[%swap3A_82] {strides = array<i32>} : memref<1024xi32, #tpu.memory_space<vmem>>, vector<16xi32>,
    tpu.vector_store %arg9[%swap3A_82], %add3A_81 {strides = array<i32>} : memref<1024xi32, #tpu.memory_space<vmem>>, vector<16xi32>,
    %add3A_84 = arith.constant 18 : i32
    %add3A_85 = arith.addi %mul3A_2, %add3A_84 : i32
    %shift_right_arithmetic3A_86 = arith.constant 3 : i32
    %shift_right_arithmetic3A_87 = vector.broadcast %shift_right_arithmetic3A_86 : i32 to vector<16xi32>
    %shift_right_arithmetic3A_88 = arith.shrsi %iota3A, %shift_right_arithmetic3A_87 : vector<16xi32>
    %add3A_89 = vector.broadcast %add3A_85 : i32 to vector<16xi32>
    %add3A_90 = arith.addi %add3A_89, %shift_right_arithmetic3A_88 : vector<16xi32>
    %swap3A_91 = arith.constant 144 : index
    %swap3A_92 = tpu.vector_load %arg9[%swap3A_91] {strides = array<i32>} : memref<1024xi32, #tpu.memory_space<vmem>>, vector<16xi32>,
    tpu.vector_store %arg9[%swap3A_91], %add3A_90 {strides = array<i32>} : memref<1024xi32, #tpu.memory_space<vmem>>, vector<16xi32>,
    %add3A_93 = arith.constant 20 : i32
    %add3A_94 = arith.addi %mul3A_2, %add3A_93 : i32
    %shift_right_arithmetic3A_95 = arith.constant 3 : i32
    %shift_right_arithmetic3A_96 = vector.broadcast %shift_right_arithmetic3A_95 : i32 to vector<16xi32>
    %shift_right_arithmetic3A_97 = arith.shrsi %iota3A, %shift_right_arithmetic3A_96 : vector<16xi32>
    %add3A_98 = vector.broadcast %add3A_94 : i32 to vector<16xi32>
    %add3A_99 = arith.addi %add3A_98, %shift_right_arithmetic3A_97 : vector<16xi32>
    %swap3A_100 = arith.constant 160 : index
    %swap3A_101 = tpu.vector_load %arg9[%swap3A_100] {strides = array<i32>} : memref<1024xi32, #tpu.memory_space<vmem>>, vector<16xi32>,
    tpu.vector_store %arg9[%swap3A_100], %add3A_99 {strides = array<i32>} : memref<1024xi32, #tpu.memory_space<vmem>>, vector<16xi32>,
    %add3A_102 = arith.constant 22 : i32
    %add3A_103 = arith.addi %mul3A_2, %add3A_102 : i32
    %shift_right_arithmetic3A_104 = arith.constant 3 : i32
    %shift_right_arithmetic3A_105 = vector.broadcast %shift_right_arithmetic3A_104 : i32 to vector<16xi32>
    %shift_right_arithmetic3A_106 = arith.shrsi %iota3A, %shift_right_arithmetic3A_105 : vector<16xi32>
    %add3A_107 = vector.broadcast %add3A_103 : i32 to vector<16xi32>
    %add3A_108 = arith.addi %add3A_107, %shift_right_arithmetic3A_106 : vector<16xi32>
    %swap3A_109 = arith.constant 176 : index
    %swap3A_110 = tpu.vector_load %arg9[%swap3A_109] {strides = array<i32>} : memref<1024xi32, #tpu.memory_space<vmem>>, vector<16xi32>,
    tpu.vector_store %arg9[%swap3A_109], %add3A_108 {strides = array<i32>} : memref<1024xi32, #tpu.memory_space<vmem>>, vector<16xi32>,
    %add3A_111 = arith.constant 24 : i32
    %add3A_112 = arith.addi %mul3A_2, %add3A_111 : i32
    %shift_right_arithmetic3A_113 = arith.constant 3 : i32
    %shift_right_arithmetic3A_114 = vector.broadcast %shift_right_arithmetic3A_113 : i32 to vector<16xi32>
    %shift_right_arithmetic3A_115 = arith.shrsi %iota3A, %shift_right_arithmetic3A_114 : vector<16xi32>
    %add3A_116 = vector.broadcast %add3A_112 : i32 to vector<16xi32>
    %add3A_117 = arith.addi %add3A_116, %shift_right_arithmetic3A_115 : vector<16xi32>
    %swap3A_118 = arith.constant 192 : index
    %swap3A_119 = tpu.vector_load %arg9[%swap3A_118] {strides = array<i32>} : memref<1024xi32, #tpu.memory_space<vmem>>, vector<16xi32>,
    tpu.vector_store %arg9[%swap3A_118], %add3A_117 {strides = array<i32>} : memref<1024xi32, #tpu.memory_space<vmem>>, vector<16xi32>,
    %add3A_120 = arith.constant 26 : i32
    %add3A_121 = arith.addi %mul3A_2, %add3A_120 : i32
    %shift_right_arithmetic3A_122 = arith.constant 3 : i32
    %shift_right_arithmetic3A_123 = vector.broadcast %shift_right_arithmetic3A_122 : i32 to vector<16xi32>
    %shift_right_arithmetic3A_124 = arith.shrsi %iota3A, %shift_right_arithmetic3A_123 : vector<16xi32>
    %add3A_125 = vector.broadcast %add3A_121 : i32 to vector<16xi32>
    %add3A_126 = arith.addi %add3A_125, %shift_right_arithmetic3A_124 : vector<16xi32>
    %swap3A_127 = arith.constant 208 : index
    %swap3A_128 = tpu.vector_load %arg9[%swap3A_127] {strides = array<i32>} : memref<1024xi32, #tpu.memory_space<vmem>>, vector<16xi32>,
    tpu.vector_store %arg9[%swap3A_127], %add3A_126 {strides = array<i32>} : memref<1024xi32, #tpu.memory_space<vmem>>, vector<16xi32>,
    %add3A_129 = arith.constant 28 : i32
    %add3A_130 = arith.addi %mul3A_2, %add3A_129 : i32
    %shift_right_arithmetic3A_131 = arith.constant 3 : i32
    %shift_right_arithmetic3A_132 = vector.broadcast %shift_right_arithmetic3A_131 : i32 to vector<16xi32>
    %shift_right_arithmetic3A_133 = arith.shrsi %iota3A, %shift_right_arithmetic3A_132 : vector<16xi32>
    %add3A_134 = vector.broadcast %add3A_130 : i32 to vector<16xi32>
    %add3A_135 = arith.addi %add3A_134, %shift_right_arithmetic3A_133 : vector<16xi32>
    %swap3A_136 = arith.constant 224 : index
    %swap3A_137 = tpu.vector_load %arg9[%swap3A_136] {strides = array<i32>} : memref<1024xi32, #tpu.memory_space<vmem>>, vector<16xi32>,
    tpu.vector_store %arg9[%swap3A_136], %add3A_135 {strides = array<i32>} : memref<1024xi32, #tpu.memory_space<vmem>>, vector<16xi32>,
    %add3A_138 = arith.constant 30 : i32
    %add3A_139 = arith.addi %mul3A_2, %add3A_138 : i32
    %shift_right_arithmetic3A_140 = arith.constant 3 : i32
    %shift_right_arithmetic3A_141 = vector.broadcast %shift_right_arithmetic3A_140 : i32 to vector<16xi32>
    %shift_right_arithmetic3A_142 = arith.shrsi %iota3A, %shift_right_arithmetic3A_141 : vector<16xi32>
    %add3A_143 = vector.broadcast %add3A_139 : i32 to vector<16xi32>
    %add3A_144 = arith.addi %add3A_143, %shift_right_arithmetic3A_142 : vector<16xi32>
    %swap3A_145 = arith.constant 240 : index
    %swap3A_146 = tpu.vector_load %arg9[%swap3A_145] {strides = array<i32>} : memref<1024xi32, #tpu.memory_space<vmem>>, vector<16xi32>,
    tpu.vector_store %arg9[%swap3A_145], %add3A_144 {strides = array<i32>} : memref<1024xi32, #tpu.memory_space<vmem>>, vector<16xi32>,
    %add3A_147 = arith.constant 32 : i32
    %add3A_148 = arith.addi %mul3A_2, %add3A_147 : i32
    %shift_right_arithmetic3A_149 = arith.constant 3 : i32
    %shift_right_arithmetic3A_150 = vector.broadcast %shift_right_arithmetic3A_149 : i32 to vector<16xi32>
    %shift_right_arithmetic3A_151 = arith.shrsi %iota3A, %shift_right_arithmetic3A_150 : vector<16xi32>
    %add3A_152 = vector.broadcast %add3A_148 : i32 to vector<16xi32>
    %add3A_153 = arith.addi %add3A_152, %shift_right_arithmetic3A_151 : vector<16xi32>
    %swap3A_154 = arith.constant 256 : index
    %swap3A_155 = tpu.vector_load %arg9[%swap3A_154] {strides = array<i32>} : memref<1024xi32, #tpu.memory_space<vmem>>, vector<16xi32>,
    tpu.vector_store %arg9[%swap3A_154], %add3A_153 {strides = array<i32>} : memref<1024xi32, #tpu.memory_space<vmem>>, vector<16xi32>,
    %add3A_156 = arith.constant 34 : i32
    %add3A_157 = arith.addi %mul3A_2, %add3A_156 : i32
    %shift_right_arithmetic3A_158 = arith.constant 3 : i32
    %shift_right_arithmetic3A_159 = vector.broadcast %shift_right_arithmetic3A_158 : i32 to vector<16xi32>
    %shift_right_arithmetic3A_160 = arith.shrsi %iota3A, %shift_right_arithmetic3A_159 : vector<16xi32>
    %add3A_161 = vector.broadcast %add3A_157 : i32 to vector<16xi32>
    %add3A_162 = arith.addi %add3A_161, %shift_right_arithmetic3A_160 : vector<16xi32>
    %swap3A_163 = arith.constant 272 : index
    %swap3A_164 = tpu.vector_load %arg9[%swap3A_163] {strides = array<i32>} : memref<1024xi32, #tpu.memory_space<vmem>>, vector<16xi32>,
    tpu.vector_store %arg9[%swap3A_163], %add3A_162 {strides = array<i32>} : memref<1024xi32, #tpu.memory_space<vmem>>, vector<16xi32>,
    %add3A_165 = arith.constant 36 : i32
    %add3A_166 = arith.addi %mul3A_2, %add3A_165 : i32
    %shift_right_arithmetic3A_167 = arith.constant 3 : i32
    %shift_right_arithmetic3A_168 = vector.broadcast %shift_right_arithmetic3A_167 : i32 to vector<16xi32>
    %shift_right_arithmetic3A_169 = arith.shrsi %iota3A, %shift_right_arithmetic3A_168 : vector<16xi32>
    %add3A_170 = vector.broadcast %add3A_166 : i32 to vector<16xi32>
    %add3A_171 = arith.addi %add3A_170, %shift_right_arithmetic3A_169 : vector<16xi32>
    %swap3A_172 = arith.constant 288 : index
    %swap3A_173 = tpu.vector_load %arg9[%swap3A_172] {strides = array<i32>} : memref<1024xi32, #tpu.memory_space<vmem>>, vector<16xi32>,
    tpu.vector_store %arg9[%swap3A_172], %add3A_171 {strides = array<i32>} : memref<1024xi32, #tpu.memory_space<vmem>>, vector<16xi32>,
    %add3A_174 = arith.constant 38 : i32
    %add3A_175 = arith.addi %mul3A_2, %add3A_174 : i32
    %shift_right_arithmetic3A_176 = arith.constant 3 : i32
    %shift_right_arithmetic3A_177 = vector.broadcast %shift_right_arithmetic3A_176 : i32 to vector<16xi32>
    %shift_right_arithmetic3A_178 = arith.shrsi %iota3A, %shift_right_arithmetic3A_177 : vector<16xi32>
    %add3A_179 = vector.broadcast %add3A_175 : i32 to vector<16xi32>
    %add3A_180 = arith.addi %add3A_179, %shift_right_arithmetic3A_178 : vector<16xi32>
    %swap3A_181 = arith.constant 304 : index
    %swap3A_182 = tpu.vector_load %arg9[%swap3A_181] {strides = array<i32>} : memref<1024xi32, #tpu.memory_space<vmem>>, vector<16xi32>,
    tpu.vector_store %arg9[%swap3A_181], %add3A_180 {strides = array<i32>} : memref<1024xi32, #tpu.memory_space<vmem>>, vector<16xi32>,
    %add3A_183 = arith.constant 40 : i32
    %add3A_184 = arith.addi %mul3A_2, %add3A_183 : i32
    %shift_right_arithmetic3A_185 = arith.constant 3 : i32
    %shift_right_arithmetic3A_186 = vector.broadcast %shift_right_arithmetic3A_185 : i32 to vector<16xi32>
    %shift_right_arithmetic3A_187 = arith.shrsi %iota3A, %shift_right_arithmetic3A_186 : vector<16xi32>
    %add3A_188 = vector.broadcast %add3A_184 : i32 to vector<16xi32>
    %add3A_189 = arith.addi %add3A_188, %shift_right_arithmetic3A_187 : vector<16xi32>
    %swap3A_190 = arith.constant 320 : index
    %swap3A_191 = tpu.vector_load %arg9[%swap3A_190] {strides = array<i32>} : memref<1024xi32, #tpu.memory_space<vmem>>, vector<16xi32>,
    tpu.vector_store %arg9[%swap3A_190], %add3A_189 {strides = array<i32>} : memref<1024xi32, #tpu.memory_space<vmem>>, vector<16xi32>,
    %add3A_192 = arith.constant 42 : i32
    %add3A_193 = arith.addi %mul3A_2, %add3A_192 : i32
    %shift_right_arithmetic3A_194 = arith.constant 3 : i32
    %shift_right_arithmetic3A_195 = vector.broadcast %shift_right_arithmetic3A_194 : i32 to vector<16xi32>
    %shift_right_arithmetic3A_196 = arith.shrsi %iota3A, %shift_right_arithmetic3A_195 : vector<16xi32>
    %add3A_197 = vector.broadcast %add3A_193 : i32 to vector<16xi32>
    %add3A_198 = arith.addi %add3A_197, %shift_right_arithmetic3A_196 : vector<16xi32>
    %swap3A_199 = arith.constant 336 : index
    %swap3A_200 = tpu.vector_load %arg9[%swap3A_199] {strides = array<i32>} : memref<1024xi32, #tpu.memory_space<vmem>>, vector<16xi32>,
    tpu.vector_store %arg9[%swap3A_199], %add3A_198 {strides = array<i32>} : memref<1024xi32, #tpu.memory_space<vmem>>, vector<16xi32>,
    %add3A_201 = arith.constant 44 : i32
    %add3A_202 = arith.addi %mul3A_2, %add3A_201 : i32
    %shift_right_arithmetic3A_203 = arith.constant 3 : i32
    %shift_right_arithmetic3A_204 = vector.broadcast %shift_right_arithmetic3A_203 : i32 to vector<16xi32>
    %shift_right_arithmetic3A_205 = arith.shrsi %iota3A, %shift_right_arithmetic3A_204 : vector<16xi32>
    %add3A_206 = vector.broadcast %add3A_202 : i32 to vector<16xi32>
    %add3A_207 = arith.addi %add3A_206, %shift_right_arithmetic3A_205 : vector<16xi32>
    %swap3A_208 = arith.constant 352 : index
    %swap3A_209 = tpu.vector_load %arg9[%swap3A_208] {strides = array<i32>} : memref<1024xi32, #tpu.memory_space<vmem>>, vector<16xi32>,
    tpu.vector_store %arg9[%swap3A_208], %add3A_207 {strides = array<i32>} : memref<1024xi32, #tpu.memory_space<vmem>>, vector<16xi32>,
    %add3A_210 = arith.constant 46 : i32
    %add3A_211 = arith.addi %mul3A_2, %add3A_210 : i32
    %shift_right_arithmetic3A_212 = arith.constant 3 : i32
    %shift_right_arithmetic3A_213 = vector.broadcast %shift_right_arithmetic3A_212 : i32 to vector<16xi32>
    %shift_right_arithmetic3A_214 = arith.shrsi %iota3A, %shift_right_arithmetic3A_213 : vector<16xi32>
    %add3A_215 = vector.broadcast %add3A_211 : i32 to vector<16xi32>
    %add3A_216 = arith.addi %add3A_215, %shift_right_arithmetic3A_214 : vector<16xi32>
    %swap3A_217 = arith.constant 368 : index
    %swap3A_218 = tpu.vector_load %arg9[%swap3A_217] {strides = array<i32>} : memref<1024xi32, #tpu.memory_space<vmem>>, vector<16xi32>,
    tpu.vector_store %arg9[%swap3A_217], %add3A_216 {strides = array<i32>} : memref<1024xi32, #tpu.memory_space<vmem>>, vector<16xi32>,
    %add3A_219 = arith.constant 48 : i32
    %add3A_220 = arith.addi %mul3A_2, %add3A_219 : i32
    %shift_right_arithmetic3A_221 = arith.constant 3 : i32
    %shift_right_arithmetic3A_222 = vector.broadcast %shift_right_arithmetic3A_221 : i32 to vector<16xi32>
    %shift_right_arithmetic3A_223 = arith.shrsi %iota3A, %shift_right_arithmetic3A_222 : vector<16xi32>
    %add3A_224 = vector.broadcast %add3A_220 : i32 to vector<16xi32>
    %add3A_225 = arith.addi %add3A_224, %shift_right_arithmetic3A_223 : vector<16xi32>
    %swap3A_226 = arith.constant 384 : index
    %swap3A_227 = tpu.vector_load %arg9[%swap3A_226] {strides = array<i32>} : memref<1024xi32, #tpu.memory_space<vmem>>, vector<16xi32>,
    tpu.vector_store %arg9[%swap3A_226], %add3A_225 {strides = array<i32>} : memref<1024xi32, #tpu.memory_space<vmem>>, vector<16xi32>,
    %add3A_228 = arith.constant 50 : i32
    %add3A_229 = arith.addi %mul3A_2, %add3A_228 : i32
    %shift_right_arithmetic3A_230 = arith.constant 3 : i32
    %shift_right_arithmetic3A_231 = vector.broadcast %shift_right_arithmetic3A_230 : i32 to vector<16xi32>
    %shift_right_arithmetic3A_232 = arith.shrsi %iota3A, %shift_right_arithmetic3A_231 : vector<16xi32>
    %add3A_233 = vector.broadcast %add3A_229 : i32 to vector<16xi32>
    %add3A_234 = arith.addi %add3A_233, %shift_right_arithmetic3A_232 : vector<16xi32>
    %swap3A_235 = arith.constant 400 : index
    %swap3A_236 = tpu.vector_load %arg9[%swap3A_235] {strides = array<i32>} : memref<1024xi32, #tpu.memory_space<vmem>>, vector<16xi32>,
    tpu.vector_store %arg9[%swap3A_235], %add3A_234 {strides = array<i32>} : memref<1024xi32, #tpu.memory_space<vmem>>, vector<16xi32>,
    %add3A_237 = arith.constant 52 : i32
    %add3A_238 = arith.addi %mul3A_2, %add3A_237 : i32
    %shift_right_arithmetic3A_239 = arith.constant 3 : i32
    %shift_right_arithmetic3A_240 = vector.broadcast %shift_right_arithmetic3A_239 : i32 to vector<16xi32>
    %shift_right_arithmetic3A_241 = arith.shrsi %iota3A, %shift_right_arithmetic3A_240 : vector<16xi32>
    %add3A_242 = vector.broadcast %add3A_238 : i32 to vector<16xi32>
    %add3A_243 = arith.addi %add3A_242, %shift_right_arithmetic3A_241 : vector<16xi32>
    %swap3A_244 = arith.constant 416 : index
    %swap3A_245 = tpu.vector_load %arg9[%swap3A_244] {strides = array<i32>} : memref<1024xi32, #tpu.memory_space<vmem>>, vector<16xi32>,
    tpu.vector_store %arg9[%swap3A_244], %add3A_243 {strides = array<i32>} : memref<1024xi32, #tpu.memory_space<vmem>>, vector<16xi32>,
    %add3A_246 = arith.constant 54 : i32
    %add3A_247 = arith.addi %mul3A_2, %add3A_246 : i32
    %shift_right_arithmetic3A_248 = arith.constant 3 : i32
    %shift_right_arithmetic3A_249 = vector.broadcast %shift_right_arithmetic3A_248 : i32 to vector<16xi32>
    %shift_right_arithmetic3A_250 = arith.shrsi %iota3A, %shift_right_arithmetic3A_249 : vector<16xi32>
    %add3A_251 = vector.broadcast %add3A_247 : i32 to vector<16xi32>
    %add3A_252 = arith.addi %add3A_251, %shift_right_arithmetic3A_250 : vector<16xi32>
    %swap3A_253 = arith.constant 432 : index
    %swap3A_254 = tpu.vector_load %arg9[%swap3A_253] {strides = array<i32>} : memref<1024xi32, #tpu.memory_space<vmem>>, vector<16xi32>,
    tpu.vector_store %arg9[%swap3A_253], %add3A_252 {strides = array<i32>} : memref<1024xi32, #tpu.memory_space<vmem>>, vector<16xi32>,
    %add3A_255 = arith.constant 56 : i32
    %add3A_256 = arith.addi %mul3A_2, %add3A_255 : i32
    %shift_right_arithmetic3A_257 = arith.constant 3 : i32
    %shift_right_arithmetic3A_258 = vector.broadcast %shift_right_arithmetic3A_257 : i32 to vector<16xi32>
    %shift_right_arithmetic3A_259 = arith.shrsi %iota3A, %shift_right_arithmetic3A_258 : vector<16xi32>
    %add3A_260 = vector.broadcast %add3A_256 : i32 to vector<16xi32>
    %add3A_261 = arith.addi %add3A_260, %shift_right_arithmetic3A_259 : vector<16xi32>
    %swap3A_262 = arith.constant 448 : index
    %swap3A_263 = tpu.vector_load %arg9[%swap3A_262] {strides = array<i32>} : memref<1024xi32, #tpu.memory_space<vmem>>, vector<16xi32>,
    tpu.vector_store %arg9[%swap3A_262], %add3A_261 {strides = array<i32>} : memref<1024xi32, #tpu.memory_space<vmem>>, vector<16xi32>,
    %add3A_264 = arith.constant 58 : i32
    %add3A_265 = arith.addi %mul3A_2, %add3A_264 : i32
    %shift_right_arithmetic3A_266 = arith.constant 3 : i32
    %shift_right_arithmetic3A_267 = vector.broadcast %shift_right_arithmetic3A_266 : i32 to vector<16xi32>
    %shift_right_arithmetic3A_268 = arith.shrsi %iota3A, %shift_right_arithmetic3A_267 : vector<16xi32>
    %add3A_269 = vector.broadcast %add3A_265 : i32 to vector<16xi32>
    %add3A_270 = arith.addi %add3A_269, %shift_right_arithmetic3A_268 : vector<16xi32>
    %swap3A_271 = arith.constant 464 : index
    %swap3A_272 = tpu.vector_load %arg9[%swap3A_271] {strides = array<i32>} : memref<1024xi32, #tpu.memory_space<vmem>>, vector<16xi32>,
    tpu.vector_store %arg9[%swap3A_271], %add3A_270 {strides = array<i32>} : memref<1024xi32, #tpu.memory_space<vmem>>, vector<16xi32>,
    %add3A_273 = arith.constant 60 : i32
    %add3A_274 = arith.addi %mul3A_2, %add3A_273 : i32
    %shift_right_arithmetic3A_275 = arith.constant 3 : i32
    %shift_right_arithmetic3A_276 = vector.broadcast %shift_right_arithmetic3A_275 : i32 to vector<16xi32>
    %shift_right_arithmetic3A_277 = arith.shrsi %iota3A, %shift_right_arithmetic3A_276 : vector<16xi32>
    %add3A_278 = vector.broadcast %add3A_274 : i32 to vector<16xi32>
    %add3A_279 = arith.addi %add3A_278, %shift_right_arithmetic3A_277 : vector<16xi32>
    %swap3A_280 = arith.constant 480 : index
    %swap3A_281 = tpu.vector_load %arg9[%swap3A_280] {strides = array<i32>} : memref<1024xi32, #tpu.memory_space<vmem>>, vector<16xi32>,
    tpu.vector_store %arg9[%swap3A_280], %add3A_279 {strides = array<i32>} : memref<1024xi32, #tpu.memory_space<vmem>>, vector<16xi32>,
    %add3A_282 = arith.constant 62 : i32
    %add3A_283 = arith.addi %mul3A_2, %add3A_282 : i32
    %shift_right_arithmetic3A_284 = arith.constant 3 : i32
    %shift_right_arithmetic3A_285 = vector.broadcast %shift_right_arithmetic3A_284 : i32 to vector<16xi32>
    %shift_right_arithmetic3A_286 = arith.shrsi %iota3A, %shift_right_arithmetic3A_285 : vector<16xi32>
    %add3A_287 = vector.broadcast %add3A_283 : i32 to vector<16xi32>
    %add3A_288 = arith.addi %add3A_287, %shift_right_arithmetic3A_286 : vector<16xi32>
    %swap3A_289 = arith.constant 496 : index
    %swap3A_290 = tpu.vector_load %arg9[%swap3A_289] {strides = array<i32>} : memref<1024xi32, #tpu.memory_space<vmem>>, vector<16xi32>,
    tpu.vector_store %arg9[%swap3A_289], %add3A_288 {strides = array<i32>} : memref<1024xi32, #tpu.memory_space<vmem>>, vector<16xi32>,
    %add3A_291 = arith.constant 64 : i32
    %add3A_292 = arith.addi %mul3A_2, %add3A_291 : i32
    %shift_right_arithmetic3A_293 = arith.constant 3 : i32
    %shift_right_arithmetic3A_294 = vector.broadcast %shift_right_arithmetic3A_293 : i32 to vector<16xi32>
    %shift_right_arithmetic3A_295 = arith.shrsi %iota3A, %shift_right_arithmetic3A_294 : vector<16xi32>
    %add3A_296 = vector.broadcast %add3A_292 : i32 to vector<16xi32>
    %add3A_297 = arith.addi %add3A_296, %shift_right_arithmetic3A_295 : vector<16xi32>
    %swap3A_298 = arith.constant 512 : index
    %swap3A_299 = tpu.vector_load %arg9[%swap3A_298] {strides = array<i32>} : memref<1024xi32, #tpu.memory_space<vmem>>, vector<16xi32>,
    tpu.vector_store %arg9[%swap3A_298], %add3A_297 {strides = array<i32>} : memref<1024xi32, #tpu.memory_space<vmem>>, vector<16xi32>,
    %add3A_300 = arith.constant 66 : i32
    %add3A_301 = arith.addi %mul3A_2, %add3A_300 : i32
    %shift_right_arithmetic3A_302 = arith.constant 3 : i32
    %shift_right_arithmetic3A_303 = vector.broadcast %shift_right_arithmetic3A_302 : i32 to vector<16xi32>
    %shift_right_arithmetic3A_304 = arith.shrsi %iota3A, %shift_right_arithmetic3A_303 : vector<16xi32>
    %add3A_305 = vector.broadcast %add3A_301 : i32 to vector<16xi32>
    %add3A_306 = arith.addi %add3A_305, %shift_right_arithmetic3A_304 : vector<16xi32>
    %swap3A_307 = arith.constant 528 : index
    %swap3A_308 = tpu.vector_load %arg9[%swap3A_307] {strides = array<i32>} : memref<1024xi32, #tpu.memory_space<vmem>>, vector<16xi32>,
    tpu.vector_store %arg9[%swap3A_307], %add3A_306 {strides = array<i32>} : memref<1024xi32, #tpu.memory_space<vmem>>, vector<16xi32>,
    %add3A_309 = arith.constant 68 : i32
    %add3A_310 = arith.addi %mul3A_2, %add3A_309 : i32
    %shift_right_arithmetic3A_311 = arith.constant 3 : i32
    %shift_right_arithmetic3A_312 = vector.broadcast %shift_right_arithmetic3A_311 : i32 to vector<16xi32>
    %shift_right_arithmetic3A_313 = arith.shrsi %iota3A, %shift_right_arithmetic3A_312 : vector<16xi32>
    %add3A_314 = vector.broadcast %add3A_310 : i32 to vector<16xi32>
    %add3A_315 = arith.addi %add3A_314, %shift_right_arithmetic3A_313 : vector<16xi32>
    %swap3A_316 = arith.constant 544 : index
    %swap3A_317 = tpu.vector_load %arg9[%swap3A_316] {strides = array<i32>} : memref<1024xi32, #tpu.memory_space<vmem>>, vector<16xi32>,
    tpu.vector_store %arg9[%swap3A_316], %add3A_315 {strides = array<i32>} : memref<1024xi32, #tpu.memory_space<vmem>>, vector<16xi32>,
    %add3A_318 = arith.constant 70 : i32
    %add3A_319 = arith.addi %mul3A_2, %add3A_318 : i32
    %shift_right_arithmetic3A_320 = arith.constant 3 : i32
    %shift_right_arithmetic3A_321 = vector.broadcast %shift_right_arithmetic3A_320 : i32 to vector<16xi32>
    %shift_right_arithmetic3A_322 = arith.shrsi %iota3A, %shift_right_arithmetic3A_321 : vector<16xi32>
    %add3A_323 = vector.broadcast %add3A_319 : i32 to vector<16xi32>
    %add3A_324 = arith.addi %add3A_323, %shift_right_arithmetic3A_322 : vector<16xi32>
    %swap3A_325 = arith.constant 560 : index
    %swap3A_326 = tpu.vector_load %arg9[%swap3A_325] {strides = array<i32>} : memref<1024xi32, #tpu.memory_space<vmem>>, vector<16xi32>,
    tpu.vector_store %arg9[%swap3A_325], %add3A_324 {strides = array<i32>} : memref<1024xi32, #tpu.memory_space<vmem>>, vector<16xi32>,
    %add3A_327 = arith.constant 72 : i32
    %add3A_328 = arith.addi %mul3A_2, %add3A_327 : i32
    %shift_right_arithmetic3A_329 = arith.constant 3 : i32
    %shift_right_arithmetic3A_330 = vector.broadcast %shift_right_arithmetic3A_329 : i32 to vector<16xi32>
    %shift_right_arithmetic3A_331 = arith.shrsi %iota3A, %shift_right_arithmetic3A_330 : vector<16xi32>
    %add3A_332 = vector.broadcast %add3A_328 : i32 to vector<16xi32>
    %add3A_333 = arith.addi %add3A_332, %shift_right_arithmetic3A_331 : vector<16xi32>
    %swap3A_334 = arith.constant 576 : index
    %swap3A_335 = tpu.vector_load %arg9[%swap3A_334] {strides = array<i32>} : memref<1024xi32, #tpu.memory_space<vmem>>, vector<16xi32>,
    tpu.vector_store %arg9[%swap3A_334], %add3A_333 {strides = array<i32>} : memref<1024xi32, #tpu.memory_space<vmem>>, vector<16xi32>,
    %add3A_336 = arith.constant 74 : i32
    %add3A_337 = arith.addi %mul3A_2, %add3A_336 : i32
    %shift_right_arithmetic3A_338 = arith.constant 3 : i32
    %shift_right_arithmetic3A_339 = vector.broadcast %shift_right_arithmetic3A_338 : i32 to vector<16xi32>
    %shift_right_arithmetic3A_340 = arith.shrsi %iota3A, %shift_right_arithmetic3A_339 : vector<16xi32>
    %add3A_341 = vector.broadcast %add3A_337 : i32 to vector<16xi32>
    %add3A_342 = arith.addi %add3A_341, %shift_right_arithmetic3A_340 : vector<16xi32>
    %swap3A_343 = arith.constant 592 : index
    %swap3A_344 = tpu.vector_load %arg9[%swap3A_343] {strides = array<i32>} : memref<1024xi32, #tpu.memory_space<vmem>>, vector<16xi32>,
    tpu.vector_store %arg9[%swap3A_343], %add3A_342 {strides = array<i32>} : memref<1024xi32, #tpu.memory_space<vmem>>, vector<16xi32>,
    %add3A_345 = arith.constant 76 : i32
    %add3A_346 = arith.addi %mul3A_2, %add3A_345 : i32
    %shift_right_arithmetic3A_347 = arith.constant 3 : i32
    %shift_right_arithmetic3A_348 = vector.broadcast %shift_right_arithmetic3A_347 : i32 to vector<16xi32>
    %shift_right_arithmetic3A_349 = arith.shrsi %iota3A, %shift_right_arithmetic3A_348 : vector<16xi32>
    %add3A_350 = vector.broadcast %add3A_346 : i32 to vector<16xi32>
    %add3A_351 = arith.addi %add3A_350, %shift_right_arithmetic3A_349 : vector<16xi32>
    %swap3A_352 = arith.constant 608 : index
    %swap3A_353 = tpu.vector_load %arg9[%swap3A_352] {strides = array<i32>} : memref<1024xi32, #tpu.memory_space<vmem>>, vector<16xi32>,
    tpu.vector_store %arg9[%swap3A_352], %add3A_351 {strides = array<i32>} : memref<1024xi32, #tpu.memory_space<vmem>>, vector<16xi32>,
    %add3A_354 = arith.constant 78 : i32
    %add3A_355 = arith.addi %mul3A_2, %add3A_354 : i32
    %shift_right_arithmetic3A_356 = arith.constant 3 : i32
    %shift_right_arithmetic3A_357 = vector.broadcast %shift_right_arithmetic3A_356 : i32 to vector<16xi32>
    %shift_right_arithmetic3A_358 = arith.shrsi %iota3A, %shift_right_arithmetic3A_357 : vector<16xi32>
    %add3A_359 = vector.broadcast %add3A_355 : i32 to vector<16xi32>
    %add3A_360 = arith.addi %add3A_359, %shift_right_arithmetic3A_358 : vector<16xi32>
    %swap3A_361 = arith.constant 624 : index
    %swap3A_362 = tpu.vector_load %arg9[%swap3A_361] {strides = array<i32>} : memref<1024xi32, #tpu.memory_space<vmem>>, vector<16xi32>,
    tpu.vector_store %arg9[%swap3A_361], %add3A_360 {strides = array<i32>} : memref<1024xi32, #tpu.memory_space<vmem>>, vector<16xi32>,
    %add3A_363 = arith.constant 80 : i32
    %add3A_364 = arith.addi %mul3A_2, %add3A_363 : i32
    %shift_right_arithmetic3A_365 = arith.constant 3 : i32
    %shift_right_arithmetic3A_366 = vector.broadcast %shift_right_arithmetic3A_365 : i32 to vector<16xi32>
    %shift_right_arithmetic3A_367 = arith.shrsi %iota3A, %shift_right_arithmetic3A_366 : vector<16xi32>
    %add3A_368 = vector.broadcast %add3A_364 : i32 to vector<16xi32>
    %add3A_369 = arith.addi %add3A_368, %shift_right_arithmetic3A_367 : vector<16xi32>
    %swap3A_370 = arith.constant 640 : index
    %swap3A_371 = tpu.vector_load %arg9[%swap3A_370] {strides = array<i32>} : memref<1024xi32, #tpu.memory_space<vmem>>, vector<16xi32>,
    tpu.vector_store %arg9[%swap3A_370], %add3A_369 {strides = array<i32>} : memref<1024xi32, #tpu.memory_space<vmem>>, vector<16xi32>,
    %add3A_372 = arith.constant 82 : i32
    %add3A_373 = arith.addi %mul3A_2, %add3A_372 : i32
    %shift_right_arithmetic3A_374 = arith.constant 3 : i32
    %shift_right_arithmetic3A_375 = vector.broadcast %shift_right_arithmetic3A_374 : i32 to vector<16xi32>
    %shift_right_arithmetic3A_376 = arith.shrsi %iota3A, %shift_right_arithmetic3A_375 : vector<16xi32>
    %add3A_377 = vector.broadcast %add3A_373 : i32 to vector<16xi32>
    %add3A_378 = arith.addi %add3A_377, %shift_right_arithmetic3A_376 : vector<16xi32>
    %swap3A_379 = arith.constant 656 : index
    %swap3A_380 = tpu.vector_load %arg9[%swap3A_379] {strides = array<i32>} : memref<1024xi32, #tpu.memory_space<vmem>>, vector<16xi32>,
    tpu.vector_store %arg9[%swap3A_379], %add3A_378 {strides = array<i32>} : memref<1024xi32, #tpu.memory_space<vmem>>, vector<16xi32>,
    %add3A_381 = arith.constant 84 : i32
    %add3A_382 = arith.addi %mul3A_2, %add3A_381 : i32
    %shift_right_arithmetic3A_383 = arith.constant 3 : i32
    %shift_right_arithmetic3A_384 = vector.broadcast %shift_right_arithmetic3A_383 : i32 to vector<16xi32>
    %shift_right_arithmetic3A_385 = arith.shrsi %iota3A, %shift_right_arithmetic3A_384 : vector<16xi32>
    %add3A_386 = vector.broadcast %add3A_382 : i32 to vector<16xi32>
    %add3A_387 = arith.addi %add3A_386, %shift_right_arithmetic3A_385 : vector<16xi32>
    %swap3A_388 = arith.constant 672 : index
    %swap3A_389 = tpu.vector_load %arg9[%swap3A_388] {strides = array<i32>} : memref<1024xi32, #tpu.memory_space<vmem>>, vector<16xi32>,
    tpu.vector_store %arg9[%swap3A_388], %add3A_387 {strides = array<i32>} : memref<1024xi32, #tpu.memory_space<vmem>>, vector<16xi32>,
    %add3A_390 = arith.constant 86 : i32
    %add3A_391 = arith.addi %mul3A_2, %add3A_390 : i32
    %shift_right_arithmetic3A_392 = arith.constant 3 : i32
    %shift_right_arithmetic3A_393 = vector.broadcast %shift_right_arithmetic3A_392 : i32 to vector<16xi32>
    %shift_right_arithmetic3A_394 = arith.shrsi %iota3A, %shift_right_arithmetic3A_393 : vector<16xi32>
    %add3A_395 = vector.broadcast %add3A_391 : i32 to vector<16xi32>
    %add3A_396 = arith.addi %add3A_395, %shift_right_arithmetic3A_394 : vector<16xi32>
    %swap3A_397 = arith.constant 688 : index
    %swap3A_398 = tpu.vector_load %arg9[%swap3A_397] {strides = array<i32>} : memref<1024xi32, #tpu.memory_space<vmem>>, vector<16xi32>,
    tpu.vector_store %arg9[%swap3A_397], %add3A_396 {strides = array<i32>} : memref<1024xi32, #tpu.memory_space<vmem>>, vector<16xi32>,
    %add3A_399 = arith.constant 88 : i32
    %add3A_400 = arith.addi %mul3A_2, %add3A_399 : i32
    %shift_right_arithmetic3A_401 = arith.constant 3 : i32
    %shift_right_arithmetic3A_402 = vector.broadcast %shift_right_arithmetic3A_401 : i32 to vector<16xi32>
    %shift_right_arithmetic3A_403 = arith.shrsi %iota3A, %shift_right_arithmetic3A_402 : vector<16xi32>
    %add3A_404 = vector.broadcast %add3A_400 : i32 to vector<16xi32>
    %add3A_405 = arith.addi %add3A_404, %shift_right_arithmetic3A_403 : vector<16xi32>
    %swap3A_406 = arith.constant 704 : index
    %swap3A_407 = tpu.vector_load %arg9[%swap3A_406] {strides = array<i32>} : memref<1024xi32, #tpu.memory_space<vmem>>, vector<16xi32>,
    tpu.vector_store %arg9[%swap3A_406], %add3A_405 {strides = array<i32>} : memref<1024xi32, #tpu.memory_space<vmem>>, vector<16xi32>,
    %add3A_408 = arith.constant 90 : i32
    %add3A_409 = arith.addi %mul3A_2, %add3A_408 : i32
    %shift_right_arithmetic3A_410 = arith.constant 3 : i32
    %shift_right_arithmetic3A_411 = vector.broadcast %shift_right_arithmetic3A_410 : i32 to vector<16xi32>
    %shift_right_arithmetic3A_412 = arith.shrsi %iota3A, %shift_right_arithmetic3A_411 : vector<16xi32>
    %add3A_413 = vector.broadcast %add3A_409 : i32 to vector<16xi32>
    %add3A_414 = arith.addi %add3A_413, %shift_right_arithmetic3A_412 : vector<16xi32>
    %swap3A_415 = arith.constant 720 : index
    %swap3A_416 = tpu.vector_load %arg9[%swap3A_415] {strides = array<i32>} : memref<1024xi32, #tpu.memory_space<vmem>>, vector<16xi32>,
    tpu.vector_store %arg9[%swap3A_415], %add3A_414 {strides = array<i32>} : memref<1024xi32, #tpu.memory_space<vmem>>, vector<16xi32>,
    %add3A_417 = arith.constant 92 : i32
    %add3A_418 = arith.addi %mul3A_2, %add3A_417 : i32
    %shift_right_arithmetic3A_419 = arith.constant 3 : i32
    %shift_right_arithmetic3A_420 = vector.broadcast %shift_right_arithmetic3A_419 : i32 to vector<16xi32>
    %shift_right_arithmetic3A_421 = arith.shrsi %iota3A, %shift_right_arithmetic3A_420 : vector<16xi32>
    %add3A_422 = vector.broadcast %add3A_418 : i32 to vector<16xi32>
    %add3A_423 = arith.addi %add3A_422, %shift_right_arithmetic3A_421 : vector<16xi32>
    %swap3A_424 = arith.constant 736 : index
    %swap3A_425 = tpu.vector_load %arg9[%swap3A_424] {strides = array<i32>} : memref<1024xi32, #tpu.memory_space<vmem>>, vector<16xi32>,
    tpu.vector_store %arg9[%swap3A_424], %add3A_423 {strides = array<i32>} : memref<1024xi32, #tpu.memory_space<vmem>>, vector<16xi32>,
    %add3A_426 = arith.constant 94 : i32
    %add3A_427 = arith.addi %mul3A_2, %add3A_426 : i32
    %shift_right_arithmetic3A_428 = arith.constant 3 : i32
    %shift_right_arithmetic3A_429 = vector.broadcast %shift_right_arithmetic3A_428 : i32 to vector<16xi32>
    %shift_right_arithmetic3A_430 = arith.shrsi %iota3A, %shift_right_arithmetic3A_429 : vector<16xi32>
    %add3A_431 = vector.broadcast %add3A_427 : i32 to vector<16xi32>
    %add3A_432 = arith.addi %add3A_431, %shift_right_arithmetic3A_430 : vector<16xi32>
    %swap3A_433 = arith.constant 752 : index
    %swap3A_434 = tpu.vector_load %arg9[%swap3A_433] {strides = array<i32>} : memref<1024xi32, #tpu.memory_space<vmem>>, vector<16xi32>,
    tpu.vector_store %arg9[%swap3A_433], %add3A_432 {strides = array<i32>} : memref<1024xi32, #tpu.memory_space<vmem>>, vector<16xi32>,
    %add3A_435 = arith.constant 96 : i32
    %add3A_436 = arith.addi %mul3A_2, %add3A_435 : i32
    %shift_right_arithmetic3A_437 = arith.constant 3 : i32
    %shift_right_arithmetic3A_438 = vector.broadcast %shift_right_arithmetic3A_437 : i32 to vector<16xi32>
    %shift_right_arithmetic3A_439 = arith.shrsi %iota3A, %shift_right_arithmetic3A_438 : vector<16xi32>
    %add3A_440 = vector.broadcast %add3A_436 : i32 to vector<16xi32>
    %add3A_441 = arith.addi %add3A_440, %shift_right_arithmetic3A_439 : vector<16xi32>
    %swap3A_442 = arith.constant 768 : index
    %swap3A_443 = tpu.vector_load %arg9[%swap3A_442] {strides = array<i32>} : memref<1024xi32, #tpu.memory_space<vmem>>, vector<16xi32>,
    tpu.vector_store %arg9[%swap3A_442], %add3A_441 {strides = array<i32>} : memref<1024xi32, #tpu.memory_space<vmem>>, vector<16xi32>,
    %add3A_444 = arith.constant 98 : i32
    %add3A_445 = arith.addi %mul3A_2, %add3A_444 : i32
    %shift_right_arithmetic3A_446 = arith.constant 3 : i32
    %shift_right_arithmetic3A_447 = vector.broadcast %shift_right_arithmetic3A_446 : i32 to vector<16xi32>
    %shift_right_arithmetic3A_448 = arith.shrsi %iota3A, %shift_right_arithmetic3A_447 : vector<16xi32>
    %add3A_449 = vector.broadcast %add3A_445 : i32 to vector<16xi32>
    %add3A_450 = arith.addi %add3A_449, %shift_right_arithmetic3A_448 : vector<16xi32>
    %swap3A_451 = arith.constant 784 : index
    %swap3A_452 = tpu.vector_load %arg9[%swap3A_451] {strides = array<i32>} : memref<1024xi32, #tpu.memory_space<vmem>>, vector<16xi32>,
    tpu.vector_store %arg9[%swap3A_451], %add3A_450 {strides = array<i32>} : memref<1024xi32, #tpu.memory_space<vmem>>, vector<16xi32>,
    %add3A_453 = arith.constant 100 : i32
    %add3A_454 = arith.addi %mul3A_2, %add3A_453 : i32
    %shift_right_arithmetic3A_455 = arith.constant 3 : i32
    %shift_right_arithmetic3A_456 = vector.broadcast %shift_right_arithmetic3A_455 : i32 to vector<16xi32>
    %shift_right_arithmetic3A_457 = arith.shrsi %iota3A, %shift_right_arithmetic3A_456 : vector<16xi32>
    %add3A_458 = vector.broadcast %add3A_454 : i32 to vector<16xi32>
    %add3A_459 = arith.addi %add3A_458, %shift_right_arithmetic3A_457 : vector<16xi32>
    %swap3A_460 = arith.constant 800 : index
    %swap3A_461 = tpu.vector_load %arg9[%swap3A_460] {strides = array<i32>} : memref<1024xi32, #tpu.memory_space<vmem>>, vector<16xi32>,
    tpu.vector_store %arg9[%swap3A_460], %add3A_459 {strides = array<i32>} : memref<1024xi32, #tpu.memory_space<vmem>>, vector<16xi32>,
    %add3A_462 = arith.constant 102 : i32
    %add3A_463 = arith.addi %mul3A_2, %add3A_462 : i32
    %shift_right_arithmetic3A_464 = arith.constant 3 : i32
    %shift_right_arithmetic3A_465 = vector.broadcast %shift_right_arithmetic3A_464 : i32 to vector<16xi32>
    %shift_right_arithmetic3A_466 = arith.shrsi %iota3A, %shift_right_arithmetic3A_465 : vector<16xi32>
    %add3A_467 = vector.broadcast %add3A_463 : i32 to vector<16xi32>
    %add3A_468 = arith.addi %add3A_467, %shift_right_arithmetic3A_466 : vector<16xi32>
    %swap3A_469 = arith.constant 816 : index
    %swap3A_470 = tpu.vector_load %arg9[%swap3A_469] {strides = array<i32>} : memref<1024xi32, #tpu.memory_space<vmem>>, vector<16xi32>,
    tpu.vector_store %arg9[%swap3A_469], %add3A_468 {strides = array<i32>} : memref<1024xi32, #tpu.memory_space<vmem>>, vector<16xi32>,
    %add3A_471 = arith.constant 104 : i32
    %add3A_472 = arith.addi %mul3A_2, %add3A_471 : i32
    %shift_right_arithmetic3A_473 = arith.constant 3 : i32
    %shift_right_arithmetic3A_474 = vector.broadcast %shift_right_arithmetic3A_473 : i32 to vector<16xi32>
    %shift_right_arithmetic3A_475 = arith.shrsi %iota3A, %shift_right_arithmetic3A_474 : vector<16xi32>
    %add3A_476 = vector.broadcast %add3A_472 : i32 to vector<16xi32>
    %add3A_477 = arith.addi %add3A_476, %shift_right_arithmetic3A_475 : vector<16xi32>
    %swap3A_478 = arith.constant 832 : index
    %swap3A_479 = tpu.vector_load %arg9[%swap3A_478] {strides = array<i32>} : memref<1024xi32, #tpu.memory_space<vmem>>, vector<16xi32>,
    tpu.vector_store %arg9[%swap3A_478], %add3A_477 {strides = array<i32>} : memref<1024xi32, #tpu.memory_space<vmem>>, vector<16xi32>,
    %add3A_480 = arith.constant 106 : i32
    %add3A_481 = arith.addi %mul3A_2, %add3A_480 : i32
    %shift_right_arithmetic3A_482 = arith.constant 3 : i32
    %shift_right_arithmetic3A_483 = vector.broadcast %shift_right_arithmetic3A_482 : i32 to vector<16xi32>
    %shift_right_arithmetic3A_484 = arith.shrsi %iota3A, %shift_right_arithmetic3A_483 : vector<16xi32>
    %add3A_485 = vector.broadcast %add3A_481 : i32 to vector<16xi32>
    %add3A_486 = arith.addi %add3A_485, %shift_right_arithmetic3A_484 : vector<16xi32>
    %swap3A_487 = arith.constant 848 : index
    %swap3A_488 = tpu.vector_load %arg9[%swap3A_487] {strides = array<i32>} : memref<1024xi32, #tpu.memory_space<vmem>>, vector<16xi32>,
    tpu.vector_store %arg9[%swap3A_487], %add3A_486 {strides = array<i32>} : memref<1024xi32, #tpu.memory_space<vmem>>, vector<16xi32>,
    %add3A_489 = arith.constant 108 : i32
    %add3A_490 = arith.addi %mul3A_2, %add3A_489 : i32
    %shift_right_arithmetic3A_491 = arith.constant 3 : i32
    %shift_right_arithmetic3A_492 = vector.broadcast %shift_right_arithmetic3A_491 : i32 to vector<16xi32>
    %shift_right_arithmetic3A_493 = arith.shrsi %iota3A, %shift_right_arithmetic3A_492 : vector<16xi32>
    %add3A_494 = vector.broadcast %add3A_490 : i32 to vector<16xi32>
    %add3A_495 = arith.addi %add3A_494, %shift_right_arithmetic3A_493 : vector<16xi32>
    %swap3A_496 = arith.constant 864 : index
    %swap3A_497 = tpu.vector_load %arg9[%swap3A_496] {strides = array<i32>} : memref<1024xi32, #tpu.memory_space<vmem>>, vector<16xi32>,
    tpu.vector_store %arg9[%swap3A_496], %add3A_495 {strides = array<i32>} : memref<1024xi32, #tpu.memory_space<vmem>>, vector<16xi32>,
    %add3A_498 = arith.constant 110 : i32
    %add3A_499 = arith.addi %mul3A_2, %add3A_498 : i32
    %shift_right_arithmetic3A_500 = arith.constant 3 : i32
    %shift_right_arithmetic3A_501 = vector.broadcast %shift_right_arithmetic3A_500 : i32 to vector<16xi32>
    %shift_right_arithmetic3A_502 = arith.shrsi %iota3A, %shift_right_arithmetic3A_501 : vector<16xi32>
    %add3A_503 = vector.broadcast %add3A_499 : i32 to vector<16xi32>
    %add3A_504 = arith.addi %add3A_503, %shift_right_arithmetic3A_502 : vector<16xi32>
    %swap3A_505 = arith.constant 880 : index
    %swap3A_506 = tpu.vector_load %arg9[%swap3A_505] {strides = array<i32>} : memref<1024xi32, #tpu.memory_space<vmem>>, vector<16xi32>,
    tpu.vector_store %arg9[%swap3A_505], %add3A_504 {strides = array<i32>} : memref<1024xi32, #tpu.memory_space<vmem>>, vector<16xi32>,
    %add3A_507 = arith.constant 112 : i32
    %add3A_508 = arith.addi %mul3A_2, %add3A_507 : i32
    %shift_right_arithmetic3A_509 = arith.constant 3 : i32
    %shift_right_arithmetic3A_510 = vector.broadcast %shift_right_arithmetic3A_509 : i32 to vector<16xi32>
    %shift_right_arithmetic3A_511 = arith.shrsi %iota3A, %shift_right_arithmetic3A_510 : vector<16xi32>
    %add3A_512 = vector.broadcast %add3A_508 : i32 to vector<16xi32>
    %add3A_513 = arith.addi %add3A_512, %shift_right_arithmetic3A_511 : vector<16xi32>
    %swap3A_514 = arith.constant 896 : index
    %swap3A_515 = tpu.vector_load %arg9[%swap3A_514] {strides = array<i32>} : memref<1024xi32, #tpu.memory_space<vmem>>, vector<16xi32>,
    tpu.vector_store %arg9[%swap3A_514], %add3A_513 {strides = array<i32>} : memref<1024xi32, #tpu.memory_space<vmem>>, vector<16xi32>,
    %add3A_516 = arith.constant 114 : i32
    %add3A_517 = arith.addi %mul3A_2, %add3A_516 : i32
    %shift_right_arithmetic3A_518 = arith.constant 3 : i32
    %shift_right_arithmetic3A_519 = vector.broadcast %shift_right_arithmetic3A_518 : i32 to vector<16xi32>
    %shift_right_arithmetic3A_520 = arith.shrsi %iota3A, %shift_right_arithmetic3A_519 : vector<16xi32>
    %add3A_521 = vector.broadcast %add3A_517 : i32 to vector<16xi32>
    %add3A_522 = arith.addi %add3A_521, %shift_right_arithmetic3A_520 : vector<16xi32>
    %swap3A_523 = arith.constant 912 : index
    %swap3A_524 = tpu.vector_load %arg9[%swap3A_523] {strides = array<i32>} : memref<1024xi32, #tpu.memory_space<vmem>>, vector<16xi32>,
    tpu.vector_store %arg9[%swap3A_523], %add3A_522 {strides = array<i32>} : memref<1024xi32, #tpu.memory_space<vmem>>, vector<16xi32>,
    %add3A_525 = arith.constant 116 : i32
    %add3A_526 = arith.addi %mul3A_2, %add3A_525 : i32
    %shift_right_arithmetic3A_527 = arith.constant 3 : i32
    %shift_right_arithmetic3A_528 = vector.broadcast %shift_right_arithmetic3A_527 : i32 to vector<16xi32>
    %shift_right_arithmetic3A_529 = arith.shrsi %iota3A, %shift_right_arithmetic3A_528 : vector<16xi32>
    %add3A_530 = vector.broadcast %add3A_526 : i32 to vector<16xi32>
    %add3A_531 = arith.addi %add3A_530, %shift_right_arithmetic3A_529 : vector<16xi32>
    %swap3A_532 = arith.constant 928 : index
    %swap3A_533 = tpu.vector_load %arg9[%swap3A_532] {strides = array<i32>} : memref<1024xi32, #tpu.memory_space<vmem>>, vector<16xi32>,
    tpu.vector_store %arg9[%swap3A_532], %add3A_531 {strides = array<i32>} : memref<1024xi32, #tpu.memory_space<vmem>>, vector<16xi32>,
    %add3A_534 = arith.constant 118 : i32
    %add3A_535 = arith.addi %mul3A_2, %add3A_534 : i32
    %shift_right_arithmetic3A_536 = arith.constant 3 : i32
    %shift_right_arithmetic3A_537 = vector.broadcast %shift_right_arithmetic3A_536 : i32 to vector<16xi32>
    %shift_right_arithmetic3A_538 = arith.shrsi %iota3A, %shift_right_arithmetic3A_537 : vector<16xi32>
    %add3A_539 = vector.broadcast %add3A_535 : i32 to vector<16xi32>
    %add3A_540 = arith.addi %add3A_539, %shift_right_arithmetic3A_538 : vector<16xi32>
    %swap3A_541 = arith.constant 944 : index
    %swap3A_542 = tpu.vector_load %arg9[%swap3A_541] {strides = array<i32>} : memref<1024xi32, #tpu.memory_space<vmem>>, vector<16xi32>,
    tpu.vector_store %arg9[%swap3A_541], %add3A_540 {strides = array<i32>} : memref<1024xi32, #tpu.memory_space<vmem>>, vector<16xi32>,
    %add3A_543 = arith.constant 120 : i32
    %add3A_544 = arith.addi %mul3A_2, %add3A_543 : i32
    %shift_right_arithmetic3A_545 = arith.constant 3 : i32
    %shift_right_arithmetic3A_546 = vector.broadcast %shift_right_arithmetic3A_545 : i32 to vector<16xi32>
    %shift_right_arithmetic3A_547 = arith.shrsi %iota3A, %shift_right_arithmetic3A_546 : vector<16xi32>
    %add3A_548 = vector.broadcast %add3A_544 : i32 to vector<16xi32>
    %add3A_549 = arith.addi %add3A_548, %shift_right_arithmetic3A_547 : vector<16xi32>
    %swap3A_550 = arith.constant 960 : index
    %swap3A_551 = tpu.vector_load %arg9[%swap3A_550] {strides = array<i32>} : memref<1024xi32, #tpu.memory_space<vmem>>, vector<16xi32>,
    tpu.vector_store %arg9[%swap3A_550], %add3A_549 {strides = array<i32>} : memref<1024xi32, #tpu.memory_space<vmem>>, vector<16xi32>,
    %add3A_552 = arith.constant 122 : i32
    %add3A_553 = arith.addi %mul3A_2, %add3A_552 : i32
    %shift_right_arithmetic3A_554 = arith.constant 3 : i32
    %shift_right_arithmetic3A_555 = vector.broadcast %shift_right_arithmetic3A_554 : i32 to vector<16xi32>
    %shift_right_arithmetic3A_556 = arith.shrsi %iota3A, %shift_right_arithmetic3A_555 : vector<16xi32>
    %add3A_557 = vector.broadcast %add3A_553 : i32 to vector<16xi32>
    %add3A_558 = arith.addi %add3A_557, %shift_right_arithmetic3A_556 : vector<16xi32>
    %swap3A_559 = arith.constant 976 : index
    %swap3A_560 = tpu.vector_load %arg9[%swap3A_559] {strides = array<i32>} : memref<1024xi32, #tpu.memory_space<vmem>>, vector<16xi32>,
    tpu.vector_store %arg9[%swap3A_559], %add3A_558 {strides = array<i32>} : memref<1024xi32, #tpu.memory_space<vmem>>, vector<16xi32>,
    %add3A_561 = arith.constant 124 : i32
    %add3A_562 = arith.addi %mul3A_2, %add3A_561 : i32
    %shift_right_arithmetic3A_563 = arith.constant 3 : i32
    %shift_right_arithmetic3A_564 = vector.broadcast %shift_right_arithmetic3A_563 : i32 to vector<16xi32>
    %shift_right_arithmetic3A_565 = arith.shrsi %iota3A, %shift_right_arithmetic3A_564 : vector<16xi32>
    %add3A_566 = vector.broadcast %add3A_562 : i32 to vector<16xi32>
    %add3A_567 = arith.addi %add3A_566, %shift_right_arithmetic3A_565 : vector<16xi32>
    %swap3A_568 = arith.constant 992 : index
    %swap3A_569 = tpu.vector_load %arg9[%swap3A_568] {strides = array<i32>} : memref<1024xi32, #tpu.memory_space<vmem>>, vector<16xi32>,
    tpu.vector_store %arg9[%swap3A_568], %add3A_567 {strides = array<i32>} : memref<1024xi32, #tpu.memory_space<vmem>>, vector<16xi32>,
    %add3A_570 = arith.constant 126 : i32
    %add3A_571 = arith.addi %mul3A_2, %add3A_570 : i32
    %shift_right_arithmetic3A_572 = arith.constant 3 : i32
    %shift_right_arithmetic3A_573 = vector.broadcast %shift_right_arithmetic3A_572 : i32 to vector<16xi32>
    %shift_right_arithmetic3A_574 = arith.shrsi %iota3A, %shift_right_arithmetic3A_573 : vector<16xi32>
    %add3A_575 = vector.broadcast %add3A_571 : i32 to vector<16xi32>
    %add3A_576 = arith.addi %add3A_575, %shift_right_arithmetic3A_574 : vector<16xi32>
    %swap3A_577 = arith.constant 1008 : index
    %swap3A_578 = tpu.vector_load %arg9[%swap3A_577] {strides = array<i32>} : memref<1024xi32, #tpu.memory_space<vmem>>, vector<16xi32>,
    tpu.vector_store %arg9[%swap3A_577], %add3A_576 {strides = array<i32>} : memref<1024xi32, #tpu.memory_space<vmem>>, vector<16xi32>,
    %scan3A = arith.constant 0 : i32
    %scan3A_579 = arith.constant 0 : i32
    %scan3A_580 = arith.constant 16 : i32
    %scan3A_581 = arith.addi %scan3A_579, %scan3A_580 : i32
    %scan3A_582 = arith.constant 1 : i32
    scf.for %scan3A_615 = %scan3A_579 to %scan3A_581 step %scan3A_582  : i32 {
      %mul3A_616 = arith.constant 16 : i32
      %mul3A_617 = arith.muli %scan3A_615, %mul3A_616 : i32
      %add3A_618 = arith.constant 0 : i32
      %add3A_619 = arith.addi %add3A_618, %mul3A_617 : i32
      %get3A = arith.index_cast %add3A_619 : i32 to index
      %get3A_620 = tpu.vector_load %arg8[%get3A] {strides = array<i32>} : memref<8192xi32, #tpu.memory_space<vmem>>, vector<16xi32>,
      %shift_right_arithmetic3A_621 = arith.constant 6 : i32
      %shift_right_arithmetic3A_622 = arith.shrsi %add3A_619, %shift_right_arithmetic3A_621 : i32
      %mul3A_623 = arith.constant 8 : i32
      %mul3A_624 = arith.muli %shift_right_arithmetic3A_622, %mul3A_623 : i32
      %slice3A = vector.extract_strided_slice %get3A_620 {offsets = [0], sizes = [1], strides = [1]} : vector<16xi32> to vector<1xi32>
      %squeeze3A = vector.extract %slice3A[0] : i32 from vector<1xi32>
      %shift_right_arithmetic3A_625 = arith.constant 7 : i32
      %shift_right_arithmetic3A_626 = arith.shrsi %squeeze3A, %shift_right_arithmetic3A_625 : i32
      %shift_left3A = arith.constant 7 : i32
      %shift_left3A_627 = arith.shli %shift_right_arithmetic3A_626, %shift_left3A : i32
      %multiple_of3A = tpu.assume_multiple %shift_left3A_627, 128 : i32
      %add3A_628 = arith.constant 0 : i32
      %add3A_629 = arith.addi %mul3A_617, %add3A_628 : i32
      %dma_start3A = arith.constant 0 : i32
      %dma_start3A_630 = tpu.memref_slice %arg10[%add3A_629, %dma_start3A] : memref<256x128xf32, #tpu.memory_space<vmem>> -> memref<1x128xf32, #tpu.memory_space<vmem>>
      %dma_start3A_631 = tpu.memref_slice %arg9[%mul3A_624] : memref<1024xi32, #tpu.memory_space<vmem>> -> memref<1xi32, #tpu.memory_space<vmem>>
      %dma_start3A_632 = arith.constant 0 : i32
      %dma_start3A_633 = tpu.memref_slice %arg2[%dma_start3A_632, %multiple_of3A] : memref<4096x100000xf32, #tpu.memory_space<hbm>> -> memref<4096x128xf32, #tpu.memory_space<hbm>>
      tpu.enqueue_indirect_dma source(%dma_start3A_633 : memref<4096x128xf32, #tpu.memory_space<hbm>>) target(%dma_start3A_630 : memref<1x128xf32, #tpu.memory_space<vmem>>) offsets(%dma_start3A_631 : memref<1xi32, #tpu.memory_space<vmem>>) semaphore(%arg14 : memref<!tpu.dma_semaphore, #tpu.memory_space<semaphore_mem>>)
      %slice3A_634 = vector.extract_strided_slice %get3A_620 {offsets = [1], sizes = [1], strides = [1]} : vector<16xi32> to vector<1xi32>
      %squeeze3A_635 = vector.extract %slice3A_634[0] : i32 from vector<1xi32>
      %shift_right_arithmetic3A_636 = arith.constant 7 : i32
      %shift_right_arithmetic3A_637 = arith.shrsi %squeeze3A_635, %shift_right_arithmetic3A_636 : i32
      %shift_left3A_638 = arith.constant 7 : i32
      %shift_left3A_639 = arith.shli %shift_right_arithmetic3A_637, %shift_left3A_638 : i32
      %multiple_of3A_640 = tpu.assume_multiple %shift_left3A_639, 128 : i32
      %add3A_641 = arith.constant 1 : i32
      %add3A_642 = arith.addi %mul3A_617, %add3A_641 : i32
      %dma_start3A_643 = arith.constant 0 : i32
      %dma_start3A_644 = tpu.memref_slice %arg10[%add3A_642, %dma_start3A_643] : memref<256x128xf32, #tpu.memory_space<vmem>> -> memref<1x128xf32, #tpu.memory_space<vmem>>
      %dma_start3A_645 = tpu.memref_slice %arg9[%mul3A_624] : memref<1024xi32, #tpu.memory_space<vmem>> -> memref<1xi32, #tpu.memory_space<vmem>>
      %dma_start3A_646 = arith.constant 0 : i32
      %dma_start3A_647 = tpu.memref_slice %arg2[%dma_start3A_646, %multiple_of3A_640] : memref<4096x100000xf32, #tpu.memory_space<hbm>> -> memref<4096x128xf32, #tpu.memory_space<hbm>>
      tpu.enqueue_indirect_dma source(%dma_start3A_647 : memref<4096x128xf32, #tpu.memory_space<hbm>>) target(%dma_start3A_644 : memref<1x128xf32, #tpu.memory_space<vmem>>) offsets(%dma_start3A_645 : memref<1xi32, #tpu.memory_space<vmem>>) semaphore(%arg14 : memref<!tpu.dma_semaphore, #tpu.memory_space<semaphore_mem>>)
      %slice3A_648 = vector.extract_strided_slice %get3A_620 {offsets = [2], sizes = [1], strides = [1]} : vector<16xi32> to vector<1xi32>
      %squeeze3A_649 = vector.extract %slice3A_648[0] : i32 from vector<1xi32>
      %shift_right_arithmetic3A_650 = arith.constant 7 : i32
      %shift_right_arithmetic3A_651 = arith.shrsi %squeeze3A_649, %shift_right_arithmetic3A_650 : i32
      %shift_left3A_652 = arith.constant 7 : i32
      %shift_left3A_653 = arith.shli %shift_right_arithmetic3A_651, %shift_left3A_652 : i32
      %multiple_of3A_654 = tpu.assume_multiple %shift_left3A_653, 128 : i32
      %add3A_655 = arith.constant 2 : i32
      %add3A_656 = arith.addi %mul3A_617, %add3A_655 : i32
      %dma_start3A_657 = arith.constant 0 : i32
      %dma_start3A_658 = tpu.memref_slice %arg10[%add3A_656, %dma_start3A_657] : memref<256x128xf32, #tpu.memory_space<vmem>> -> memref<1x128xf32, #tpu.memory_space<vmem>>
      %dma_start3A_659 = tpu.memref_slice %arg9[%mul3A_624] : memref<1024xi32, #tpu.memory_space<vmem>> -> memref<1xi32, #tpu.memory_space<vmem>>
      %dma_start3A_660 = arith.constant 0 : i32
      %dma_start3A_661 = tpu.memref_slice %arg2[%dma_start3A_660, %multiple_of3A_654] : memref<4096x100000xf32, #tpu.memory_space<hbm>> -> memref<4096x128xf32, #tpu.memory_space<hbm>>
      tpu.enqueue_indirect_dma source(%dma_start3A_661 : memref<4096x128xf32, #tpu.memory_space<hbm>>) target(%dma_start3A_658 : memref<1x128xf32, #tpu.memory_space<vmem>>) offsets(%dma_start3A_659 : memref<1xi32, #tpu.memory_space<vmem>>) semaphore(%arg14 : memref<!tpu.dma_semaphore, #tpu.memory_space<semaphore_mem>>)
      %slice3A_662 = vector.extract_strided_slice %get3A_620 {offsets = [3], sizes = [1], strides = [1]} : vector<16xi32> to vector<1xi32>
      %squeeze3A_663 = vector.extract %slice3A_662[0] : i32 from vector<1xi32>
      %shift_right_arithmetic3A_664 = arith.constant 7 : i32
      %shift_right_arithmetic3A_665 = arith.shrsi %squeeze3A_663, %shift_right_arithmetic3A_664 : i32
      %shift_left3A_666 = arith.constant 7 : i32
      %shift_left3A_667 = arith.shli %shift_right_arithmetic3A_665, %shift_left3A_666 : i32
      %multiple_of3A_668 = tpu.assume_multiple %shift_left3A_667, 128 : i32
      %add3A_669 = arith.constant 3 : i32
      %add3A_670 = arith.addi %mul3A_617, %add3A_669 : i32
      %dma_start3A_671 = arith.constant 0 : i32
      %dma_start3A_672 = tpu.memref_slice %arg10[%add3A_670, %dma_start3A_671] : memref<256x128xf32, #tpu.memory_space<vmem>> -> memref<1x128xf32, #tpu.memory_space<vmem>>
      %dma_start3A_673 = tpu.memref_slice %arg9[%mul3A_624] : memref<1024xi32, #tpu.memory_space<vmem>> -> memref<1xi32, #tpu.memory_space<vmem>>
      %dma_start3A_674 = arith.constant 0 : i32
      %dma_start3A_675 = tpu.memref_slice %arg2[%dma_start3A_674, %multiple_of3A_668] : memref<4096x100000xf32, #tpu.memory_space<hbm>> -> memref<4096x128xf32, #tpu.memory_space<hbm>>
      tpu.enqueue_indirect_dma source(%dma_start3A_675 : memref<4096x128xf32, #tpu.memory_space<hbm>>) target(%dma_start3A_672 : memref<1x128xf32, #tpu.memory_space<vmem>>) offsets(%dma_start3A_673 : memref<1xi32, #tpu.memory_space<vmem>>) semaphore(%arg14 : memref<!tpu.dma_semaphore, #tpu.memory_space<semaphore_mem>>)
      %slice3A_676 = vector.extract_strided_slice %get3A_620 {offsets = [4], sizes = [1], strides = [1]} : vector<16xi32> to vector<1xi32>
      %squeeze3A_677 = vector.extract %slice3A_676[0] : i32 from vector<1xi32>
      %shift_right_arithmetic3A_678 = arith.constant 7 : i32
      %shift_right_arithmetic3A_679 = arith.shrsi %squeeze3A_677, %shift_right_arithmetic3A_678 : i32
      %shift_left3A_680 = arith.constant 7 : i32
      %shift_left3A_681 = arith.shli %shift_right_arithmetic3A_679, %shift_left3A_680 : i32
      %multiple_of3A_682 = tpu.assume_multiple %shift_left3A_681, 128 : i32
      %add3A_683 = arith.constant 4 : i32
      %add3A_684 = arith.addi %mul3A_617, %add3A_683 : i32
      %dma_start3A_685 = arith.constant 0 : i32
      %dma_start3A_686 = tpu.memref_slice %arg10[%add3A_684, %dma_start3A_685] : memref<256x128xf32, #tpu.memory_space<vmem>> -> memref<1x128xf32, #tpu.memory_space<vmem>>
      %dma_start3A_687 = tpu.memref_slice %arg9[%mul3A_624] : memref<1024xi32, #tpu.memory_space<vmem>> -> memref<1xi32, #tpu.memory_space<vmem>>
      %dma_start3A_688 = arith.constant 0 : i32
      %dma_start3A_689 = tpu.memref_slice %arg2[%dma_start3A_688, %multiple_of3A_682] : memref<4096x100000xf32, #tpu.memory_space<hbm>> -> memref<4096x128xf32, #tpu.memory_space<hbm>>
      tpu.enqueue_indirect_dma source(%dma_start3A_689 : memref<4096x128xf32, #tpu.memory_space<hbm>>) target(%dma_start3A_686 : memref<1x128xf32, #tpu.memory_space<vmem>>) offsets(%dma_start3A_687 : memref<1xi32, #tpu.memory_space<vmem>>) semaphore(%arg14 : memref<!tpu.dma_semaphore, #tpu.memory_space<semaphore_mem>>)
      %slice3A_690 = vector.extract_strided_slice %get3A_620 {offsets = [5], sizes = [1], strides = [1]} : vector<16xi32> to vector<1xi32>
      %squeeze3A_691 = vector.extract %slice3A_690[0] : i32 from vector<1xi32>
      %shift_right_arithmetic3A_692 = arith.constant 7 : i32
      %shift_right_arithmetic3A_693 = arith.shrsi %squeeze3A_691, %shift_right_arithmetic3A_692 : i32
      %shift_left3A_694 = arith.constant 7 : i32
      %shift_left3A_695 = arith.shli %shift_right_arithmetic3A_693, %shift_left3A_694 : i32
      %multiple_of3A_696 = tpu.assume_multiple %shift_left3A_695, 128 : i32
      %add3A_697 = arith.constant 5 : i32
      %add3A_698 = arith.addi %mul3A_617, %add3A_697 : i32
      %dma_start3A_699 = arith.constant 0 : i32
      %dma_start3A_700 = tpu.memref_slice %arg10[%add3A_698, %dma_start3A_699] : memref<256x128xf32, #tpu.memory_space<vmem>> -> memref<1x128xf32, #tpu.memory_space<vmem>>
      %dma_start3A_701 = tpu.memref_slice %arg9[%mul3A_624] : memref<1024xi32, #tpu.memory_space<vmem>> -> memref<1xi32, #tpu.memory_space<vmem>>
      %dma_start3A_702 = arith.constant 0 : i32
      %dma_start3A_703 = tpu.memref_slice %arg2[%dma_start3A_702, %multiple_of3A_696] : memref<4096x100000xf32, #tpu.memory_space<hbm>> -> memref<4096x128xf32, #tpu.memory_space<hbm>>
      tpu.enqueue_indirect_dma source(%dma_start3A_703 : memref<4096x128xf32, #tpu.memory_space<hbm>>) target(%dma_start3A_700 : memref<1x128xf32, #tpu.memory_space<vmem>>) offsets(%dma_start3A_701 : memref<1xi32, #tpu.memory_space<vmem>>) semaphore(%arg14 : memref<!tpu.dma_semaphore, #tpu.memory_space<semaphore_mem>>)
      %slice3A_704 = vector.extract_strided_slice %get3A_620 {offsets = [6], sizes = [1], strides = [1]} : vector<16xi32> to vector<1xi32>
      %squeeze3A_705 = vector.extract %slice3A_704[0] : i32 from vector<1xi32>
      %shift_right_arithmetic3A_706 = arith.constant 7 : i32
      %shift_right_arithmetic3A_707 = arith.shrsi %squeeze3A_705, %shift_right_arithmetic3A_706 : i32
      %shift_left3A_708 = arith.constant 7 : i32
      %shift_left3A_709 = arith.shli %shift_right_arithmetic3A_707, %shift_left3A_708 : i32
      %multiple_of3A_710 = tpu.assume_multiple %shift_left3A_709, 128 : i32
      %add3A_711 = arith.constant 6 : i32
      %add3A_712 = arith.addi %mul3A_617, %add3A_711 : i32
      %dma_start3A_713 = arith.constant 0 : i32
      %dma_start3A_714 = tpu.memref_slice %arg10[%add3A_712, %dma_start3A_713] : memref<256x128xf32, #tpu.memory_space<vmem>> -> memref<1x128xf32, #tpu.memory_space<vmem>>
      %dma_start3A_715 = tpu.memref_slice %arg9[%mul3A_624] : memref<1024xi32, #tpu.memory_space<vmem>> -> memref<1xi32, #tpu.memory_space<vmem>>
      %dma_start3A_716 = arith.constant 0 : i32
      %dma_start3A_717 = tpu.memref_slice %arg2[%dma_start3A_716, %multiple_of3A_710] : memref<4096x100000xf32, #tpu.memory_space<hbm>> -> memref<4096x128xf32, #tpu.memory_space<hbm>>
      tpu.enqueue_indirect_dma source(%dma_start3A_717 : memref<4096x128xf32, #tpu.memory_space<hbm>>) target(%dma_start3A_714 : memref<1x128xf32, #tpu.memory_space<vmem>>) offsets(%dma_start3A_715 : memref<1xi32, #tpu.memory_space<vmem>>) semaphore(%arg14 : memref<!tpu.dma_semaphore, #tpu.memory_space<semaphore_mem>>)
      %slice3A_718 = vector.extract_strided_slice %get3A_620 {offsets = [7], sizes = [1], strides = [1]} : vector<16xi32> to vector<1xi32>
      %squeeze3A_719 = vector.extract %slice3A_718[0] : i32 from vector<1xi32>
      %shift_right_arithmetic3A_720 = arith.constant 7 : i32
      %shift_right_arithmetic3A_721 = arith.shrsi %squeeze3A_719, %shift_right_arithmetic3A_720 : i32
      %shift_left3A_722 = arith.constant 7 : i32
      %shift_left3A_723 = arith.shli %shift_right_arithmetic3A_721, %shift_left3A_722 : i32
      %multiple_of3A_724 = tpu.assume_multiple %shift_left3A_723, 128 : i32
      %add3A_725 = arith.constant 7 : i32
      %add3A_726 = arith.addi %mul3A_617, %add3A_725 : i32
      %dma_start3A_727 = arith.constant 0 : i32
      %dma_start3A_728 = tpu.memref_slice %arg10[%add3A_726, %dma_start3A_727] : memref<256x128xf32, #tpu.memory_space<vmem>> -> memref<1x128xf32, #tpu.memory_space<vmem>>
      %dma_start3A_729 = tpu.memref_slice %arg9[%mul3A_624] : memref<1024xi32, #tpu.memory_space<vmem>> -> memref<1xi32, #tpu.memory_space<vmem>>
      %dma_start3A_730 = arith.constant 0 : i32
      %dma_start3A_731 = tpu.memref_slice %arg2[%dma_start3A_730, %multiple_of3A_724] : memref<4096x100000xf32, #tpu.memory_space<hbm>> -> memref<4096x128xf32, #tpu.memory_space<hbm>>
      tpu.enqueue_indirect_dma source(%dma_start3A_731 : memref<4096x128xf32, #tpu.memory_space<hbm>>) target(%dma_start3A_728 : memref<1x128xf32, #tpu.memory_space<vmem>>) offsets(%dma_start3A_729 : memref<1xi32, #tpu.memory_space<vmem>>) semaphore(%arg14 : memref<!tpu.dma_semaphore, #tpu.memory_space<semaphore_mem>>)
      %slice3A_732 = vector.extract_strided_slice %get3A_620 {offsets = [8], sizes = [1], strides = [1]} : vector<16xi32> to vector<1xi32>
      %squeeze3A_733 = vector.extract %slice3A_732[0] : i32 from vector<1xi32>
      %shift_right_arithmetic3A_734 = arith.constant 7 : i32
      %shift_right_arithmetic3A_735 = arith.shrsi %squeeze3A_733, %shift_right_arithmetic3A_734 : i32
      %shift_left3A_736 = arith.constant 7 : i32
      %shift_left3A_737 = arith.shli %shift_right_arithmetic3A_735, %shift_left3A_736 : i32
      %multiple_of3A_738 = tpu.assume_multiple %shift_left3A_737, 128 : i32
      %add3A_739 = arith.constant 8 : i32
      %add3A_740 = arith.addi %mul3A_617, %add3A_739 : i32
      %dma_start3A_741 = arith.constant 0 : i32
      %dma_start3A_742 = tpu.memref_slice %arg10[%add3A_740, %dma_start3A_741] : memref<256x128xf32, #tpu.memory_space<vmem>> -> memref<1x128xf32, #tpu.memory_space<vmem>>
      %dma_start3A_743 = tpu.memref_slice %arg9[%mul3A_624] : memref<1024xi32, #tpu.memory_space<vmem>> -> memref<1xi32, #tpu.memory_space<vmem>>
      %dma_start3A_744 = arith.constant 0 : i32
      %dma_start3A_745 = tpu.memref_slice %arg2[%dma_start3A_744, %multiple_of3A_738] : memref<4096x100000xf32, #tpu.memory_space<hbm>> -> memref<4096x128xf32, #tpu.memory_space<hbm>>
      tpu.enqueue_indirect_dma source(%dma_start3A_745 : memref<4096x128xf32, #tpu.memory_space<hbm>>) target(%dma_start3A_742 : memref<1x128xf32, #tpu.memory_space<vmem>>) offsets(%dma_start3A_743 : memref<1xi32, #tpu.memory_space<vmem>>) semaphore(%arg14 : memref<!tpu.dma_semaphore, #tpu.memory_space<semaphore_mem>>)
      %slice3A_746 = vector.extract_strided_slice %get3A_620 {offsets = [9], sizes = [1], strides = [1]} : vector<16xi32> to vector<1xi32>
      %squeeze3A_747 = vector.extract %slice3A_746[0] : i32 from vector<1xi32>
      %shift_right_arithmetic3A_748 = arith.constant 7 : i32
      %shift_right_arithmetic3A_749 = arith.shrsi %squeeze3A_747, %shift_right_arithmetic3A_748 : i32
      %shift_left3A_750 = arith.constant 7 : i32
      %shift_left3A_751 = arith.shli %shift_right_arithmetic3A_749, %shift_left3A_750 : i32
      %multiple_of3A_752 = tpu.assume_multiple %shift_left3A_751, 128 : i32
      %add3A_753 = arith.constant 9 : i32
      %add3A_754 = arith.addi %mul3A_617, %add3A_753 : i32
      %dma_start3A_755 = arith.constant 0 : i32
      %dma_start3A_756 = tpu.memref_slice %arg10[%add3A_754, %dma_start3A_755] : memref<256x128xf32, #tpu.memory_space<vmem>> -> memref<1x128xf32, #tpu.memory_space<vmem>>
      %dma_start3A_757 = tpu.memref_slice %arg9[%mul3A_624] : memref<1024xi32, #tpu.memory_space<vmem>> -> memref<1xi32, #tpu.memory_space<vmem>>
      %dma_start3A_758 = arith.constant 0 : i32
      %dma_start3A_759 = tpu.memref_slice %arg2[%dma_start3A_758, %multiple_of3A_752] : memref<4096x100000xf32, #tpu.memory_space<hbm>> -> memref<4096x128xf32, #tpu.memory_space<hbm>>
      tpu.enqueue_indirect_dma source(%dma_start3A_759 : memref<4096x128xf32, #tpu.memory_space<hbm>>) target(%dma_start3A_756 : memref<1x128xf32, #tpu.memory_space<vmem>>) offsets(%dma_start3A_757 : memref<1xi32, #tpu.memory_space<vmem>>) semaphore(%arg14 : memref<!tpu.dma_semaphore, #tpu.memory_space<semaphore_mem>>)
      %slice3A_760 = vector.extract_strided_slice %get3A_620 {offsets = [10], sizes = [1], strides = [1]} : vector<16xi32> to vector<1xi32>
      %squeeze3A_761 = vector.extract %slice3A_760[0] : i32 from vector<1xi32>
      %shift_right_arithmetic3A_762 = arith.constant 7 : i32
      %shift_right_arithmetic3A_763 = arith.shrsi %squeeze3A_761, %shift_right_arithmetic3A_762 : i32
      %shift_left3A_764 = arith.constant 7 : i32
      %shift_left3A_765 = arith.shli %shift_right_arithmetic3A_763, %shift_left3A_764 : i32
      %multiple_of3A_766 = tpu.assume_multiple %shift_left3A_765, 128 : i32
      %add3A_767 = arith.constant 10 : i32
      %add3A_768 = arith.addi %mul3A_617, %add3A_767 : i32
      %dma_start3A_769 = arith.constant 0 : i32
      %dma_start3A_770 = tpu.memref_slice %arg10[%add3A_768, %dma_start3A_769] : memref<256x128xf32, #tpu.memory_space<vmem>> -> memref<1x128xf32, #tpu.memory_space<vmem>>
      %dma_start3A_771 = tpu.memref_slice %arg9[%mul3A_624] : memref<1024xi32, #tpu.memory_space<vmem>> -> memref<1xi32, #tpu.memory_space<vmem>>
      %dma_start3A_772 = arith.constant 0 : i32
      %dma_start3A_773 = tpu.memref_slice %arg2[%dma_start3A_772, %multiple_of3A_766] : memref<4096x100000xf32, #tpu.memory_space<hbm>> -> memref<4096x128xf32, #tpu.memory_space<hbm>>
      tpu.enqueue_indirect_dma source(%dma_start3A_773 : memref<4096x128xf32, #tpu.memory_space<hbm>>) target(%dma_start3A_770 : memref<1x128xf32, #tpu.memory_space<vmem>>) offsets(%dma_start3A_771 : memref<1xi32, #tpu.memory_space<vmem>>) semaphore(%arg14 : memref<!tpu.dma_semaphore, #tpu.memory_space<semaphore_mem>>)
      %slice3A_774 = vector.extract_strided_slice %get3A_620 {offsets = [11], sizes = [1], strides = [1]} : vector<16xi32> to vector<1xi32>
      %squeeze3A_775 = vector.extract %slice3A_774[0] : i32 from vector<1xi32>
      %shift_right_arithmetic3A_776 = arith.constant 7 : i32
      %shift_right_arithmetic3A_777 = arith.shrsi %squeeze3A_775, %shift_right_arithmetic3A_776 : i32
      %shift_left3A_778 = arith.constant 7 : i32
      %shift_left3A_779 = arith.shli %shift_right_arithmetic3A_777, %shift_left3A_778 : i32
      %multiple_of3A_780 = tpu.assume_multiple %shift_left3A_779, 128 : i32
      %add3A_781 = arith.constant 11 : i32
      %add3A_782 = arith.addi %mul3A_617, %add3A_781 : i32
      %dma_start3A_783 = arith.constant 0 : i32
      %dma_start3A_784 = tpu.memref_slice %arg10[%add3A_782, %dma_start3A_783] : memref<256x128xf32, #tpu.memory_space<vmem>> -> memref<1x128xf32, #tpu.memory_space<vmem>>
      %dma_start3A_785 = tpu.memref_slice %arg9[%mul3A_624] : memref<1024xi32, #tpu.memory_space<vmem>> -> memref<1xi32, #tpu.memory_space<vmem>>
      %dma_start3A_786 = arith.constant 0 : i32
      %dma_start3A_787 = tpu.memref_slice %arg2[%dma_start3A_786, %multiple_of3A_780] : memref<4096x100000xf32, #tpu.memory_space<hbm>> -> memref<4096x128xf32, #tpu.memory_space<hbm>>
      tpu.enqueue_indirect_dma source(%dma_start3A_787 : memref<4096x128xf32, #tpu.memory_space<hbm>>) target(%dma_start3A_784 : memref<1x128xf32, #tpu.memory_space<vmem>>) offsets(%dma_start3A_785 : memref<1xi32, #tpu.memory_space<vmem>>) semaphore(%arg14 : memref<!tpu.dma_semaphore, #tpu.memory_space<semaphore_mem>>)
      %slice3A_788 = vector.extract_strided_slice %get3A_620 {offsets = [12], sizes = [1], strides = [1]} : vector<16xi32> to vector<1xi32>
      %squeeze3A_789 = vector.extract %slice3A_788[0] : i32 from vector<1xi32>
      %shift_right_arithmetic3A_790 = arith.constant 7 : i32
      %shift_right_arithmetic3A_791 = arith.shrsi %squeeze3A_789, %shift_right_arithmetic3A_790 : i32
      %shift_left3A_792 = arith.constant 7 : i32
      %shift_left3A_793 = arith.shli %shift_right_arithmetic3A_791, %shift_left3A_792 : i32
      %multiple_of3A_794 = tpu.assume_multiple %shift_left3A_793, 128 : i32
      %add3A_795 = arith.constant 12 : i32
      %add3A_796 = arith.addi %mul3A_617, %add3A_795 : i32
      %dma_start3A_797 = arith.constant 0 : i32
      %dma_start3A_798 = tpu.memref_slice %arg10[%add3A_796, %dma_start3A_797] : memref<256x128xf32, #tpu.memory_space<vmem>> -> memref<1x128xf32, #tpu.memory_space<vmem>>
      %dma_start3A_799 = tpu.memref_slice %arg9[%mul3A_624] : memref<1024xi32, #tpu.memory_space<vmem>> -> memref<1xi32, #tpu.memory_space<vmem>>
      %dma_start3A_800 = arith.constant 0 : i32
      %dma_start3A_801 = tpu.memref_slice %arg2[%dma_start3A_800, %multiple_of3A_794] : memref<4096x100000xf32, #tpu.memory_space<hbm>> -> memref<4096x128xf32, #tpu.memory_space<hbm>>
      tpu.enqueue_indirect_dma source(%dma_start3A_801 : memref<4096x128xf32, #tpu.memory_space<hbm>>) target(%dma_start3A_798 : memref<1x128xf32, #tpu.memory_space<vmem>>) offsets(%dma_start3A_799 : memref<1xi32, #tpu.memory_space<vmem>>) semaphore(%arg14 : memref<!tpu.dma_semaphore, #tpu.memory_space<semaphore_mem>>)
      %slice3A_802 = vector.extract_strided_slice %get3A_620 {offsets = [13], sizes = [1], strides = [1]} : vector<16xi32> to vector<1xi32>
      %squeeze3A_803 = vector.extract %slice3A_802[0] : i32 from vector<1xi32>
      %shift_right_arithmetic3A_804 = arith.constant 7 : i32
      %shift_right_arithmetic3A_805 = arith.shrsi %squeeze3A_803, %shift_right_arithmetic3A_804 : i32
      %shift_left3A_806 = arith.constant 7 : i32
      %shift_left3A_807 = arith.shli %shift_right_arithmetic3A_805, %shift_left3A_806 : i32
      %multiple_of3A_808 = tpu.assume_multiple %shift_left3A_807, 128 : i32
      %add3A_809 = arith.constant 13 : i32
      %add3A_810 = arith.addi %mul3A_617, %add3A_809 : i32
      %dma_start3A_811 = arith.constant 0 : i32
      %dma_start3A_812 = tpu.memref_slice %arg10[%add3A_810, %dma_start3A_811] : memref<256x128xf32, #tpu.memory_space<vmem>> -> memref<1x128xf32, #tpu.memory_space<vmem>>
      %dma_start3A_813 = tpu.memref_slice %arg9[%mul3A_624] : memref<1024xi32, #tpu.memory_space<vmem>> -> memref<1xi32, #tpu.memory_space<vmem>>
      %dma_start3A_814 = arith.constant 0 : i32
      %dma_start3A_815 = tpu.memref_slice %arg2[%dma_start3A_814, %multiple_of3A_808] : memref<4096x100000xf32, #tpu.memory_space<hbm>> -> memref<4096x128xf32, #tpu.memory_space<hbm>>
      tpu.enqueue_indirect_dma source(%dma_start3A_815 : memref<4096x128xf32, #tpu.memory_space<hbm>>) target(%dma_start3A_812 : memref<1x128xf32, #tpu.memory_space<vmem>>) offsets(%dma_start3A_813 : memref<1xi32, #tpu.memory_space<vmem>>) semaphore(%arg14 : memref<!tpu.dma_semaphore, #tpu.memory_space<semaphore_mem>>)
      %slice3A_816 = vector.extract_strided_slice %get3A_620 {offsets = [14], sizes = [1], strides = [1]} : vector<16xi32> to vector<1xi32>
      %squeeze3A_817 = vector.extract %slice3A_816[0] : i32 from vector<1xi32>
      %shift_right_arithmetic3A_818 = arith.constant 7 : i32
      %shift_right_arithmetic3A_819 = arith.shrsi %squeeze3A_817, %shift_right_arithmetic3A_818 : i32
      %shift_left3A_820 = arith.constant 7 : i32
      %shift_left3A_821 = arith.shli %shift_right_arithmetic3A_819, %shift_left3A_820 : i32
      %multiple_of3A_822 = tpu.assume_multiple %shift_left3A_821, 128 : i32
      %add3A_823 = arith.constant 14 : i32
      %add3A_824 = arith.addi %mul3A_617, %add3A_823 : i32
      %dma_start3A_825 = arith.constant 0 : i32
      %dma_start3A_826 = tpu.memref_slice %arg10[%add3A_824, %dma_start3A_825] : memref<256x128xf32, #tpu.memory_space<vmem>> -> memref<1x128xf32, #tpu.memory_space<vmem>>
      %dma_start3A_827 = tpu.memref_slice %arg9[%mul3A_624] : memref<1024xi32, #tpu.memory_space<vmem>> -> memref<1xi32, #tpu.memory_space<vmem>>
      %dma_start3A_828 = arith.constant 0 : i32
      %dma_start3A_829 = tpu.memref_slice %arg2[%dma_start3A_828, %multiple_of3A_822] : memref<4096x100000xf32, #tpu.memory_space<hbm>> -> memref<4096x128xf32, #tpu.memory_space<hbm>>
      tpu.enqueue_indirect_dma source(%dma_start3A_829 : memref<4096x128xf32, #tpu.memory_space<hbm>>) target(%dma_start3A_826 : memref<1x128xf32, #tpu.memory_space<vmem>>) offsets(%dma_start3A_827 : memref<1xi32, #tpu.memory_space<vmem>>) semaphore(%arg14 : memref<!tpu.dma_semaphore, #tpu.memory_space<semaphore_mem>>)
      %slice3A_830 = vector.extract_strided_slice %get3A_620 {offsets = [15], sizes = [1], strides = [1]} : vector<16xi32> to vector<1xi32>
      %squeeze3A_831 = vector.extract %slice3A_830[0] : i32 from vector<1xi32>
      %shift_right_arithmetic3A_832 = arith.constant 7 : i32
      %shift_right_arithmetic3A_833 = arith.shrsi %squeeze3A_831, %shift_right_arithmetic3A_832 : i32
      %shift_left3A_834 = arith.constant 7 : i32
      %shift_left3A_835 = arith.shli %shift_right_arithmetic3A_833, %shift_left3A_834 : i32
      %multiple_of3A_836 = tpu.assume_multiple %shift_left3A_835, 128 : i32
      %add3A_837 = arith.constant 15 : i32
      %add3A_838 = arith.addi %mul3A_617, %add3A_837 : i32
      %dma_start3A_839 = arith.constant 0 : i32
      %dma_start3A_840 = tpu.memref_slice %arg10[%add3A_838, %dma_start3A_839] : memref<256x128xf32, #tpu.memory_space<vmem>> -> memref<1x128xf32, #tpu.memory_space<vmem>>
      %dma_start3A_841 = tpu.memref_slice %arg9[%mul3A_624] : memref<1024xi32, #tpu.memory_space<vmem>> -> memref<1xi32, #tpu.memory_space<vmem>>
      %dma_start3A_842 = arith.constant 0 : i32
      %dma_start3A_843 = tpu.memref_slice %arg2[%dma_start3A_842, %multiple_of3A_836] : memref<4096x100000xf32, #tpu.memory_space<hbm>> -> memref<4096x128xf32, #tpu.memory_space<hbm>>
      tpu.enqueue_indirect_dma source(%dma_start3A_843 : memref<4096x128xf32, #tpu.memory_space<hbm>>) target(%dma_start3A_840 : memref<1x128xf32, #tpu.memory_space<vmem>>) offsets(%dma_start3A_841 : memref<1xi32, #tpu.memory_space<vmem>>) semaphore(%arg14 : memref<!tpu.dma_semaphore, #tpu.memory_space<semaphore_mem>>)
    }
    %scan3A_583 = arith.constant 16 : i32
    %scan3A_584 = arith.constant 0 : i32
    %scan3A_585 = arith.constant 0 : i32
    %scan3A_586 = arith.constant 16 : i32
    %scan3A_587 = arith.addi %scan3A_585, %scan3A_586 : i32
    %scan3A_588 = arith.constant 1 : i32
    scf.for %scan3A_615 = %scan3A_585 to %scan3A_587 step %scan3A_588  : i32 {
      %mul3A_616 = arith.constant 2 : i32
      %mul3A_617 = arith.muli %scan3A_615, %mul3A_616 : i32
      %add3A_618 = arith.constant 1 : i32
      %add3A_619 = arith.addi %mul3A_617, %add3A_618 : i32
      %scan3A_620 = arith.constant 0 : i32
      %scan3A_621 = arith.constant 0 : i32
      %scan3A_622 = arith.constant 16 : i32
      %scan3A_623 = arith.addi %scan3A_621, %scan3A_622 : i32
      %scan3A_624 = arith.constant 1 : i32
      scf.for %scan3A_656 = %scan3A_621 to %scan3A_623 step %scan3A_624  : i32 {
        %mul3A_657 = arith.constant 16 : i32
        %mul3A_658 = arith.muli %scan3A_656, %mul3A_657 : i32
        %mul3A_659 = arith.constant 256 : i32
        %mul3A_660 = arith.muli %add3A_619, %mul3A_659 : i32
        %add3A_661 = arith.addi %mul3A_660, %mul3A_658 : i32
        %get3A = arith.index_cast %add3A_661 : i32 to index
        %get3A_662 = tpu.vector_load %arg8[%get3A] {strides = array<i32>} : memref<8192xi32, #tpu.memory_space<vmem>>, vector<16xi32>,
        %shift_right_arithmetic3A_663 = arith.constant 6 : i32
        %shift_right_arithmetic3A_664 = arith.shrsi %add3A_661, %shift_right_arithmetic3A_663 : i32
        %mul3A_665 = arith.constant 8 : i32
        %mul3A_666 = arith.muli %shift_right_arithmetic3A_664, %mul3A_665 : i32
        %slice3A = vector.extract_strided_slice %get3A_662 {offsets = [0], sizes = [1], strides = [1]} : vector<16xi32> to vector<1xi32>
        %squeeze3A = vector.extract %slice3A[0] : i32 from vector<1xi32>
        %shift_right_arithmetic3A_667 = arith.constant 7 : i32
        %shift_right_arithmetic3A_668 = arith.shrsi %squeeze3A, %shift_right_arithmetic3A_667 : i32
        %shift_left3A = arith.constant 7 : i32
        %shift_left3A_669 = arith.shli %shift_right_arithmetic3A_668, %shift_left3A : i32
        %multiple_of3A = tpu.assume_multiple %shift_left3A_669, 128 : i32
        %add3A_670 = arith.constant 0 : i32
        %add3A_671 = arith.addi %mul3A_658, %add3A_670 : i32
        %dma_start3A = arith.constant 0 : i32
        %dma_start3A_672 = tpu.memref_slice %arg11[%add3A_671, %dma_start3A] : memref<256x128xf32, #tpu.memory_space<vmem>> -> memref<1x128xf32, #tpu.memory_space<vmem>>
        %dma_start3A_673 = tpu.memref_slice %arg9[%mul3A_666] : memref<1024xi32, #tpu.memory_space<vmem>> -> memref<1xi32, #tpu.memory_space<vmem>>
        %dma_start3A_674 = arith.constant 0 : i32
        %dma_start3A_675 = tpu.memref_slice %arg2[%dma_start3A_674, %multiple_of3A] : memref<4096x100000xf32, #tpu.memory_space<hbm>> -> memref<4096x128xf32, #tpu.memory_space<hbm>>
        tpu.enqueue_indirect_dma source(%dma_start3A_675 : memref<4096x128xf32, #tpu.memory_space<hbm>>) target(%dma_start3A_672 : memref<1x128xf32, #tpu.memory_space<vmem>>) offsets(%dma_start3A_673 : memref<1xi32, #tpu.memory_space<vmem>>) semaphore(%arg15 : memref<!tpu.dma_semaphore, #tpu.memory_space<semaphore_mem>>)
        %slice3A_676 = vector.extract_strided_slice %get3A_662 {offsets = [1], sizes = [1], strides = [1]} : vector<16xi32> to vector<1xi32>
        %squeeze3A_677 = vector.extract %slice3A_676[0] : i32 from vector<1xi32>
        %shift_right_arithmetic3A_678 = arith.constant 7 : i32
        %shift_right_arithmetic3A_679 = arith.shrsi %squeeze3A_677, %shift_right_arithmetic3A_678 : i32
        %shift_left3A_680 = arith.constant 7 : i32
        %shift_left3A_681 = arith.shli %shift_right_arithmetic3A_679, %shift_left3A_680 : i32
        %multiple_of3A_682 = tpu.assume_multiple %shift_left3A_681, 128 : i32
        %add3A_683 = arith.constant 1 : i32
        %add3A_684 = arith.addi %mul3A_658, %add3A_683 : i32
        %dma_start3A_685 = arith.constant 0 : i32
        %dma_start3A_686 = tpu.memref_slice %arg11[%add3A_684, %dma_start3A_685] : memref<256x128xf32, #tpu.memory_space<vmem>> -> memref<1x128xf32, #tpu.memory_space<vmem>>
        %dma_start3A_687 = tpu.memref_slice %arg9[%mul3A_666] : memref<1024xi32, #tpu.memory_space<vmem>> -> memref<1xi32, #tpu.memory_space<vmem>>
        %dma_start3A_688 = arith.constant 0 : i32
        %dma_start3A_689 = tpu.memref_slice %arg2[%dma_start3A_688, %multiple_of3A_682] : memref<4096x100000xf32, #tpu.memory_space<hbm>> -> memref<4096x128xf32, #tpu.memory_space<hbm>>
        tpu.enqueue_indirect_dma source(%dma_start3A_689 : memref<4096x128xf32, #tpu.memory_space<hbm>>) target(%dma_start3A_686 : memref<1x128xf32, #tpu.memory_space<vmem>>) offsets(%dma_start3A_687 : memref<1xi32, #tpu.memory_space<vmem>>) semaphore(%arg15 : memref<!tpu.dma_semaphore, #tpu.memory_space<semaphore_mem>>)
        %slice3A_690 = vector.extract_strided_slice %get3A_662 {offsets = [2], sizes = [1], strides = [1]} : vector<16xi32> to vector<1xi32>
        %squeeze3A_691 = vector.extract %slice3A_690[0] : i32 from vector<1xi32>
        %shift_right_arithmetic3A_692 = arith.constant 7 : i32
        %shift_right_arithmetic3A_693 = arith.shrsi %squeeze3A_691, %shift_right_arithmetic3A_692 : i32
        %shift_left3A_694 = arith.constant 7 : i32
        %shift_left3A_695 = arith.shli %shift_right_arithmetic3A_693, %shift_left3A_694 : i32
        %multiple_of3A_696 = tpu.assume_multiple %shift_left3A_695, 128 : i32
        %add3A_697 = arith.constant 2 : i32
        %add3A_698 = arith.addi %mul3A_658, %add3A_697 : i32
        %dma_start3A_699 = arith.constant 0 : i32
        %dma_start3A_700 = tpu.memref_slice %arg11[%add3A_698, %dma_start3A_699] : memref<256x128xf32, #tpu.memory_space<vmem>> -> memref<1x128xf32, #tpu.memory_space<vmem>>
        %dma_start3A_701 = tpu.memref_slice %arg9[%mul3A_666] : memref<1024xi32, #tpu.memory_space<vmem>> -> memref<1xi32, #tpu.memory_space<vmem>>
        %dma_start3A_702 = arith.constant 0 : i32
        %dma_start3A_703 = tpu.memref_slice %arg2[%dma_start3A_702, %multiple_of3A_696] : memref<4096x100000xf32, #tpu.memory_space<hbm>> -> memref<4096x128xf32, #tpu.memory_space<hbm>>
        tpu.enqueue_indirect_dma source(%dma_start3A_703 : memref<4096x128xf32, #tpu.memory_space<hbm>>) target(%dma_start3A_700 : memref<1x128xf32, #tpu.memory_space<vmem>>) offsets(%dma_start3A_701 : memref<1xi32, #tpu.memory_space<vmem>>) semaphore(%arg15 : memref<!tpu.dma_semaphore, #tpu.memory_space<semaphore_mem>>)
        %slice3A_704 = vector.extract_strided_slice %get3A_662 {offsets = [3], sizes = [1], strides = [1]} : vector<16xi32> to vector<1xi32>
        %squeeze3A_705 = vector.extract %slice3A_704[0] : i32 from vector<1xi32>
        %shift_right_arithmetic3A_706 = arith.constant 7 : i32
        %shift_right_arithmetic3A_707 = arith.shrsi %squeeze3A_705, %shift_right_arithmetic3A_706 : i32
        %shift_left3A_708 = arith.constant 7 : i32
        %shift_left3A_709 = arith.shli %shift_right_arithmetic3A_707, %shift_left3A_708 : i32
        %multiple_of3A_710 = tpu.assume_multiple %shift_left3A_709, 128 : i32
        %add3A_711 = arith.constant 3 : i32
        %add3A_712 = arith.addi %mul3A_658, %add3A_711 : i32
        %dma_start3A_713 = arith.constant 0 : i32
        %dma_start3A_714 = tpu.memref_slice %arg11[%add3A_712, %dma_start3A_713] : memref<256x128xf32, #tpu.memory_space<vmem>> -> memref<1x128xf32, #tpu.memory_space<vmem>>
        %dma_start3A_715 = tpu.memref_slice %arg9[%mul3A_666] : memref<1024xi32, #tpu.memory_space<vmem>> -> memref<1xi32, #tpu.memory_space<vmem>>
        %dma_start3A_716 = arith.constant 0 : i32
        %dma_start3A_717 = tpu.memref_slice %arg2[%dma_start3A_716, %multiple_of3A_710] : memref<4096x100000xf32, #tpu.memory_space<hbm>> -> memref<4096x128xf32, #tpu.memory_space<hbm>>
        tpu.enqueue_indirect_dma source(%dma_start3A_717 : memref<4096x128xf32, #tpu.memory_space<hbm>>) target(%dma_start3A_714 : memref<1x128xf32, #tpu.memory_space<vmem>>) offsets(%dma_start3A_715 : memref<1xi32, #tpu.memory_space<vmem>>) semaphore(%arg15 : memref<!tpu.dma_semaphore, #tpu.memory_space<semaphore_mem>>)
        %slice3A_718 = vector.extract_strided_slice %get3A_662 {offsets = [4], sizes = [1], strides = [1]} : vector<16xi32> to vector<1xi32>
        %squeeze3A_719 = vector.extract %slice3A_718[0] : i32 from vector<1xi32>
        %shift_right_arithmetic3A_720 = arith.constant 7 : i32
        %shift_right_arithmetic3A_721 = arith.shrsi %squeeze3A_719, %shift_right_arithmetic3A_720 : i32
        %shift_left3A_722 = arith.constant 7 : i32
        %shift_left3A_723 = arith.shli %shift_right_arithmetic3A_721, %shift_left3A_722 : i32
        %multiple_of3A_724 = tpu.assume_multiple %shift_left3A_723, 128 : i32
        %add3A_725 = arith.constant 4 : i32
        %add3A_726 = arith.addi %mul3A_658, %add3A_725 : i32
        %dma_start3A_727 = arith.constant 0 : i32
        %dma_start3A_728 = tpu.memref_slice %arg11[%add3A_726, %dma_start3A_727] : memref<256x128xf32, #tpu.memory_space<vmem>> -> memref<1x128xf32, #tpu.memory_space<vmem>>
        %dma_start3A_729 = tpu.memref_slice %arg9[%mul3A_666] : memref<1024xi32, #tpu.memory_space<vmem>> -> memref<1xi32, #tpu.memory_space<vmem>>
        %dma_start3A_730 = arith.constant 0 : i32
        %dma_start3A_731 = tpu.memref_slice %arg2[%dma_start3A_730, %multiple_of3A_724] : memref<4096x100000xf32, #tpu.memory_space<hbm>> -> memref<4096x128xf32, #tpu.memory_space<hbm>>
        tpu.enqueue_indirect_dma source(%dma_start3A_731 : memref<4096x128xf32, #tpu.memory_space<hbm>>) target(%dma_start3A_728 : memref<1x128xf32, #tpu.memory_space<vmem>>) offsets(%dma_start3A_729 : memref<1xi32, #tpu.memory_space<vmem>>) semaphore(%arg15 : memref<!tpu.dma_semaphore, #tpu.memory_space<semaphore_mem>>)
        %slice3A_732 = vector.extract_strided_slice %get3A_662 {offsets = [5], sizes = [1], strides = [1]} : vector<16xi32> to vector<1xi32>
        %squeeze3A_733 = vector.extract %slice3A_732[0] : i32 from vector<1xi32>
        %shift_right_arithmetic3A_734 = arith.constant 7 : i32
        %shift_right_arithmetic3A_735 = arith.shrsi %squeeze3A_733, %shift_right_arithmetic3A_734 : i32
        %shift_left3A_736 = arith.constant 7 : i32
        %shift_left3A_737 = arith.shli %shift_right_arithmetic3A_735, %shift_left3A_736 : i32
        %multiple_of3A_738 = tpu.assume_multiple %shift_left3A_737, 128 : i32
        %add3A_739 = arith.constant 5 : i32
        %add3A_740 = arith.addi %mul3A_658, %add3A_739 : i32
        %dma_start3A_741 = arith.constant 0 : i32
        %dma_start3A_742 = tpu.memref_slice %arg11[%add3A_740, %dma_start3A_741] : memref<256x128xf32, #tpu.memory_space<vmem>> -> memref<1x128xf32, #tpu.memory_space<vmem>>
        %dma_start3A_743 = tpu.memref_slice %arg9[%mul3A_666] : memref<1024xi32, #tpu.memory_space<vmem>> -> memref<1xi32, #tpu.memory_space<vmem>>
        %dma_start3A_744 = arith.constant 0 : i32
        %dma_start3A_745 = tpu.memref_slice %arg2[%dma_start3A_744, %multiple_of3A_738] : memref<4096x100000xf32, #tpu.memory_space<hbm>> -> memref<4096x128xf32, #tpu.memory_space<hbm>>
        tpu.enqueue_indirect_dma source(%dma_start3A_745 : memref<4096x128xf32, #tpu.memory_space<hbm>>) target(%dma_start3A_742 : memref<1x128xf32, #tpu.memory_space<vmem>>) offsets(%dma_start3A_743 : memref<1xi32, #tpu.memory_space<vmem>>) semaphore(%arg15 : memref<!tpu.dma_semaphore, #tpu.memory_space<semaphore_mem>>)
        %slice3A_746 = vector.extract_strided_slice %get3A_662 {offsets = [6], sizes = [1], strides = [1]} : vector<16xi32> to vector<1xi32>
        %squeeze3A_747 = vector.extract %slice3A_746[0] : i32 from vector<1xi32>
        %shift_right_arithmetic3A_748 = arith.constant 7 : i32
        %shift_right_arithmetic3A_749 = arith.shrsi %squeeze3A_747, %shift_right_arithmetic3A_748 : i32
        %shift_left3A_750 = arith.constant 7 : i32
        %shift_left3A_751 = arith.shli %shift_right_arithmetic3A_749, %shift_left3A_750 : i32
        %multiple_of3A_752 = tpu.assume_multiple %shift_left3A_751, 128 : i32
        %add3A_753 = arith.constant 6 : i32
        %add3A_754 = arith.addi %mul3A_658, %add3A_753 : i32
        %dma_start3A_755 = arith.constant 0 : i32
        %dma_start3A_756 = tpu.memref_slice %arg11[%add3A_754, %dma_start3A_755] : memref<256x128xf32, #tpu.memory_space<vmem>> -> memref<1x128xf32, #tpu.memory_space<vmem>>
        %dma_start3A_757 = tpu.memref_slice %arg9[%mul3A_666] : memref<1024xi32, #tpu.memory_space<vmem>> -> memref<1xi32, #tpu.memory_space<vmem>>
        %dma_start3A_758 = arith.constant 0 : i32
        %dma_start3A_759 = tpu.memref_slice %arg2[%dma_start3A_758, %multiple_of3A_752] : memref<4096x100000xf32, #tpu.memory_space<hbm>> -> memref<4096x128xf32, #tpu.memory_space<hbm>>
        tpu.enqueue_indirect_dma source(%dma_start3A_759 : memref<4096x128xf32, #tpu.memory_space<hbm>>) target(%dma_start3A_756 : memref<1x128xf32, #tpu.memory_space<vmem>>) offsets(%dma_start3A_757 : memref<1xi32, #tpu.memory_space<vmem>>) semaphore(%arg15 : memref<!tpu.dma_semaphore, #tpu.memory_space<semaphore_mem>>)
        %slice3A_760 = vector.extract_strided_slice %get3A_662 {offsets = [7], sizes = [1], strides = [1]} : vector<16xi32> to vector<1xi32>
        %squeeze3A_761 = vector.extract %slice3A_760[0] : i32 from vector<1xi32>
        %shift_right_arithmetic3A_762 = arith.constant 7 : i32
        %shift_right_arithmetic3A_763 = arith.shrsi %squeeze3A_761, %shift_right_arithmetic3A_762 : i32
        %shift_left3A_764 = arith.constant 7 : i32
        %shift_left3A_765 = arith.shli %shift_right_arithmetic3A_763, %shift_left3A_764 : i32
        %multiple_of3A_766 = tpu.assume_multiple %shift_left3A_765, 128 : i32
        %add3A_767 = arith.constant 7 : i32
        %add3A_768 = arith.addi %mul3A_658, %add3A_767 : i32
        %dma_start3A_769 = arith.constant 0 : i32
        %dma_start3A_770 = tpu.memref_slice %arg11[%add3A_768, %dma_start3A_769] : memref<256x128xf32, #tpu.memory_space<vmem>> -> memref<1x128xf32, #tpu.memory_space<vmem>>
        %dma_start3A_771 = tpu.memref_slice %arg9[%mul3A_666] : memref<1024xi32, #tpu.memory_space<vmem>> -> memref<1xi32, #tpu.memory_space<vmem>>
        %dma_start3A_772 = arith.constant 0 : i32
        %dma_start3A_773 = tpu.memref_slice %arg2[%dma_start3A_772, %multiple_of3A_766] : memref<4096x100000xf32, #tpu.memory_space<hbm>> -> memref<4096x128xf32, #tpu.memory_space<hbm>>
        tpu.enqueue_indirect_dma source(%dma_start3A_773 : memref<4096x128xf32, #tpu.memory_space<hbm>>) target(%dma_start3A_770 : memref<1x128xf32, #tpu.memory_space<vmem>>) offsets(%dma_start3A_771 : memref<1xi32, #tpu.memory_space<vmem>>) semaphore(%arg15 : memref<!tpu.dma_semaphore, #tpu.memory_space<semaphore_mem>>)
        %slice3A_774 = vector.extract_strided_slice %get3A_662 {offsets = [8], sizes = [1], strides = [1]} : vector<16xi32> to vector<1xi32>
        %squeeze3A_775 = vector.extract %slice3A_774[0] : i32 from vector<1xi32>
        %shift_right_arithmetic3A_776 = arith.constant 7 : i32
        %shift_right_arithmetic3A_777 = arith.shrsi %squeeze3A_775, %shift_right_arithmetic3A_776 : i32
        %shift_left3A_778 = arith.constant 7 : i32
        %shift_left3A_779 = arith.shli %shift_right_arithmetic3A_777, %shift_left3A_778 : i32
        %multiple_of3A_780 = tpu.assume_multiple %shift_left3A_779, 128 : i32
        %add3A_781 = arith.constant 8 : i32
        %add3A_782 = arith.addi %mul3A_658, %add3A_781 : i32
        %dma_start3A_783 = arith.constant 0 : i32
        %dma_start3A_784 = tpu.memref_slice %arg11[%add3A_782, %dma_start3A_783] : memref<256x128xf32, #tpu.memory_space<vmem>> -> memref<1x128xf32, #tpu.memory_space<vmem>>
        %dma_start3A_785 = tpu.memref_slice %arg9[%mul3A_666] : memref<1024xi32, #tpu.memory_space<vmem>> -> memref<1xi32, #tpu.memory_space<vmem>>
        %dma_start3A_786 = arith.constant 0 : i32
        %dma_start3A_787 = tpu.memref_slice %arg2[%dma_start3A_786, %multiple_of3A_780] : memref<4096x100000xf32, #tpu.memory_space<hbm>> -> memref<4096x128xf32, #tpu.memory_space<hbm>>
        tpu.enqueue_indirect_dma source(%dma_start3A_787 : memref<4096x128xf32, #tpu.memory_space<hbm>>) target(%dma_start3A_784 : memref<1x128xf32, #tpu.memory_space<vmem>>) offsets(%dma_start3A_785 : memref<1xi32, #tpu.memory_space<vmem>>) semaphore(%arg15 : memref<!tpu.dma_semaphore, #tpu.memory_space<semaphore_mem>>)
        %slice3A_788 = vector.extract_strided_slice %get3A_662 {offsets = [9], sizes = [1], strides = [1]} : vector<16xi32> to vector<1xi32>
        %squeeze3A_789 = vector.extract %slice3A_788[0] : i32 from vector<1xi32>
        %shift_right_arithmetic3A_790 = arith.constant 7 : i32
        %shift_right_arithmetic3A_791 = arith.shrsi %squeeze3A_789, %shift_right_arithmetic3A_790 : i32
        %shift_left3A_792 = arith.constant 7 : i32
        %shift_left3A_793 = arith.shli %shift_right_arithmetic3A_791, %shift_left3A_792 : i32
        %multiple_of3A_794 = tpu.assume_multiple %shift_left3A_793, 128 : i32
        %add3A_795 = arith.constant 9 : i32
        %add3A_796 = arith.addi %mul3A_658, %add3A_795 : i32
        %dma_start3A_797 = arith.constant 0 : i32
        %dma_start3A_798 = tpu.memref_slice %arg11[%add3A_796, %dma_start3A_797] : memref<256x128xf32, #tpu.memory_space<vmem>> -> memref<1x128xf32, #tpu.memory_space<vmem>>
        %dma_start3A_799 = tpu.memref_slice %arg9[%mul3A_666] : memref<1024xi32, #tpu.memory_space<vmem>> -> memref<1xi32, #tpu.memory_space<vmem>>
        %dma_start3A_800 = arith.constant 0 : i32
        %dma_start3A_801 = tpu.memref_slice %arg2[%dma_start3A_800, %multiple_of3A_794] : memref<4096x100000xf32, #tpu.memory_space<hbm>> -> memref<4096x128xf32, #tpu.memory_space<hbm>>
        tpu.enqueue_indirect_dma source(%dma_start3A_801 : memref<4096x128xf32, #tpu.memory_space<hbm>>) target(%dma_start3A_798 : memref<1x128xf32, #tpu.memory_space<vmem>>) offsets(%dma_start3A_799 : memref<1xi32, #tpu.memory_space<vmem>>) semaphore(%arg15 : memref<!tpu.dma_semaphore, #tpu.memory_space<semaphore_mem>>)
        %slice3A_802 = vector.extract_strided_slice %get3A_662 {offsets = [10], sizes = [1], strides = [1]} : vector<16xi32> to vector<1xi32>
        %squeeze3A_803 = vector.extract %slice3A_802[0] : i32 from vector<1xi32>
        %shift_right_arithmetic3A_804 = arith.constant 7 : i32
        %shift_right_arithmetic3A_805 = arith.shrsi %squeeze3A_803, %shift_right_arithmetic3A_804 : i32
        %shift_left3A_806 = arith.constant 7 : i32
        %shift_left3A_807 = arith.shli %shift_right_arithmetic3A_805, %shift_left3A_806 : i32
        %multiple_of3A_808 = tpu.assume_multiple %shift_left3A_807, 128 : i32
        %add3A_809 = arith.constant 10 : i32
        %add3A_810 = arith.addi %mul3A_658, %add3A_809 : i32
        %dma_start3A_811 = arith.constant 0 : i32
        %dma_start3A_812 = tpu.memref_slice %arg11[%add3A_810, %dma_start3A_811] : memref<256x128xf32, #tpu.memory_space<vmem>> -> memref<1x128xf32, #tpu.memory_space<vmem>>
        %dma_start3A_813 = tpu.memref_slice %arg9[%mul3A_666] : memref<1024xi32, #tpu.memory_space<vmem>> -> memref<1xi32, #tpu.memory_space<vmem>>
        %dma_start3A_814 = arith.constant 0 : i32
        %dma_start3A_815 = tpu.memref_slice %arg2[%dma_start3A_814, %multiple_of3A_808] : memref<4096x100000xf32, #tpu.memory_space<hbm>> -> memref<4096x128xf32, #tpu.memory_space<hbm>>
        tpu.enqueue_indirect_dma source(%dma_start3A_815 : memref<4096x128xf32, #tpu.memory_space<hbm>>) target(%dma_start3A_812 : memref<1x128xf32, #tpu.memory_space<vmem>>) offsets(%dma_start3A_813 : memref<1xi32, #tpu.memory_space<vmem>>) semaphore(%arg15 : memref<!tpu.dma_semaphore, #tpu.memory_space<semaphore_mem>>)
        %slice3A_816 = vector.extract_strided_slice %get3A_662 {offsets = [11], sizes = [1], strides = [1]} : vector<16xi32> to vector<1xi32>
        %squeeze3A_817 = vector.extract %slice3A_816[0] : i32 from vector<1xi32>
        %shift_right_arithmetic3A_818 = arith.constant 7 : i32
        %shift_right_arithmetic3A_819 = arith.shrsi %squeeze3A_817, %shift_right_arithmetic3A_818 : i32
        %shift_left3A_820 = arith.constant 7 : i32
        %shift_left3A_821 = arith.shli %shift_right_arithmetic3A_819, %shift_left3A_820 : i32
        %multiple_of3A_822 = tpu.assume_multiple %shift_left3A_821, 128 : i32
        %add3A_823 = arith.constant 11 : i32
        %add3A_824 = arith.addi %mul3A_658, %add3A_823 : i32
        %dma_start3A_825 = arith.constant 0 : i32
        %dma_start3A_826 = tpu.memref_slice %arg11[%add3A_824, %dma_start3A_825] : memref<256x128xf32, #tpu.memory_space<vmem>> -> memref<1x128xf32, #tpu.memory_space<vmem>>
        %dma_start3A_827 = tpu.memref_slice %arg9[%mul3A_666] : memref<1024xi32, #tpu.memory_space<vmem>> -> memref<1xi32, #tpu.memory_space<vmem>>
        %dma_start3A_828 = arith.constant 0 : i32
        %dma_start3A_829 = tpu.memref_slice %arg2[%dma_start3A_828, %multiple_of3A_822] : memref<4096x100000xf32, #tpu.memory_space<hbm>> -> memref<4096x128xf32, #tpu.memory_space<hbm>>
        tpu.enqueue_indirect_dma source(%dma_start3A_829 : memref<4096x128xf32, #tpu.memory_space<hbm>>) target(%dma_start3A_826 : memref<1x128xf32, #tpu.memory_space<vmem>>) offsets(%dma_start3A_827 : memref<1xi32, #tpu.memory_space<vmem>>) semaphore(%arg15 : memref<!tpu.dma_semaphore, #tpu.memory_space<semaphore_mem>>)
        %slice3A_830 = vector.extract_strided_slice %get3A_662 {offsets = [12], sizes = [1], strides = [1]} : vector<16xi32> to vector<1xi32>
        %squeeze3A_831 = vector.extract %slice3A_830[0] : i32 from vector<1xi32>
        %shift_right_arithmetic3A_832 = arith.constant 7 : i32
        %shift_right_arithmetic3A_833 = arith.shrsi %squeeze3A_831, %shift_right_arithmetic3A_832 : i32
        %shift_left3A_834 = arith.constant 7 : i32
        %shift_left3A_835 = arith.shli %shift_right_arithmetic3A_833, %shift_left3A_834 : i32
        %multiple_of3A_836 = tpu.assume_multiple %shift_left3A_835, 128 : i32
        %add3A_837 = arith.constant 12 : i32
        %add3A_838 = arith.addi %mul3A_658, %add3A_837 : i32
        %dma_start3A_839 = arith.constant 0 : i32
        %dma_start3A_840 = tpu.memref_slice %arg11[%add3A_838, %dma_start3A_839] : memref<256x128xf32, #tpu.memory_space<vmem>> -> memref<1x128xf32, #tpu.memory_space<vmem>>
        %dma_start3A_841 = tpu.memref_slice %arg9[%mul3A_666] : memref<1024xi32, #tpu.memory_space<vmem>> -> memref<1xi32, #tpu.memory_space<vmem>>
        %dma_start3A_842 = arith.constant 0 : i32
        %dma_start3A_843 = tpu.memref_slice %arg2[%dma_start3A_842, %multiple_of3A_836] : memref<4096x100000xf32, #tpu.memory_space<hbm>> -> memref<4096x128xf32, #tpu.memory_space<hbm>>
        tpu.enqueue_indirect_dma source(%dma_start3A_843 : memref<4096x128xf32, #tpu.memory_space<hbm>>) target(%dma_start3A_840 : memref<1x128xf32, #tpu.memory_space<vmem>>) offsets(%dma_start3A_841 : memref<1xi32, #tpu.memory_space<vmem>>) semaphore(%arg15 : memref<!tpu.dma_semaphore, #tpu.memory_space<semaphore_mem>>)
        %slice3A_844 = vector.extract_strided_slice %get3A_662 {offsets = [13], sizes = [1], strides = [1]} : vector<16xi32> to vector<1xi32>
        %squeeze3A_845 = vector.extract %slice3A_844[0] : i32 from vector<1xi32>
        %shift_right_arithmetic3A_846 = arith.constant 7 : i32
        %shift_right_arithmetic3A_847 = arith.shrsi %squeeze3A_845, %shift_right_arithmetic3A_846 : i32
        %shift_left3A_848 = arith.constant 7 : i32
        %shift_left3A_849 = arith.shli %shift_right_arithmetic3A_847, %shift_left3A_848 : i32
        %multiple_of3A_850 = tpu.assume_multiple %shift_left3A_849, 128 : i32
        %add3A_851 = arith.constant 13 : i32
        %add3A_852 = arith.addi %mul3A_658, %add3A_851 : i32
        %dma_start3A_853 = arith.constant 0 : i32
        %dma_start3A_854 = tpu.memref_slice %arg11[%add3A_852, %dma_start3A_853] : memref<256x128xf32, #tpu.memory_space<vmem>> -> memref<1x128xf32, #tpu.memory_space<vmem>>
        %dma_start3A_855 = tpu.memref_slice %arg9[%mul3A_666] : memref<1024xi32, #tpu.memory_space<vmem>> -> memref<1xi32, #tpu.memory_space<vmem>>
        %dma_start3A_856 = arith.constant 0 : i32
        %dma_start3A_857 = tpu.memref_slice %arg2[%dma_start3A_856, %multiple_of3A_850] : memref<4096x100000xf32, #tpu.memory_space<hbm>> -> memref<4096x128xf32, #tpu.memory_space<hbm>>
        tpu.enqueue_indirect_dma source(%dma_start3A_857 : memref<4096x128xf32, #tpu.memory_space<hbm>>) target(%dma_start3A_854 : memref<1x128xf32, #tpu.memory_space<vmem>>) offsets(%dma_start3A_855 : memref<1xi32, #tpu.memory_space<vmem>>) semaphore(%arg15 : memref<!tpu.dma_semaphore, #tpu.memory_space<semaphore_mem>>)
        %slice3A_858 = vector.extract_strided_slice %get3A_662 {offsets = [14], sizes = [1], strides = [1]} : vector<16xi32> to vector<1xi32>
        %squeeze3A_859 = vector.extract %slice3A_858[0] : i32 from vector<1xi32>
        %shift_right_arithmetic3A_860 = arith.constant 7 : i32
        %shift_right_arithmetic3A_861 = arith.shrsi %squeeze3A_859, %shift_right_arithmetic3A_860 : i32
        %shift_left3A_862 = arith.constant 7 : i32
        %shift_left3A_863 = arith.shli %shift_right_arithmetic3A_861, %shift_left3A_862 : i32
        %multiple_of3A_864 = tpu.assume_multiple %shift_left3A_863, 128 : i32
        %add3A_865 = arith.constant 14 : i32
        %add3A_866 = arith.addi %mul3A_658, %add3A_865 : i32
        %dma_start3A_867 = arith.constant 0 : i32
        %dma_start3A_868 = tpu.memref_slice %arg11[%add3A_866, %dma_start3A_867] : memref<256x128xf32, #tpu.memory_space<vmem>> -> memref<1x128xf32, #tpu.memory_space<vmem>>
        %dma_start3A_869 = tpu.memref_slice %arg9[%mul3A_666] : memref<1024xi32, #tpu.memory_space<vmem>> -> memref<1xi32, #tpu.memory_space<vmem>>
        %dma_start3A_870 = arith.constant 0 : i32
        %dma_start3A_871 = tpu.memref_slice %arg2[%dma_start3A_870, %multiple_of3A_864] : memref<4096x100000xf32, #tpu.memory_space<hbm>> -> memref<4096x128xf32, #tpu.memory_space<hbm>>
        tpu.enqueue_indirect_dma source(%dma_start3A_871 : memref<4096x128xf32, #tpu.memory_space<hbm>>) target(%dma_start3A_868 : memref<1x128xf32, #tpu.memory_space<vmem>>) offsets(%dma_start3A_869 : memref<1xi32, #tpu.memory_space<vmem>>) semaphore(%arg15 : memref<!tpu.dma_semaphore, #tpu.memory_space<semaphore_mem>>)
        %slice3A_872 = vector.extract_strided_slice %get3A_662 {offsets = [15], sizes = [1], strides = [1]} : vector<16xi32> to vector<1xi32>
        %squeeze3A_873 = vector.extract %slice3A_872[0] : i32 from vector<1xi32>
        %shift_right_arithmetic3A_874 = arith.constant 7 : i32
        %shift_right_arithmetic3A_875 = arith.shrsi %squeeze3A_873, %shift_right_arithmetic3A_874 : i32
        %shift_left3A_876 = arith.constant 7 : i32
        %shift_left3A_877 = arith.shli %shift_right_arithmetic3A_875, %shift_left3A_876 : i32
        %multiple_of3A_878 = tpu.assume_multiple %shift_left3A_877, 128 : i32
        %add3A_879 = arith.constant 15 : i32
        %add3A_880 = arith.addi %mul3A_658, %add3A_879 : i32
        %dma_start3A_881 = arith.constant 0 : i32
        %dma_start3A_882 = tpu.memref_slice %arg11[%add3A_880, %dma_start3A_881] : memref<256x128xf32, #tpu.memory_space<vmem>> -> memref<1x128xf32, #tpu.memory_space<vmem>>
        %dma_start3A_883 = tpu.memref_slice %arg9[%mul3A_666] : memref<1024xi32, #tpu.memory_space<vmem>> -> memref<1xi32, #tpu.memory_space<vmem>>
        %dma_start3A_884 = arith.constant 0 : i32
        %dma_start3A_885 = tpu.memref_slice %arg2[%dma_start3A_884, %multiple_of3A_878] : memref<4096x100000xf32, #tpu.memory_space<hbm>> -> memref<4096x128xf32, #tpu.memory_space<hbm>>
        tpu.enqueue_indirect_dma source(%dma_start3A_885 : memref<4096x128xf32, #tpu.memory_space<hbm>>) target(%dma_start3A_882 : memref<1x128xf32, #tpu.memory_space<vmem>>) offsets(%dma_start3A_883 : memref<1xi32, #tpu.memory_space<vmem>>) semaphore(%arg15 : memref<!tpu.dma_semaphore, #tpu.memory_space<semaphore_mem>>)
      }
      %scan3A_625 = arith.constant 16 : i32
      %dma_wait3A_626 = arith.constant 0 : i32
      %dma_wait3A_627 = arith.constant 0 : i32
      %dma_wait3A_628 = tpu.memref_slice %arg2[%dma_wait3A_626, %dma_wait3A_627] : memref<4096x100000xf32, #tpu.memory_space<hbm>> -> memref<256x128xf32, #tpu.memory_space<hbm>>
      %dma_wait3A_629 = arith.constant 0 : i32
      %dma_wait3A_630 = arith.constant 0 : i32
      %dma_wait3A_631 = tpu.memref_slice %arg2[%dma_wait3A_629, %dma_wait3A_630] : memref<4096x100000xf32, #tpu.memory_space<hbm>> -> memref<256x128xf32, #tpu.memory_space<hbm>>
      tpu.wait_dma2 semaphore(%arg14 : memref<!tpu.dma_semaphore, #tpu.memory_space<semaphore_mem>>) src(%dma_wait3A_631 : memref<256x128xf32, #tpu.memory_space<hbm>>) dst(%arg10 : memref<256x128xf32, #tpu.memory_space<vmem>>)
      %scan3A_632 = arith.constant 0 : i32
      %scan3A_633 = arith.constant 0 : i32
      %scan3A_634 = arith.constant 16 : i32
      %scan3A_635 = arith.addi %scan3A_633, %scan3A_634 : i32
      %scan3A_636 = arith.constant 1 : i32
      scf.for %scan3A_656 = %scan3A_633 to %scan3A_635 step %scan3A_636  : i32 {
        %mul3A_657 = arith.constant 16 : i32
        %mul3A_658 = arith.muli %scan3A_656, %mul3A_657 : i32
        %mul3A_659 = arith.constant 256 : i32
        %mul3A_660 = arith.muli %mul3A_617, %mul3A_659 : i32
        %add3A_661 = arith.addi %mul3A_660, %mul3A_658 : i32
        %get3A = arith.index_cast %add3A_661 : i32 to index
        %get3A_662 = tpu.vector_load %arg8[%get3A] {strides = array<i32>} : memref<8192xi32, #tpu.memory_space<vmem>>, vector<16xi32>,
        %and3A = arith.constant 127 : i32
        %and3A_663 = vector.broadcast %and3A : i32 to vector<16xi32>
        %and3A_664 = arith.andi %get3A_662, %and3A_663 : vector<16xi32>
        %add3A_665 = vector.broadcast %mul3A_658 : i32 to vector<16xi32>
        %add3A_666 = arith.addi %add3A_665, %iota3A : vector<16xi32>
        %gather3A = tpu.vector_load_idx %arg10[%add3A_666, %and3A_664] : memref<256x128xf32, #tpu.memory_space<vmem>>[vector<16xi32>, vector<16xi32>], vector<16xf32>,
        %mul3A_667 = arith.constant 256 : i32
        %mul3A_668 = arith.muli %mul3A_617, %mul3A_667 : i32
        %add3A_669 = arith.addi %mul3A_668, %mul3A_658 : i32
        %swap3A_670 = arith.index_cast %add3A_669 : i32 to index
        %swap3A_671 = tpu.vector_load %arg13[%swap3A_670] {strides = array<i32>} : memref<8192xf32, #tpu.memory_space<vmem>>, vector<16xf32>,
        tpu.vector_store %arg13[%swap3A_670], %gather3A {strides = array<i32>} : memref<8192xf32, #tpu.memory_space<vmem>>, vector<16xf32>,
      }
      %scan3A_637 = arith.constant 16 : i32
      %add3A_638 = arith.constant 2 : i32
      %add3A_639 = arith.addi %mul3A_617, %add3A_638 : i32
      %lt3A = arith.constant 32 : i32
      %lt3A_640 = arith.cmpi slt, %add3A_639, %lt3A : i32
      %convert_element_type3A = arith.extui %lt3A_640 : i1 to i32
      %cond3A = arith.constant 0 : i32
      %cond3A_641 = arith.cmpi ne, %convert_element_type3A, %cond3A : i32
      scf.if %cond3A_641 {
        %add3A_656 = arith.constant 2 : i32
        %add3A_657 = arith.addi %mul3A_617, %add3A_656 : i32
        %scan3A_658 = arith.constant 0 : i32
        %scan3A_659 = arith.constant 0 : i32
        %scan3A_660 = arith.constant 16 : i32
        %scan3A_661 = arith.addi %scan3A_659, %scan3A_660 : i32
        %scan3A_662 = arith.constant 1 : i32
        scf.for %scan3A_664 = %scan3A_659 to %scan3A_661 step %scan3A_662  : i32 {
          %mul3A_665 = arith.constant 16 : i32
          %mul3A_666 = arith.muli %scan3A_664, %mul3A_665 : i32
          %mul3A_667 = arith.constant 256 : i32
          %mul3A_668 = arith.muli %add3A_657, %mul3A_667 : i32
          %add3A_669 = arith.addi %mul3A_668, %mul3A_666 : i32
          %get3A = arith.index_cast %add3A_669 : i32 to index
          %get3A_670 = tpu.vector_load %arg8[%get3A] {strides = array<i32>} : memref<8192xi32, #tpu.memory_space<vmem>>, vector<16xi32>,
          %shift_right_arithmetic3A_671 = arith.constant 6 : i32
          %shift_right_arithmetic3A_672 = arith.shrsi %add3A_669, %shift_right_arithmetic3A_671 : i32
          %mul3A_673 = arith.constant 8 : i32
          %mul3A_674 = arith.muli %shift_right_arithmetic3A_672, %mul3A_673 : i32
          %slice3A = vector.extract_strided_slice %get3A_670 {offsets = [0], sizes = [1], strides = [1]} : vector<16xi32> to vector<1xi32>
          %squeeze3A = vector.extract %slice3A[0] : i32 from vector<1xi32>
          %shift_right_arithmetic3A_675 = arith.constant 7 : i32
          %shift_right_arithmetic3A_676 = arith.shrsi %squeeze3A, %shift_right_arithmetic3A_675 : i32
          %shift_left3A = arith.constant 7 : i32
          %shift_left3A_677 = arith.shli %shift_right_arithmetic3A_676, %shift_left3A : i32
          %multiple_of3A = tpu.assume_multiple %shift_left3A_677, 128 : i32
          %add3A_678 = arith.constant 0 : i32
          %add3A_679 = arith.addi %mul3A_666, %add3A_678 : i32
          %dma_start3A = arith.constant 0 : i32
          %dma_start3A_680 = tpu.memref_slice %arg10[%add3A_679, %dma_start3A] : memref<256x128xf32, #tpu.memory_space<vmem>> -> memref<1x128xf32, #tpu.memory_space<vmem>>
          %dma_start3A_681 = tpu.memref_slice %arg9[%mul3A_674] : memref<1024xi32, #tpu.memory_space<vmem>> -> memref<1xi32, #tpu.memory_space<vmem>>
          %dma_start3A_682 = arith.constant 0 : i32
          %dma_start3A_683 = tpu.memref_slice %arg2[%dma_start3A_682, %multiple_of3A] : memref<4096x100000xf32, #tpu.memory_space<hbm>> -> memref<4096x128xf32, #tpu.memory_space<hbm>>
          tpu.enqueue_indirect_dma source(%dma_start3A_683 : memref<4096x128xf32, #tpu.memory_space<hbm>>) target(%dma_start3A_680 : memref<1x128xf32, #tpu.memory_space<vmem>>) offsets(%dma_start3A_681 : memref<1xi32, #tpu.memory_space<vmem>>) semaphore(%arg14 : memref<!tpu.dma_semaphore, #tpu.memory_space<semaphore_mem>>)
          %slice3A_684 = vector.extract_strided_slice %get3A_670 {offsets = [1], sizes = [1], strides = [1]} : vector<16xi32> to vector<1xi32>
          %squeeze3A_685 = vector.extract %slice3A_684[0] : i32 from vector<1xi32>
          %shift_right_arithmetic3A_686 = arith.constant 7 : i32
          %shift_right_arithmetic3A_687 = arith.shrsi %squeeze3A_685, %shift_right_arithmetic3A_686 : i32
          %shift_left3A_688 = arith.constant 7 : i32
          %shift_left3A_689 = arith.shli %shift_right_arithmetic3A_687, %shift_left3A_688 : i32
          %multiple_of3A_690 = tpu.assume_multiple %shift_left3A_689, 128 : i32
          %add3A_691 = arith.constant 1 : i32
          %add3A_692 = arith.addi %mul3A_666, %add3A_691 : i32
          %dma_start3A_693 = arith.constant 0 : i32
          %dma_start3A_694 = tpu.memref_slice %arg10[%add3A_692, %dma_start3A_693] : memref<256x128xf32, #tpu.memory_space<vmem>> -> memref<1x128xf32, #tpu.memory_space<vmem>>
          %dma_start3A_695 = tpu.memref_slice %arg9[%mul3A_674] : memref<1024xi32, #tpu.memory_space<vmem>> -> memref<1xi32, #tpu.memory_space<vmem>>
          %dma_start3A_696 = arith.constant 0 : i32
          %dma_start3A_697 = tpu.memref_slice %arg2[%dma_start3A_696, %multiple_of3A_690] : memref<4096x100000xf32, #tpu.memory_space<hbm>> -> memref<4096x128xf32, #tpu.memory_space<hbm>>
          tpu.enqueue_indirect_dma source(%dma_start3A_697 : memref<4096x128xf32, #tpu.memory_space<hbm>>) target(%dma_start3A_694 : memref<1x128xf32, #tpu.memory_space<vmem>>) offsets(%dma_start3A_695 : memref<1xi32, #tpu.memory_space<vmem>>) semaphore(%arg14 : memref<!tpu.dma_semaphore, #tpu.memory_space<semaphore_mem>>)
          %slice3A_698 = vector.extract_strided_slice %get3A_670 {offsets = [2], sizes = [1], strides = [1]} : vector<16xi32> to vector<1xi32>
          %squeeze3A_699 = vector.extract %slice3A_698[0] : i32 from vector<1xi32>
          %shift_right_arithmetic3A_700 = arith.constant 7 : i32
          %shift_right_arithmetic3A_701 = arith.shrsi %squeeze3A_699, %shift_right_arithmetic3A_700 : i32
          %shift_left3A_702 = arith.constant 7 : i32
          %shift_left3A_703 = arith.shli %shift_right_arithmetic3A_701, %shift_left3A_702 : i32
          %multiple_of3A_704 = tpu.assume_multiple %shift_left3A_703, 128 : i32
          %add3A_705 = arith.constant 2 : i32
          %add3A_706 = arith.addi %mul3A_666, %add3A_705 : i32
          %dma_start3A_707 = arith.constant 0 : i32
          %dma_start3A_708 = tpu.memref_slice %arg10[%add3A_706, %dma_start3A_707] : memref<256x128xf32, #tpu.memory_space<vmem>> -> memref<1x128xf32, #tpu.memory_space<vmem>>
          %dma_start3A_709 = tpu.memref_slice %arg9[%mul3A_674] : memref<1024xi32, #tpu.memory_space<vmem>> -> memref<1xi32, #tpu.memory_space<vmem>>
          %dma_start3A_710 = arith.constant 0 : i32
          %dma_start3A_711 = tpu.memref_slice %arg2[%dma_start3A_710, %multiple_of3A_704] : memref<4096x100000xf32, #tpu.memory_space<hbm>> -> memref<4096x128xf32, #tpu.memory_space<hbm>>
          tpu.enqueue_indirect_dma source(%dma_start3A_711 : memref<4096x128xf32, #tpu.memory_space<hbm>>) target(%dma_start3A_708 : memref<1x128xf32, #tpu.memory_space<vmem>>) offsets(%dma_start3A_709 : memref<1xi32, #tpu.memory_space<vmem>>) semaphore(%arg14 : memref<!tpu.dma_semaphore, #tpu.memory_space<semaphore_mem>>)
          %slice3A_712 = vector.extract_strided_slice %get3A_670 {offsets = [3], sizes = [1], strides = [1]} : vector<16xi32> to vector<1xi32>
          %squeeze3A_713 = vector.extract %slice3A_712[0] : i32 from vector<1xi32>
          %shift_right_arithmetic3A_714 = arith.constant 7 : i32
          %shift_right_arithmetic3A_715 = arith.shrsi %squeeze3A_713, %shift_right_arithmetic3A_714 : i32
          %shift_left3A_716 = arith.constant 7 : i32
          %shift_left3A_717 = arith.shli %shift_right_arithmetic3A_715, %shift_left3A_716 : i32
          %multiple_of3A_718 = tpu.assume_multiple %shift_left3A_717, 128 : i32
          %add3A_719 = arith.constant 3 : i32
          %add3A_720 = arith.addi %mul3A_666, %add3A_719 : i32
          %dma_start3A_721 = arith.constant 0 : i32
          %dma_start3A_722 = tpu.memref_slice %arg10[%add3A_720, %dma_start3A_721] : memref<256x128xf32, #tpu.memory_space<vmem>> -> memref<1x128xf32, #tpu.memory_space<vmem>>
          %dma_start3A_723 = tpu.memref_slice %arg9[%mul3A_674] : memref<1024xi32, #tpu.memory_space<vmem>> -> memref<1xi32, #tpu.memory_space<vmem>>
          %dma_start3A_724 = arith.constant 0 : i32
          %dma_start3A_725 = tpu.memref_slice %arg2[%dma_start3A_724, %multiple_of3A_718] : memref<4096x100000xf32, #tpu.memory_space<hbm>> -> memref<4096x128xf32, #tpu.memory_space<hbm>>
          tpu.enqueue_indirect_dma source(%dma_start3A_725 : memref<4096x128xf32, #tpu.memory_space<hbm>>) target(%dma_start3A_722 : memref<1x128xf32, #tpu.memory_space<vmem>>) offsets(%dma_start3A_723 : memref<1xi32, #tpu.memory_space<vmem>>) semaphore(%arg14 : memref<!tpu.dma_semaphore, #tpu.memory_space<semaphore_mem>>)
          %slice3A_726 = vector.extract_strided_slice %get3A_670 {offsets = [4], sizes = [1], strides = [1]} : vector<16xi32> to vector<1xi32>
          %squeeze3A_727 = vector.extract %slice3A_726[0] : i32 from vector<1xi32>
          %shift_right_arithmetic3A_728 = arith.constant 7 : i32
          %shift_right_arithmetic3A_729 = arith.shrsi %squeeze3A_727, %shift_right_arithmetic3A_728 : i32
          %shift_left3A_730 = arith.constant 7 : i32
          %shift_left3A_731 = arith.shli %shift_right_arithmetic3A_729, %shift_left3A_730 : i32
          %multiple_of3A_732 = tpu.assume_multiple %shift_left3A_731, 128 : i32
          %add3A_733 = arith.constant 4 : i32
          %add3A_734 = arith.addi %mul3A_666, %add3A_733 : i32
          %dma_start3A_735 = arith.constant 0 : i32
          %dma_start3A_736 = tpu.memref_slice %arg10[%add3A_734, %dma_start3A_735] : memref<256x128xf32, #tpu.memory_space<vmem>> -> memref<1x128xf32, #tpu.memory_space<vmem>>
          %dma_start3A_737 = tpu.memref_slice %arg9[%mul3A_674] : memref<1024xi32, #tpu.memory_space<vmem>> -> memref<1xi32, #tpu.memory_space<vmem>>
          %dma_start3A_738 = arith.constant 0 : i32
          %dma_start3A_739 = tpu.memref_slice %arg2[%dma_start3A_738, %multiple_of3A_732] : memref<4096x100000xf32, #tpu.memory_space<hbm>> -> memref<4096x128xf32, #tpu.memory_space<hbm>>
          tpu.enqueue_indirect_dma source(%dma_start3A_739 : memref<4096x128xf32, #tpu.memory_space<hbm>>) target(%dma_start3A_736 : memref<1x128xf32, #tpu.memory_space<vmem>>) offsets(%dma_start3A_737 : memref<1xi32, #tpu.memory_space<vmem>>) semaphore(%arg14 : memref<!tpu.dma_semaphore, #tpu.memory_space<semaphore_mem>>)
          %slice3A_740 = vector.extract_strided_slice %get3A_670 {offsets = [5], sizes = [1], strides = [1]} : vector<16xi32> to vector<1xi32>
          %squeeze3A_741 = vector.extract %slice3A_740[0] : i32 from vector<1xi32>
          %shift_right_arithmetic3A_742 = arith.constant 7 : i32
          %shift_right_arithmetic3A_743 = arith.shrsi %squeeze3A_741, %shift_right_arithmetic3A_742 : i32
          %shift_left3A_744 = arith.constant 7 : i32
          %shift_left3A_745 = arith.shli %shift_right_arithmetic3A_743, %shift_left3A_744 : i32
          %multiple_of3A_746 = tpu.assume_multiple %shift_left3A_745, 128 : i32
          %add3A_747 = arith.constant 5 : i32
          %add3A_748 = arith.addi %mul3A_666, %add3A_747 : i32
          %dma_start3A_749 = arith.constant 0 : i32
          %dma_start3A_750 = tpu.memref_slice %arg10[%add3A_748, %dma_start3A_749] : memref<256x128xf32, #tpu.memory_space<vmem>> -> memref<1x128xf32, #tpu.memory_space<vmem>>
          %dma_start3A_751 = tpu.memref_slice %arg9[%mul3A_674] : memref<1024xi32, #tpu.memory_space<vmem>> -> memref<1xi32, #tpu.memory_space<vmem>>
          %dma_start3A_752 = arith.constant 0 : i32
          %dma_start3A_753 = tpu.memref_slice %arg2[%dma_start3A_752, %multiple_of3A_746] : memref<4096x100000xf32, #tpu.memory_space<hbm>> -> memref<4096x128xf32, #tpu.memory_space<hbm>>
          tpu.enqueue_indirect_dma source(%dma_start3A_753 : memref<4096x128xf32, #tpu.memory_space<hbm>>) target(%dma_start3A_750 : memref<1x128xf32, #tpu.memory_space<vmem>>) offsets(%dma_start3A_751 : memref<1xi32, #tpu.memory_space<vmem>>) semaphore(%arg14 : memref<!tpu.dma_semaphore, #tpu.memory_space<semaphore_mem>>)
          %slice3A_754 = vector.extract_strided_slice %get3A_670 {offsets = [6], sizes = [1], strides = [1]} : vector<16xi32> to vector<1xi32>
          %squeeze3A_755 = vector.extract %slice3A_754[0] : i32 from vector<1xi32>
          %shift_right_arithmetic3A_756 = arith.constant 7 : i32
          %shift_right_arithmetic3A_757 = arith.shrsi %squeeze3A_755, %shift_right_arithmetic3A_756 : i32
          %shift_left3A_758 = arith.constant 7 : i32
          %shift_left3A_759 = arith.shli %shift_right_arithmetic3A_757, %shift_left3A_758 : i32
          %multiple_of3A_760 = tpu.assume_multiple %shift_left3A_759, 128 : i32
          %add3A_761 = arith.constant 6 : i32
          %add3A_762 = arith.addi %mul3A_666, %add3A_761 : i32
          %dma_start3A_763 = arith.constant 0 : i32
          %dma_start3A_764 = tpu.memref_slice %arg10[%add3A_762, %dma_start3A_763] : memref<256x128xf32, #tpu.memory_space<vmem>> -> memref<1x128xf32, #tpu.memory_space<vmem>>
          %dma_start3A_765 = tpu.memref_slice %arg9[%mul3A_674] : memref<1024xi32, #tpu.memory_space<vmem>> -> memref<1xi32, #tpu.memory_space<vmem>>
          %dma_start3A_766 = arith.constant 0 : i32
          %dma_start3A_767 = tpu.memref_slice %arg2[%dma_start3A_766, %multiple_of3A_760] : memref<4096x100000xf32, #tpu.memory_space<hbm>> -> memref<4096x128xf32, #tpu.memory_space<hbm>>
          tpu.enqueue_indirect_dma source(%dma_start3A_767 : memref<4096x128xf32, #tpu.memory_space<hbm>>) target(%dma_start3A_764 : memref<1x128xf32, #tpu.memory_space<vmem>>) offsets(%dma_start3A_765 : memref<1xi32, #tpu.memory_space<vmem>>) semaphore(%arg14 : memref<!tpu.dma_semaphore, #tpu.memory_space<semaphore_mem>>)
          %slice3A_768 = vector.extract_strided_slice %get3A_670 {offsets = [7], sizes = [1], strides = [1]} : vector<16xi32> to vector<1xi32>
          %squeeze3A_769 = vector.extract %slice3A_768[0] : i32 from vector<1xi32>
          %shift_right_arithmetic3A_770 = arith.constant 7 : i32
          %shift_right_arithmetic3A_771 = arith.shrsi %squeeze3A_769, %shift_right_arithmetic3A_770 : i32
          %shift_left3A_772 = arith.constant 7 : i32
          %shift_left3A_773 = arith.shli %shift_right_arithmetic3A_771, %shift_left3A_772 : i32
          %multiple_of3A_774 = tpu.assume_multiple %shift_left3A_773, 128 : i32
          %add3A_775 = arith.constant 7 : i32
          %add3A_776 = arith.addi %mul3A_666, %add3A_775 : i32
          %dma_start3A_777 = arith.constant 0 : i32
          %dma_start3A_778 = tpu.memref_slice %arg10[%add3A_776, %dma_start3A_777] : memref<256x128xf32, #tpu.memory_space<vmem>> -> memref<1x128xf32, #tpu.memory_space<vmem>>
          %dma_start3A_779 = tpu.memref_slice %arg9[%mul3A_674] : memref<1024xi32, #tpu.memory_space<vmem>> -> memref<1xi32, #tpu.memory_space<vmem>>
          %dma_start3A_780 = arith.constant 0 : i32
          %dma_start3A_781 = tpu.memref_slice %arg2[%dma_start3A_780, %multiple_of3A_774] : memref<4096x100000xf32, #tpu.memory_space<hbm>> -> memref<4096x128xf32, #tpu.memory_space<hbm>>
          tpu.enqueue_indirect_dma source(%dma_start3A_781 : memref<4096x128xf32, #tpu.memory_space<hbm>>) target(%dma_start3A_778 : memref<1x128xf32, #tpu.memory_space<vmem>>) offsets(%dma_start3A_779 : memref<1xi32, #tpu.memory_space<vmem>>) semaphore(%arg14 : memref<!tpu.dma_semaphore, #tpu.memory_space<semaphore_mem>>)
          %slice3A_782 = vector.extract_strided_slice %get3A_670 {offsets = [8], sizes = [1], strides = [1]} : vector<16xi32> to vector<1xi32>
          %squeeze3A_783 = vector.extract %slice3A_782[0] : i32 from vector<1xi32>
          %shift_right_arithmetic3A_784 = arith.constant 7 : i32
          %shift_right_arithmetic3A_785 = arith.shrsi %squeeze3A_783, %shift_right_arithmetic3A_784 : i32
          %shift_left3A_786 = arith.constant 7 : i32
          %shift_left3A_787 = arith.shli %shift_right_arithmetic3A_785, %shift_left3A_786 : i32
          %multiple_of3A_788 = tpu.assume_multiple %shift_left3A_787, 128 : i32
          %add3A_789 = arith.constant 8 : i32
          %add3A_790 = arith.addi %mul3A_666, %add3A_789 : i32
          %dma_start3A_791 = arith.constant 0 : i32
          %dma_start3A_792 = tpu.memref_slice %arg10[%add3A_790, %dma_start3A_791] : memref<256x128xf32, #tpu.memory_space<vmem>> -> memref<1x128xf32, #tpu.memory_space<vmem>>
          %dma_start3A_793 = tpu.memref_slice %arg9[%mul3A_674] : memref<1024xi32, #tpu.memory_space<vmem>> -> memref<1xi32, #tpu.memory_space<vmem>>
          %dma_start3A_794 = arith.constant 0 : i32
          %dma_start3A_795 = tpu.memref_slice %arg2[%dma_start3A_794, %multiple_of3A_788] : memref<4096x100000xf32, #tpu.memory_space<hbm>> -> memref<4096x128xf32, #tpu.memory_space<hbm>>
          tpu.enqueue_indirect_dma source(%dma_start3A_795 : memref<4096x128xf32, #tpu.memory_space<hbm>>) target(%dma_start3A_792 : memref<1x128xf32, #tpu.memory_space<vmem>>) offsets(%dma_start3A_793 : memref<1xi32, #tpu.memory_space<vmem>>) semaphore(%arg14 : memref<!tpu.dma_semaphore, #tpu.memory_space<semaphore_mem>>)
          %slice3A_796 = vector.extract_strided_slice %get3A_670 {offsets = [9], sizes = [1], strides = [1]} : vector<16xi32> to vector<1xi32>
          %squeeze3A_797 = vector.extract %slice3A_796[0] : i32 from vector<1xi32>
          %shift_right_arithmetic3A_798 = arith.constant 7 : i32
          %shift_right_arithmetic3A_799 = arith.shrsi %squeeze3A_797, %shift_right_arithmetic3A_798 : i32
          %shift_left3A_800 = arith.constant 7 : i32
          %shift_left3A_801 = arith.shli %shift_right_arithmetic3A_799, %shift_left3A_800 : i32
          %multiple_of3A_802 = tpu.assume_multiple %shift_left3A_801, 128 : i32
          %add3A_803 = arith.constant 9 : i32
          %add3A_804 = arith.addi %mul3A_666, %add3A_803 : i32
          %dma_start3A_805 = arith.constant 0 : i32
          %dma_start3A_806 = tpu.memref_slice %arg10[%add3A_804, %dma_start3A_805] : memref<256x128xf32, #tpu.memory_space<vmem>> -> memref<1x128xf32, #tpu.memory_space<vmem>>
          %dma_start3A_807 = tpu.memref_slice %arg9[%mul3A_674] : memref<1024xi32, #tpu.memory_space<vmem>> -> memref<1xi32, #tpu.memory_space<vmem>>
          %dma_start3A_808 = arith.constant 0 : i32
          %dma_start3A_809 = tpu.memref_slice %arg2[%dma_start3A_808, %multiple_of3A_802] : memref<4096x100000xf32, #tpu.memory_space<hbm>> -> memref<4096x128xf32, #tpu.memory_space<hbm>>
          tpu.enqueue_indirect_dma source(%dma_start3A_809 : memref<4096x128xf32, #tpu.memory_space<hbm>>) target(%dma_start3A_806 : memref<1x128xf32, #tpu.memory_space<vmem>>) offsets(%dma_start3A_807 : memref<1xi32, #tpu.memory_space<vmem>>) semaphore(%arg14 : memref<!tpu.dma_semaphore, #tpu.memory_space<semaphore_mem>>)
          %slice3A_810 = vector.extract_strided_slice %get3A_670 {offsets = [10], sizes = [1], strides = [1]} : vector<16xi32> to vector<1xi32>
          %squeeze3A_811 = vector.extract %slice3A_810[0] : i32 from vector<1xi32>
          %shift_right_arithmetic3A_812 = arith.constant 7 : i32
          %shift_right_arithmetic3A_813 = arith.shrsi %squeeze3A_811, %shift_right_arithmetic3A_812 : i32
          %shift_left3A_814 = arith.constant 7 : i32
          %shift_left3A_815 = arith.shli %shift_right_arithmetic3A_813, %shift_left3A_814 : i32
          %multiple_of3A_816 = tpu.assume_multiple %shift_left3A_815, 128 : i32
          %add3A_817 = arith.constant 10 : i32
          %add3A_818 = arith.addi %mul3A_666, %add3A_817 : i32
          %dma_start3A_819 = arith.constant 0 : i32
          %dma_start3A_820 = tpu.memref_slice %arg10[%add3A_818, %dma_start3A_819] : memref<256x128xf32, #tpu.memory_space<vmem>> -> memref<1x128xf32, #tpu.memory_space<vmem>>
          %dma_start3A_821 = tpu.memref_slice %arg9[%mul3A_674] : memref<1024xi32, #tpu.memory_space<vmem>> -> memref<1xi32, #tpu.memory_space<vmem>>
          %dma_start3A_822 = arith.constant 0 : i32
          %dma_start3A_823 = tpu.memref_slice %arg2[%dma_start3A_822, %multiple_of3A_816] : memref<4096x100000xf32, #tpu.memory_space<hbm>> -> memref<4096x128xf32, #tpu.memory_space<hbm>>
          tpu.enqueue_indirect_dma source(%dma_start3A_823 : memref<4096x128xf32, #tpu.memory_space<hbm>>) target(%dma_start3A_820 : memref<1x128xf32, #tpu.memory_space<vmem>>) offsets(%dma_start3A_821 : memref<1xi32, #tpu.memory_space<vmem>>) semaphore(%arg14 : memref<!tpu.dma_semaphore, #tpu.memory_space<semaphore_mem>>)
          %slice3A_824 = vector.extract_strided_slice %get3A_670 {offsets = [11], sizes = [1], strides = [1]} : vector<16xi32> to vector<1xi32>
          %squeeze3A_825 = vector.extract %slice3A_824[0] : i32 from vector<1xi32>
          %shift_right_arithmetic3A_826 = arith.constant 7 : i32
          %shift_right_arithmetic3A_827 = arith.shrsi %squeeze3A_825, %shift_right_arithmetic3A_826 : i32
          %shift_left3A_828 = arith.constant 7 : i32
          %shift_left3A_829 = arith.shli %shift_right_arithmetic3A_827, %shift_left3A_828 : i32
          %multiple_of3A_830 = tpu.assume_multiple %shift_left3A_829, 128 : i32
          %add3A_831 = arith.constant 11 : i32
          %add3A_832 = arith.addi %mul3A_666, %add3A_831 : i32
          %dma_start3A_833 = arith.constant 0 : i32
          %dma_start3A_834 = tpu.memref_slice %arg10[%add3A_832, %dma_start3A_833] : memref<256x128xf32, #tpu.memory_space<vmem>> -> memref<1x128xf32, #tpu.memory_space<vmem>>
          %dma_start3A_835 = tpu.memref_slice %arg9[%mul3A_674] : memref<1024xi32, #tpu.memory_space<vmem>> -> memref<1xi32, #tpu.memory_space<vmem>>
          %dma_start3A_836 = arith.constant 0 : i32
          %dma_start3A_837 = tpu.memref_slice %arg2[%dma_start3A_836, %multiple_of3A_830] : memref<4096x100000xf32, #tpu.memory_space<hbm>> -> memref<4096x128xf32, #tpu.memory_space<hbm>>
          tpu.enqueue_indirect_dma source(%dma_start3A_837 : memref<4096x128xf32, #tpu.memory_space<hbm>>) target(%dma_start3A_834 : memref<1x128xf32, #tpu.memory_space<vmem>>) offsets(%dma_start3A_835 : memref<1xi32, #tpu.memory_space<vmem>>) semaphore(%arg14 : memref<!tpu.dma_semaphore, #tpu.memory_space<semaphore_mem>>)
          %slice3A_838 = vector.extract_strided_slice %get3A_670 {offsets = [12], sizes = [1], strides = [1]} : vector<16xi32> to vector<1xi32>
          %squeeze3A_839 = vector.extract %slice3A_838[0] : i32 from vector<1xi32>
          %shift_right_arithmetic3A_840 = arith.constant 7 : i32
          %shift_right_arithmetic3A_841 = arith.shrsi %squeeze3A_839, %shift_right_arithmetic3A_840 : i32
          %shift_left3A_842 = arith.constant 7 : i32
          %shift_left3A_843 = arith.shli %shift_right_arithmetic3A_841, %shift_left3A_842 : i32
          %multiple_of3A_844 = tpu.assume_multiple %shift_left3A_843, 128 : i32
          %add3A_845 = arith.constant 12 : i32
          %add3A_846 = arith.addi %mul3A_666, %add3A_845 : i32
          %dma_start3A_847 = arith.constant 0 : i32
          %dma_start3A_848 = tpu.memref_slice %arg10[%add3A_846, %dma_start3A_847] : memref<256x128xf32, #tpu.memory_space<vmem>> -> memref<1x128xf32, #tpu.memory_space<vmem>>
          %dma_start3A_849 = tpu.memref_slice %arg9[%mul3A_674] : memref<1024xi32, #tpu.memory_space<vmem>> -> memref<1xi32, #tpu.memory_space<vmem>>
          %dma_start3A_850 = arith.constant 0 : i32
          %dma_start3A_851 = tpu.memref_slice %arg2[%dma_start3A_850, %multiple_of3A_844] : memref<4096x100000xf32, #tpu.memory_space<hbm>> -> memref<4096x128xf32, #tpu.memory_space<hbm>>
          tpu.enqueue_indirect_dma source(%dma_start3A_851 : memref<4096x128xf32, #tpu.memory_space<hbm>>) target(%dma_start3A_848 : memref<1x128xf32, #tpu.memory_space<vmem>>) offsets(%dma_start3A_849 : memref<1xi32, #tpu.memory_space<vmem>>) semaphore(%arg14 : memref<!tpu.dma_semaphore, #tpu.memory_space<semaphore_mem>>)
          %slice3A_852 = vector.extract_strided_slice %get3A_670 {offsets = [13], sizes = [1], strides = [1]} : vector<16xi32> to vector<1xi32>
          %squeeze3A_853 = vector.extract %slice3A_852[0] : i32 from vector<1xi32>
          %shift_right_arithmetic3A_854 = arith.constant 7 : i32
          %shift_right_arithmetic3A_855 = arith.shrsi %squeeze3A_853, %shift_right_arithmetic3A_854 : i32
          %shift_left3A_856 = arith.constant 7 : i32
          %shift_left3A_857 = arith.shli %shift_right_arithmetic3A_855, %shift_left3A_856 : i32
          %multiple_of3A_858 = tpu.assume_multiple %shift_left3A_857, 128 : i32
          %add3A_859 = arith.constant 13 : i32
          %add3A_860 = arith.addi %mul3A_666, %add3A_859 : i32
          %dma_start3A_861 = arith.constant 0 : i32
          %dma_start3A_862 = tpu.memref_slice %arg10[%add3A_860, %dma_start3A_861] : memref<256x128xf32, #tpu.memory_space<vmem>> -> memref<1x128xf32, #tpu.memory_space<vmem>>
          %dma_start3A_863 = tpu.memref_slice %arg9[%mul3A_674] : memref<1024xi32, #tpu.memory_space<vmem>> -> memref<1xi32, #tpu.memory_space<vmem>>
          %dma_start3A_864 = arith.constant 0 : i32
          %dma_start3A_865 = tpu.memref_slice %arg2[%dma_start3A_864, %multiple_of3A_858] : memref<4096x100000xf32, #tpu.memory_space<hbm>> -> memref<4096x128xf32, #tpu.memory_space<hbm>>
          tpu.enqueue_indirect_dma source(%dma_start3A_865 : memref<4096x128xf32, #tpu.memory_space<hbm>>) target(%dma_start3A_862 : memref<1x128xf32, #tpu.memory_space<vmem>>) offsets(%dma_start3A_863 : memref<1xi32, #tpu.memory_space<vmem>>) semaphore(%arg14 : memref<!tpu.dma_semaphore, #tpu.memory_space<semaphore_mem>>)
          %slice3A_866 = vector.extract_strided_slice %get3A_670 {offsets = [14], sizes = [1], strides = [1]} : vector<16xi32> to vector<1xi32>
          %squeeze3A_867 = vector.extract %slice3A_866[0] : i32 from vector<1xi32>
          %shift_right_arithmetic3A_868 = arith.constant 7 : i32
          %shift_right_arithmetic3A_869 = arith.shrsi %squeeze3A_867, %shift_right_arithmetic3A_868 : i32
          %shift_left3A_870 = arith.constant 7 : i32
          %shift_left3A_871 = arith.shli %shift_right_arithmetic3A_869, %shift_left3A_870 : i32
          %multiple_of3A_872 = tpu.assume_multiple %shift_left3A_871, 128 : i32
          %add3A_873 = arith.constant 14 : i32
          %add3A_874 = arith.addi %mul3A_666, %add3A_873 : i32
          %dma_start3A_875 = arith.constant 0 : i32
          %dma_start3A_876 = tpu.memref_slice %arg10[%add3A_874, %dma_start3A_875] : memref<256x128xf32, #tpu.memory_space<vmem>> -> memref<1x128xf32, #tpu.memory_space<vmem>>
          %dma_start3A_877 = tpu.memref_slice %arg9[%mul3A_674] : memref<1024xi32, #tpu.memory_space<vmem>> -> memref<1xi32, #tpu.memory_space<vmem>>
          %dma_start3A_878 = arith.constant 0 : i32
          %dma_start3A_879 = tpu.memref_slice %arg2[%dma_start3A_878, %multiple_of3A_872] : memref<4096x100000xf32, #tpu.memory_space<hbm>> -> memref<4096x128xf32, #tpu.memory_space<hbm>>
          tpu.enqueue_indirect_dma source(%dma_start3A_879 : memref<4096x128xf32, #tpu.memory_space<hbm>>) target(%dma_start3A_876 : memref<1x128xf32, #tpu.memory_space<vmem>>) offsets(%dma_start3A_877 : memref<1xi32, #tpu.memory_space<vmem>>) semaphore(%arg14 : memref<!tpu.dma_semaphore, #tpu.memory_space<semaphore_mem>>)
          %slice3A_880 = vector.extract_strided_slice %get3A_670 {offsets = [15], sizes = [1], strides = [1]} : vector<16xi32> to vector<1xi32>
          %squeeze3A_881 = vector.extract %slice3A_880[0] : i32 from vector<1xi32>
          %shift_right_arithmetic3A_882 = arith.constant 7 : i32
          %shift_right_arithmetic3A_883 = arith.shrsi %squeeze3A_881, %shift_right_arithmetic3A_882 : i32
          %shift_left3A_884 = arith.constant 7 : i32
          %shift_left3A_885 = arith.shli %shift_right_arithmetic3A_883, %shift_left3A_884 : i32
          %multiple_of3A_886 = tpu.assume_multiple %shift_left3A_885, 128 : i32
          %add3A_887 = arith.constant 15 : i32
          %add3A_888 = arith.addi %mul3A_666, %add3A_887 : i32
          %dma_start3A_889 = arith.constant 0 : i32
          %dma_start3A_890 = tpu.memref_slice %arg10[%add3A_888, %dma_start3A_889] : memref<256x128xf32, #tpu.memory_space<vmem>> -> memref<1x128xf32, #tpu.memory_space<vmem>>
          %dma_start3A_891 = tpu.memref_slice %arg9[%mul3A_674] : memref<1024xi32, #tpu.memory_space<vmem>> -> memref<1xi32, #tpu.memory_space<vmem>>
          %dma_start3A_892 = arith.constant 0 : i32
          %dma_start3A_893 = tpu.memref_slice %arg2[%dma_start3A_892, %multiple_of3A_886] : memref<4096x100000xf32, #tpu.memory_space<hbm>> -> memref<4096x128xf32, #tpu.memory_space<hbm>>
          tpu.enqueue_indirect_dma source(%dma_start3A_893 : memref<4096x128xf32, #tpu.memory_space<hbm>>) target(%dma_start3A_890 : memref<1x128xf32, #tpu.memory_space<vmem>>) offsets(%dma_start3A_891 : memref<1xi32, #tpu.memory_space<vmem>>) semaphore(%arg14 : memref<!tpu.dma_semaphore, #tpu.memory_space<semaphore_mem>>)
        }
        %scan3A_663 = arith.constant 16 : i32
      } else {
      }
      %dma_wait3A_642 = arith.constant 0 : i32
      %dma_wait3A_643 = arith.constant 0 : i32
      %dma_wait3A_644 = tpu.memref_slice %arg2[%dma_wait3A_642, %dma_wait3A_643] : memref<4096x100000xf32, #tpu.memory_space<hbm>> -> memref<256x128xf32, #tpu.memory_space<hbm>>
      %dma_wait3A_645 = arith.constant 0 : i32
      %dma_wait3A_646 = arith.constant 0 : i32
      %dma_wait3A_647 = tpu.memref_slice %arg2[%dma_wait3A_645, %dma_wait3A_646] : memref<4096x100000xf32, #tpu.memory_space<hbm>> -> memref<256x128xf32, #tpu.memory_space<hbm>>
      tpu.wait_dma2 semaphore(%arg15 : memref<!tpu.dma_semaphore, #tpu.memory_space<semaphore_mem>>) src(%dma_wait3A_647 : memref<256x128xf32, #tpu.memory_space<hbm>>) dst(%arg11 : memref<256x128xf32, #tpu.memory_space<vmem>>)
      %add3A_648 = arith.constant 1 : i32
      %add3A_649 = arith.addi %mul3A_617, %add3A_648 : i32
      %scan3A_650 = arith.constant 0 : i32
      %scan3A_651 = arith.constant 0 : i32
      %scan3A_652 = arith.constant 16 : i32
      %scan3A_653 = arith.addi %scan3A_651, %scan3A_652 : i32
      %scan3A_654 = arith.constant 1 : i32
      scf.for %scan3A_656 = %scan3A_651 to %scan3A_653 step %scan3A_654  : i32 {
        %mul3A_657 = arith.constant 16 : i32
        %mul3A_658 = arith.muli %scan3A_656, %mul3A_657 : i32
        %mul3A_659 = arith.constant 256 : i32
        %mul3A_660 = arith.muli %add3A_649, %mul3A_659 : i32
        %add3A_661 = arith.addi %mul3A_660, %mul3A_658 : i32
        %get3A = arith.index_cast %add3A_661 : i32 to index
        %get3A_662 = tpu.vector_load %arg8[%get3A] {strides = array<i32>} : memref<8192xi32, #tpu.memory_space<vmem>>, vector<16xi32>,
        %and3A = arith.constant 127 : i32
        %and3A_663 = vector.broadcast %and3A : i32 to vector<16xi32>
        %and3A_664 = arith.andi %get3A_662, %and3A_663 : vector<16xi32>
        %add3A_665 = vector.broadcast %mul3A_658 : i32 to vector<16xi32>
        %add3A_666 = arith.addi %add3A_665, %iota3A : vector<16xi32>
        %gather3A = tpu.vector_load_idx %arg11[%add3A_666, %and3A_664] : memref<256x128xf32, #tpu.memory_space<vmem>>[vector<16xi32>, vector<16xi32>], vector<16xf32>,
        %mul3A_667 = arith.constant 256 : i32
        %mul3A_668 = arith.muli %add3A_649, %mul3A_667 : i32
        %add3A_669 = arith.addi %mul3A_668, %mul3A_658 : i32
        %swap3A_670 = arith.index_cast %add3A_669 : i32 to index
        %swap3A_671 = tpu.vector_load %arg13[%swap3A_670] {strides = array<i32>} : memref<8192xf32, #tpu.memory_space<vmem>>, vector<16xf32>,
        tpu.vector_store %arg13[%swap3A_670], %gather3A {strides = array<i32>} : memref<8192xf32, #tpu.memory_space<vmem>>, vector<16xf32>,
      }
      %scan3A_655 = arith.constant 16 : i32
    }
    %scan3A_589 = arith.constant 16 : i32
    %scan3A_590 = arith.constant 0 : i32
    %scan3A_591 = arith.constant 0 : i32
    %scan3A_592 = arith.constant 8 : i32
    %scan3A_593 = arith.addi %scan3A_591, %scan3A_592 : i32
    %scan3A_594 = arith.constant 1 : i32
    scf.for %scan3A_615 = %scan3A_591 to %scan3A_593 step %scan3A_594  : i32 {
      %mul3A_616 = arith.constant 16 : i32
      %mul3A_617 = arith.muli %scan3A_615, %mul3A_616 : i32
      %get3A = arith.index_cast %mul3A_617 : i32 to index
      %get3A_618 = tpu.vector_load %arg7[%get3A] {strides = array<i32>} : memref<128xi32, #tpu.memory_space<vmem>>, vector<16xi32>,
      %slice3A = vector.extract_strided_slice %get3A_618 {offsets = [0], sizes = [1], strides = [1]} : vector<16xi32> to vector<1xi32>
      %squeeze3A = vector.extract %slice3A[0] : i32 from vector<1xi32>
      %shift_right_arithmetic3A_619 = arith.constant 7 : i32
      %shift_right_arithmetic3A_620 = arith.shrsi %squeeze3A, %shift_right_arithmetic3A_619 : i32
      %shift_left3A = arith.constant 7 : i32
      %shift_left3A_621 = arith.shli %shift_right_arithmetic3A_620, %shift_left3A : i32
      %multiple_of3A = tpu.assume_multiple %shift_left3A_621, 128 : i32
      %add3A_622 = arith.constant 0 : i32
      %add3A_623 = arith.addi %mul3A_617, %add3A_622 : i32
      %mul3A_624 = arith.constant 8 : i32
      %mul3A_625 = arith.muli %add3A_623, %mul3A_624 : i32
      %add3A_626 = arith.constant 0 : i32
      %add3A_627 = arith.addi %mul3A_617, %add3A_626 : i32
      %dma_start3A = arith.constant 0 : i32
      %dma_start3A_628 = tpu.memref_slice %arg10[%add3A_627, %dma_start3A] : memref<256x128xf32, #tpu.memory_space<vmem>> -> memref<1x128xf32, #tpu.memory_space<vmem>>
      %dma_start3A_629 = tpu.memref_slice %arg9[%mul3A_625] : memref<1024xi32, #tpu.memory_space<vmem>> -> memref<1xi32, #tpu.memory_space<vmem>>
      %dma_start3A_630 = arith.constant 0 : i32
      %dma_start3A_631 = tpu.memref_slice %arg2[%dma_start3A_630, %multiple_of3A] : memref<4096x100000xf32, #tpu.memory_space<hbm>> -> memref<4096x128xf32, #tpu.memory_space<hbm>>
      tpu.enqueue_indirect_dma source(%dma_start3A_631 : memref<4096x128xf32, #tpu.memory_space<hbm>>) target(%dma_start3A_628 : memref<1x128xf32, #tpu.memory_space<vmem>>) offsets(%dma_start3A_629 : memref<1xi32, #tpu.memory_space<vmem>>) semaphore(%arg14 : memref<!tpu.dma_semaphore, #tpu.memory_space<semaphore_mem>>)
      %slice3A_632 = vector.extract_strided_slice %get3A_618 {offsets = [1], sizes = [1], strides = [1]} : vector<16xi32> to vector<1xi32>
      %squeeze3A_633 = vector.extract %slice3A_632[0] : i32 from vector<1xi32>
      %shift_right_arithmetic3A_634 = arith.constant 7 : i32
      %shift_right_arithmetic3A_635 = arith.shrsi %squeeze3A_633, %shift_right_arithmetic3A_634 : i32
      %shift_left3A_636 = arith.constant 7 : i32
      %shift_left3A_637 = arith.shli %shift_right_arithmetic3A_635, %shift_left3A_636 : i32
      %multiple_of3A_638 = tpu.assume_multiple %shift_left3A_637, 128 : i32
      %add3A_639 = arith.constant 1 : i32
      %add3A_640 = arith.addi %mul3A_617, %add3A_639 : i32
      %mul3A_641 = arith.constant 8 : i32
      %mul3A_642 = arith.muli %add3A_640, %mul3A_641 : i32
      %add3A_643 = arith.constant 1 : i32
      %add3A_644 = arith.addi %mul3A_617, %add3A_643 : i32
      %dma_start3A_645 = arith.constant 0 : i32
      %dma_start3A_646 = tpu.memref_slice %arg10[%add3A_644, %dma_start3A_645] : memref<256x128xf32, #tpu.memory_space<vmem>> -> memref<1x128xf32, #tpu.memory_space<vmem>>
      %dma_start3A_647 = tpu.memref_slice %arg9[%mul3A_642] : memref<1024xi32, #tpu.memory_space<vmem>> -> memref<1xi32, #tpu.memory_space<vmem>>
      %dma_start3A_648 = arith.constant 0 : i32
      %dma_start3A_649 = tpu.memref_slice %arg2[%dma_start3A_648, %multiple_of3A_638] : memref<4096x100000xf32, #tpu.memory_space<hbm>> -> memref<4096x128xf32, #tpu.memory_space<hbm>>
      tpu.enqueue_indirect_dma source(%dma_start3A_649 : memref<4096x128xf32, #tpu.memory_space<hbm>>) target(%dma_start3A_646 : memref<1x128xf32, #tpu.memory_space<vmem>>) offsets(%dma_start3A_647 : memref<1xi32, #tpu.memory_space<vmem>>) semaphore(%arg14 : memref<!tpu.dma_semaphore, #tpu.memory_space<semaphore_mem>>)
      %slice3A_650 = vector.extract_strided_slice %get3A_618 {offsets = [2], sizes = [1], strides = [1]} : vector<16xi32> to vector<1xi32>
      %squeeze3A_651 = vector.extract %slice3A_650[0] : i32 from vector<1xi32>
      %shift_right_arithmetic3A_652 = arith.constant 7 : i32
      %shift_right_arithmetic3A_653 = arith.shrsi %squeeze3A_651, %shift_right_arithmetic3A_652 : i32
      %shift_left3A_654 = arith.constant 7 : i32
      %shift_left3A_655 = arith.shli %shift_right_arithmetic3A_653, %shift_left3A_654 : i32
      %multiple_of3A_656 = tpu.assume_multiple %shift_left3A_655, 128 : i32
      %add3A_657 = arith.constant 2 : i32
      %add3A_658 = arith.addi %mul3A_617, %add3A_657 : i32
      %mul3A_659 = arith.constant 8 : i32
      %mul3A_660 = arith.muli %add3A_658, %mul3A_659 : i32
      %add3A_661 = arith.constant 2 : i32
      %add3A_662 = arith.addi %mul3A_617, %add3A_661 : i32
      %dma_start3A_663 = arith.constant 0 : i32
      %dma_start3A_664 = tpu.memref_slice %arg10[%add3A_662, %dma_start3A_663] : memref<256x128xf32, #tpu.memory_space<vmem>> -> memref<1x128xf32, #tpu.memory_space<vmem>>
      %dma_start3A_665 = tpu.memref_slice %arg9[%mul3A_660] : memref<1024xi32, #tpu.memory_space<vmem>> -> memref<1xi32, #tpu.memory_space<vmem>>
      %dma_start3A_666 = arith.constant 0 : i32
      %dma_start3A_667 = tpu.memref_slice %arg2[%dma_start3A_666, %multiple_of3A_656] : memref<4096x100000xf32, #tpu.memory_space<hbm>> -> memref<4096x128xf32, #tpu.memory_space<hbm>>
      tpu.enqueue_indirect_dma source(%dma_start3A_667 : memref<4096x128xf32, #tpu.memory_space<hbm>>) target(%dma_start3A_664 : memref<1x128xf32, #tpu.memory_space<vmem>>) offsets(%dma_start3A_665 : memref<1xi32, #tpu.memory_space<vmem>>) semaphore(%arg14 : memref<!tpu.dma_semaphore, #tpu.memory_space<semaphore_mem>>)
      %slice3A_668 = vector.extract_strided_slice %get3A_618 {offsets = [3], sizes = [1], strides = [1]} : vector<16xi32> to vector<1xi32>
      %squeeze3A_669 = vector.extract %slice3A_668[0] : i32 from vector<1xi32>
      %shift_right_arithmetic3A_670 = arith.constant 7 : i32
      %shift_right_arithmetic3A_671 = arith.shrsi %squeeze3A_669, %shift_right_arithmetic3A_670 : i32
      %shift_left3A_672 = arith.constant 7 : i32
      %shift_left3A_673 = arith.shli %shift_right_arithmetic3A_671, %shift_left3A_672 : i32
      %multiple_of3A_674 = tpu.assume_multiple %shift_left3A_673, 128 : i32
      %add3A_675 = arith.constant 3 : i32
      %add3A_676 = arith.addi %mul3A_617, %add3A_675 : i32
      %mul3A_677 = arith.constant 8 : i32
      %mul3A_678 = arith.muli %add3A_676, %mul3A_677 : i32
      %add3A_679 = arith.constant 3 : i32
      %add3A_680 = arith.addi %mul3A_617, %add3A_679 : i32
      %dma_start3A_681 = arith.constant 0 : i32
      %dma_start3A_682 = tpu.memref_slice %arg10[%add3A_680, %dma_start3A_681] : memref<256x128xf32, #tpu.memory_space<vmem>> -> memref<1x128xf32, #tpu.memory_space<vmem>>
      %dma_start3A_683 = tpu.memref_slice %arg9[%mul3A_678] : memref<1024xi32, #tpu.memory_space<vmem>> -> memref<1xi32, #tpu.memory_space<vmem>>
      %dma_start3A_684 = arith.constant 0 : i32
      %dma_start3A_685 = tpu.memref_slice %arg2[%dma_start3A_684, %multiple_of3A_674] : memref<4096x100000xf32, #tpu.memory_space<hbm>> -> memref<4096x128xf32, #tpu.memory_space<hbm>>
      tpu.enqueue_indirect_dma source(%dma_start3A_685 : memref<4096x128xf32, #tpu.memory_space<hbm>>) target(%dma_start3A_682 : memref<1x128xf32, #tpu.memory_space<vmem>>) offsets(%dma_start3A_683 : memref<1xi32, #tpu.memory_space<vmem>>) semaphore(%arg14 : memref<!tpu.dma_semaphore, #tpu.memory_space<semaphore_mem>>)
      %slice3A_686 = vector.extract_strided_slice %get3A_618 {offsets = [4], sizes = [1], strides = [1]} : vector<16xi32> to vector<1xi32>
      %squeeze3A_687 = vector.extract %slice3A_686[0] : i32 from vector<1xi32>
      %shift_right_arithmetic3A_688 = arith.constant 7 : i32
      %shift_right_arithmetic3A_689 = arith.shrsi %squeeze3A_687, %shift_right_arithmetic3A_688 : i32
      %shift_left3A_690 = arith.constant 7 : i32
      %shift_left3A_691 = arith.shli %shift_right_arithmetic3A_689, %shift_left3A_690 : i32
      %multiple_of3A_692 = tpu.assume_multiple %shift_left3A_691, 128 : i32
      %add3A_693 = arith.constant 4 : i32
      %add3A_694 = arith.addi %mul3A_617, %add3A_693 : i32
      %mul3A_695 = arith.constant 8 : i32
      %mul3A_696 = arith.muli %add3A_694, %mul3A_695 : i32
      %add3A_697 = arith.constant 4 : i32
      %add3A_698 = arith.addi %mul3A_617, %add3A_697 : i32
      %dma_start3A_699 = arith.constant 0 : i32
      %dma_start3A_700 = tpu.memref_slice %arg10[%add3A_698, %dma_start3A_699] : memref<256x128xf32, #tpu.memory_space<vmem>> -> memref<1x128xf32, #tpu.memory_space<vmem>>
      %dma_start3A_701 = tpu.memref_slice %arg9[%mul3A_696] : memref<1024xi32, #tpu.memory_space<vmem>> -> memref<1xi32, #tpu.memory_space<vmem>>
      %dma_start3A_702 = arith.constant 0 : i32
      %dma_start3A_703 = tpu.memref_slice %arg2[%dma_start3A_702, %multiple_of3A_692] : memref<4096x100000xf32, #tpu.memory_space<hbm>> -> memref<4096x128xf32, #tpu.memory_space<hbm>>
      tpu.enqueue_indirect_dma source(%dma_start3A_703 : memref<4096x128xf32, #tpu.memory_space<hbm>>) target(%dma_start3A_700 : memref<1x128xf32, #tpu.memory_space<vmem>>) offsets(%dma_start3A_701 : memref<1xi32, #tpu.memory_space<vmem>>) semaphore(%arg14 : memref<!tpu.dma_semaphore, #tpu.memory_space<semaphore_mem>>)
      %slice3A_704 = vector.extract_strided_slice %get3A_618 {offsets = [5], sizes = [1], strides = [1]} : vector<16xi32> to vector<1xi32>
      %squeeze3A_705 = vector.extract %slice3A_704[0] : i32 from vector<1xi32>
      %shift_right_arithmetic3A_706 = arith.constant 7 : i32
      %shift_right_arithmetic3A_707 = arith.shrsi %squeeze3A_705, %shift_right_arithmetic3A_706 : i32
      %shift_left3A_708 = arith.constant 7 : i32
      %shift_left3A_709 = arith.shli %shift_right_arithmetic3A_707, %shift_left3A_708 : i32
      %multiple_of3A_710 = tpu.assume_multiple %shift_left3A_709, 128 : i32
      %add3A_711 = arith.constant 5 : i32
      %add3A_712 = arith.addi %mul3A_617, %add3A_711 : i32
      %mul3A_713 = arith.constant 8 : i32
      %mul3A_714 = arith.muli %add3A_712, %mul3A_713 : i32
      %add3A_715 = arith.constant 5 : i32
      %add3A_716 = arith.addi %mul3A_617, %add3A_715 : i32
      %dma_start3A_717 = arith.constant 0 : i32
      %dma_start3A_718 = tpu.memref_slice %arg10[%add3A_716, %dma_start3A_717] : memref<256x128xf32, #tpu.memory_space<vmem>> -> memref<1x128xf32, #tpu.memory_space<vmem>>
      %dma_start3A_719 = tpu.memref_slice %arg9[%mul3A_714] : memref<1024xi32, #tpu.memory_space<vmem>> -> memref<1xi32, #tpu.memory_space<vmem>>
      %dma_start3A_720 = arith.constant 0 : i32
      %dma_start3A_721 = tpu.memref_slice %arg2[%dma_start3A_720, %multiple_of3A_710] : memref<4096x100000xf32, #tpu.memory_space<hbm>> -> memref<4096x128xf32, #tpu.memory_space<hbm>>
      tpu.enqueue_indirect_dma source(%dma_start3A_721 : memref<4096x128xf32, #tpu.memory_space<hbm>>) target(%dma_start3A_718 : memref<1x128xf32, #tpu.memory_space<vmem>>) offsets(%dma_start3A_719 : memref<1xi32, #tpu.memory_space<vmem>>) semaphore(%arg14 : memref<!tpu.dma_semaphore, #tpu.memory_space<semaphore_mem>>)
      %slice3A_722 = vector.extract_strided_slice %get3A_618 {offsets = [6], sizes = [1], strides = [1]} : vector<16xi32> to vector<1xi32>
      %squeeze3A_723 = vector.extract %slice3A_722[0] : i32 from vector<1xi32>
      %shift_right_arithmetic3A_724 = arith.constant 7 : i32
      %shift_right_arithmetic3A_725 = arith.shrsi %squeeze3A_723, %shift_right_arithmetic3A_724 : i32
      %shift_left3A_726 = arith.constant 7 : i32
      %shift_left3A_727 = arith.shli %shift_right_arithmetic3A_725, %shift_left3A_726 : i32
      %multiple_of3A_728 = tpu.assume_multiple %shift_left3A_727, 128 : i32
      %add3A_729 = arith.constant 6 : i32
      %add3A_730 = arith.addi %mul3A_617, %add3A_729 : i32
      %mul3A_731 = arith.constant 8 : i32
      %mul3A_732 = arith.muli %add3A_730, %mul3A_731 : i32
      %add3A_733 = arith.constant 6 : i32
      %add3A_734 = arith.addi %mul3A_617, %add3A_733 : i32
      %dma_start3A_735 = arith.constant 0 : i32
      %dma_start3A_736 = tpu.memref_slice %arg10[%add3A_734, %dma_start3A_735] : memref<256x128xf32, #tpu.memory_space<vmem>> -> memref<1x128xf32, #tpu.memory_space<vmem>>
      %dma_start3A_737 = tpu.memref_slice %arg9[%mul3A_732] : memref<1024xi32, #tpu.memory_space<vmem>> -> memref<1xi32, #tpu.memory_space<vmem>>
      %dma_start3A_738 = arith.constant 0 : i32
      %dma_start3A_739 = tpu.memref_slice %arg2[%dma_start3A_738, %multiple_of3A_728] : memref<4096x100000xf32, #tpu.memory_space<hbm>> -> memref<4096x128xf32, #tpu.memory_space<hbm>>
      tpu.enqueue_indirect_dma source(%dma_start3A_739 : memref<4096x128xf32, #tpu.memory_space<hbm>>) target(%dma_start3A_736 : memref<1x128xf32, #tpu.memory_space<vmem>>) offsets(%dma_start3A_737 : memref<1xi32, #tpu.memory_space<vmem>>) semaphore(%arg14 : memref<!tpu.dma_semaphore, #tpu.memory_space<semaphore_mem>>)
      %slice3A_740 = vector.extract_strided_slice %get3A_618 {offsets = [7], sizes = [1], strides = [1]} : vector<16xi32> to vector<1xi32>
      %squeeze3A_741 = vector.extract %slice3A_740[0] : i32 from vector<1xi32>
      %shift_right_arithmetic3A_742 = arith.constant 7 : i32
      %shift_right_arithmetic3A_743 = arith.shrsi %squeeze3A_741, %shift_right_arithmetic3A_742 : i32
      %shift_left3A_744 = arith.constant 7 : i32
      %shift_left3A_745 = arith.shli %shift_right_arithmetic3A_743, %shift_left3A_744 : i32
      %multiple_of3A_746 = tpu.assume_multiple %shift_left3A_745, 128 : i32
      %add3A_747 = arith.constant 7 : i32
      %add3A_748 = arith.addi %mul3A_617, %add3A_747 : i32
      %mul3A_749 = arith.constant 8 : i32
      %mul3A_750 = arith.muli %add3A_748, %mul3A_749 : i32
      %add3A_751 = arith.constant 7 : i32
      %add3A_752 = arith.addi %mul3A_617, %add3A_751 : i32
      %dma_start3A_753 = arith.constant 0 : i32
      %dma_start3A_754 = tpu.memref_slice %arg10[%add3A_752, %dma_start3A_753] : memref<256x128xf32, #tpu.memory_space<vmem>> -> memref<1x128xf32, #tpu.memory_space<vmem>>
      %dma_start3A_755 = tpu.memref_slice %arg9[%mul3A_750] : memref<1024xi32, #tpu.memory_space<vmem>> -> memref<1xi32, #tpu.memory_space<vmem>>
      %dma_start3A_756 = arith.constant 0 : i32
      %dma_start3A_757 = tpu.memref_slice %arg2[%dma_start3A_756, %multiple_of3A_746] : memref<4096x100000xf32, #tpu.memory_space<hbm>> -> memref<4096x128xf32, #tpu.memory_space<hbm>>
      tpu.enqueue_indirect_dma source(%dma_start3A_757 : memref<4096x128xf32, #tpu.memory_space<hbm>>) target(%dma_start3A_754 : memref<1x128xf32, #tpu.memory_space<vmem>>) offsets(%dma_start3A_755 : memref<1xi32, #tpu.memory_space<vmem>>) semaphore(%arg14 : memref<!tpu.dma_semaphore, #tpu.memory_space<semaphore_mem>>)
      %slice3A_758 = vector.extract_strided_slice %get3A_618 {offsets = [8], sizes = [1], strides = [1]} : vector<16xi32> to vector<1xi32>
      %squeeze3A_759 = vector.extract %slice3A_758[0] : i32 from vector<1xi32>
      %shift_right_arithmetic3A_760 = arith.constant 7 : i32
      %shift_right_arithmetic3A_761 = arith.shrsi %squeeze3A_759, %shift_right_arithmetic3A_760 : i32
      %shift_left3A_762 = arith.constant 7 : i32
      %shift_left3A_763 = arith.shli %shift_right_arithmetic3A_761, %shift_left3A_762 : i32
      %multiple_of3A_764 = tpu.assume_multiple %shift_left3A_763, 128 : i32
      %add3A_765 = arith.constant 8 : i32
      %add3A_766 = arith.addi %mul3A_617, %add3A_765 : i32
      %mul3A_767 = arith.constant 8 : i32
      %mul3A_768 = arith.muli %add3A_766, %mul3A_767 : i32
      %add3A_769 = arith.constant 8 : i32
      %add3A_770 = arith.addi %mul3A_617, %add3A_769 : i32
      %dma_start3A_771 = arith.constant 0 : i32
      %dma_start3A_772 = tpu.memref_slice %arg10[%add3A_770, %dma_start3A_771] : memref<256x128xf32, #tpu.memory_space<vmem>> -> memref<1x128xf32, #tpu.memory_space<vmem>>
      %dma_start3A_773 = tpu.memref_slice %arg9[%mul3A_768] : memref<1024xi32, #tpu.memory_space<vmem>> -> memref<1xi32, #tpu.memory_space<vmem>>
      %dma_start3A_774 = arith.constant 0 : i32
      %dma_start3A_775 = tpu.memref_slice %arg2[%dma_start3A_774, %multiple_of3A_764] : memref<4096x100000xf32, #tpu.memory_space<hbm>> -> memref<4096x128xf32, #tpu.memory_space<hbm>>
      tpu.enqueue_indirect_dma source(%dma_start3A_775 : memref<4096x128xf32, #tpu.memory_space<hbm>>) target(%dma_start3A_772 : memref<1x128xf32, #tpu.memory_space<vmem>>) offsets(%dma_start3A_773 : memref<1xi32, #tpu.memory_space<vmem>>) semaphore(%arg14 : memref<!tpu.dma_semaphore, #tpu.memory_space<semaphore_mem>>)
      %slice3A_776 = vector.extract_strided_slice %get3A_618 {offsets = [9], sizes = [1], strides = [1]} : vector<16xi32> to vector<1xi32>
      %squeeze3A_777 = vector.extract %slice3A_776[0] : i32 from vector<1xi32>
      %shift_right_arithmetic3A_778 = arith.constant 7 : i32
      %shift_right_arithmetic3A_779 = arith.shrsi %squeeze3A_777, %shift_right_arithmetic3A_778 : i32
      %shift_left3A_780 = arith.constant 7 : i32
      %shift_left3A_781 = arith.shli %shift_right_arithmetic3A_779, %shift_left3A_780 : i32
      %multiple_of3A_782 = tpu.assume_multiple %shift_left3A_781, 128 : i32
      %add3A_783 = arith.constant 9 : i32
      %add3A_784 = arith.addi %mul3A_617, %add3A_783 : i32
      %mul3A_785 = arith.constant 8 : i32
      %mul3A_786 = arith.muli %add3A_784, %mul3A_785 : i32
      %add3A_787 = arith.constant 9 : i32
      %add3A_788 = arith.addi %mul3A_617, %add3A_787 : i32
      %dma_start3A_789 = arith.constant 0 : i32
      %dma_start3A_790 = tpu.memref_slice %arg10[%add3A_788, %dma_start3A_789] : memref<256x128xf32, #tpu.memory_space<vmem>> -> memref<1x128xf32, #tpu.memory_space<vmem>>
      %dma_start3A_791 = tpu.memref_slice %arg9[%mul3A_786] : memref<1024xi32, #tpu.memory_space<vmem>> -> memref<1xi32, #tpu.memory_space<vmem>>
      %dma_start3A_792 = arith.constant 0 : i32
      %dma_start3A_793 = tpu.memref_slice %arg2[%dma_start3A_792, %multiple_of3A_782] : memref<4096x100000xf32, #tpu.memory_space<hbm>> -> memref<4096x128xf32, #tpu.memory_space<hbm>>
      tpu.enqueue_indirect_dma source(%dma_start3A_793 : memref<4096x128xf32, #tpu.memory_space<hbm>>) target(%dma_start3A_790 : memref<1x128xf32, #tpu.memory_space<vmem>>) offsets(%dma_start3A_791 : memref<1xi32, #tpu.memory_space<vmem>>) semaphore(%arg14 : memref<!tpu.dma_semaphore, #tpu.memory_space<semaphore_mem>>)
      %slice3A_794 = vector.extract_strided_slice %get3A_618 {offsets = [10], sizes = [1], strides = [1]} : vector<16xi32> to vector<1xi32>
      %squeeze3A_795 = vector.extract %slice3A_794[0] : i32 from vector<1xi32>
      %shift_right_arithmetic3A_796 = arith.constant 7 : i32
      %shift_right_arithmetic3A_797 = arith.shrsi %squeeze3A_795, %shift_right_arithmetic3A_796 : i32
      %shift_left3A_798 = arith.constant 7 : i32
      %shift_left3A_799 = arith.shli %shift_right_arithmetic3A_797, %shift_left3A_798 : i32
      %multiple_of3A_800 = tpu.assume_multiple %shift_left3A_799, 128 : i32
      %add3A_801 = arith.constant 10 : i32
      %add3A_802 = arith.addi %mul3A_617, %add3A_801 : i32
      %mul3A_803 = arith.constant 8 : i32
      %mul3A_804 = arith.muli %add3A_802, %mul3A_803 : i32
      %add3A_805 = arith.constant 10 : i32
      %add3A_806 = arith.addi %mul3A_617, %add3A_805 : i32
      %dma_start3A_807 = arith.constant 0 : i32
      %dma_start3A_808 = tpu.memref_slice %arg10[%add3A_806, %dma_start3A_807] : memref<256x128xf32, #tpu.memory_space<vmem>> -> memref<1x128xf32, #tpu.memory_space<vmem>>
      %dma_start3A_809 = tpu.memref_slice %arg9[%mul3A_804] : memref<1024xi32, #tpu.memory_space<vmem>> -> memref<1xi32, #tpu.memory_space<vmem>>
      %dma_start3A_810 = arith.constant 0 : i32
      %dma_start3A_811 = tpu.memref_slice %arg2[%dma_start3A_810, %multiple_of3A_800] : memref<4096x100000xf32, #tpu.memory_space<hbm>> -> memref<4096x128xf32, #tpu.memory_space<hbm>>
      tpu.enqueue_indirect_dma source(%dma_start3A_811 : memref<4096x128xf32, #tpu.memory_space<hbm>>) target(%dma_start3A_808 : memref<1x128xf32, #tpu.memory_space<vmem>>) offsets(%dma_start3A_809 : memref<1xi32, #tpu.memory_space<vmem>>) semaphore(%arg14 : memref<!tpu.dma_semaphore, #tpu.memory_space<semaphore_mem>>)
      %slice3A_812 = vector.extract_strided_slice %get3A_618 {offsets = [11], sizes = [1], strides = [1]} : vector<16xi32> to vector<1xi32>
      %squeeze3A_813 = vector.extract %slice3A_812[0] : i32 from vector<1xi32>
      %shift_right_arithmetic3A_814 = arith.constant 7 : i32
      %shift_right_arithmetic3A_815 = arith.shrsi %squeeze3A_813, %shift_right_arithmetic3A_814 : i32
      %shift_left3A_816 = arith.constant 7 : i32
      %shift_left3A_817 = arith.shli %shift_right_arithmetic3A_815, %shift_left3A_816 : i32
      %multiple_of3A_818 = tpu.assume_multiple %shift_left3A_817, 128 : i32
      %add3A_819 = arith.constant 11 : i32
      %add3A_820 = arith.addi %mul3A_617, %add3A_819 : i32
      %mul3A_821 = arith.constant 8 : i32
      %mul3A_822 = arith.muli %add3A_820, %mul3A_821 : i32
      %add3A_823 = arith.constant 11 : i32
      %add3A_824 = arith.addi %mul3A_617, %add3A_823 : i32
      %dma_start3A_825 = arith.constant 0 : i32
      %dma_start3A_826 = tpu.memref_slice %arg10[%add3A_824, %dma_start3A_825] : memref<256x128xf32, #tpu.memory_space<vmem>> -> memref<1x128xf32, #tpu.memory_space<vmem>>
      %dma_start3A_827 = tpu.memref_slice %arg9[%mul3A_822] : memref<1024xi32, #tpu.memory_space<vmem>> -> memref<1xi32, #tpu.memory_space<vmem>>
      %dma_start3A_828 = arith.constant 0 : i32
      %dma_start3A_829 = tpu.memref_slice %arg2[%dma_start3A_828, %multiple_of3A_818] : memref<4096x100000xf32, #tpu.memory_space<hbm>> -> memref<4096x128xf32, #tpu.memory_space<hbm>>
      tpu.enqueue_indirect_dma source(%dma_start3A_829 : memref<4096x128xf32, #tpu.memory_space<hbm>>) target(%dma_start3A_826 : memref<1x128xf32, #tpu.memory_space<vmem>>) offsets(%dma_start3A_827 : memref<1xi32, #tpu.memory_space<vmem>>) semaphore(%arg14 : memref<!tpu.dma_semaphore, #tpu.memory_space<semaphore_mem>>)
      %slice3A_830 = vector.extract_strided_slice %get3A_618 {offsets = [12], sizes = [1], strides = [1]} : vector<16xi32> to vector<1xi32>
      %squeeze3A_831 = vector.extract %slice3A_830[0] : i32 from vector<1xi32>
      %shift_right_arithmetic3A_832 = arith.constant 7 : i32
      %shift_right_arithmetic3A_833 = arith.shrsi %squeeze3A_831, %shift_right_arithmetic3A_832 : i32
      %shift_left3A_834 = arith.constant 7 : i32
      %shift_left3A_835 = arith.shli %shift_right_arithmetic3A_833, %shift_left3A_834 : i32
      %multiple_of3A_836 = tpu.assume_multiple %shift_left3A_835, 128 : i32
      %add3A_837 = arith.constant 12 : i32
      %add3A_838 = arith.addi %mul3A_617, %add3A_837 : i32
      %mul3A_839 = arith.constant 8 : i32
      %mul3A_840 = arith.muli %add3A_838, %mul3A_839 : i32
      %add3A_841 = arith.constant 12 : i32
      %add3A_842 = arith.addi %mul3A_617, %add3A_841 : i32
      %dma_start3A_843 = arith.constant 0 : i32
      %dma_start3A_844 = tpu.memref_slice %arg10[%add3A_842, %dma_start3A_843] : memref<256x128xf32, #tpu.memory_space<vmem>> -> memref<1x128xf32, #tpu.memory_space<vmem>>
      %dma_start3A_845 = tpu.memref_slice %arg9[%mul3A_840] : memref<1024xi32, #tpu.memory_space<vmem>> -> memref<1xi32, #tpu.memory_space<vmem>>
      %dma_start3A_846 = arith.constant 0 : i32
      %dma_start3A_847 = tpu.memref_slice %arg2[%dma_start3A_846, %multiple_of3A_836] : memref<4096x100000xf32, #tpu.memory_space<hbm>> -> memref<4096x128xf32, #tpu.memory_space<hbm>>
      tpu.enqueue_indirect_dma source(%dma_start3A_847 : memref<4096x128xf32, #tpu.memory_space<hbm>>) target(%dma_start3A_844 : memref<1x128xf32, #tpu.memory_space<vmem>>) offsets(%dma_start3A_845 : memref<1xi32, #tpu.memory_space<vmem>>) semaphore(%arg14 : memref<!tpu.dma_semaphore, #tpu.memory_space<semaphore_mem>>)
      %slice3A_848 = vector.extract_strided_slice %get3A_618 {offsets = [13], sizes = [1], strides = [1]} : vector<16xi32> to vector<1xi32>
      %squeeze3A_849 = vector.extract %slice3A_848[0] : i32 from vector<1xi32>
      %shift_right_arithmetic3A_850 = arith.constant 7 : i32
      %shift_right_arithmetic3A_851 = arith.shrsi %squeeze3A_849, %shift_right_arithmetic3A_850 : i32
      %shift_left3A_852 = arith.constant 7 : i32
      %shift_left3A_853 = arith.shli %shift_right_arithmetic3A_851, %shift_left3A_852 : i32
      %multiple_of3A_854 = tpu.assume_multiple %shift_left3A_853, 128 : i32
      %add3A_855 = arith.constant 13 : i32
      %add3A_856 = arith.addi %mul3A_617, %add3A_855 : i32
      %mul3A_857 = arith.constant 8 : i32
      %mul3A_858 = arith.muli %add3A_856, %mul3A_857 : i32
      %add3A_859 = arith.constant 13 : i32
      %add3A_860 = arith.addi %mul3A_617, %add3A_859 : i32
      %dma_start3A_861 = arith.constant 0 : i32
      %dma_start3A_862 = tpu.memref_slice %arg10[%add3A_860, %dma_start3A_861] : memref<256x128xf32, #tpu.memory_space<vmem>> -> memref<1x128xf32, #tpu.memory_space<vmem>>
      %dma_start3A_863 = tpu.memref_slice %arg9[%mul3A_858] : memref<1024xi32, #tpu.memory_space<vmem>> -> memref<1xi32, #tpu.memory_space<vmem>>
      %dma_start3A_864 = arith.constant 0 : i32
      %dma_start3A_865 = tpu.memref_slice %arg2[%dma_start3A_864, %multiple_of3A_854] : memref<4096x100000xf32, #tpu.memory_space<hbm>> -> memref<4096x128xf32, #tpu.memory_space<hbm>>
      tpu.enqueue_indirect_dma source(%dma_start3A_865 : memref<4096x128xf32, #tpu.memory_space<hbm>>) target(%dma_start3A_862 : memref<1x128xf32, #tpu.memory_space<vmem>>) offsets(%dma_start3A_863 : memref<1xi32, #tpu.memory_space<vmem>>) semaphore(%arg14 : memref<!tpu.dma_semaphore, #tpu.memory_space<semaphore_mem>>)
      %slice3A_866 = vector.extract_strided_slice %get3A_618 {offsets = [14], sizes = [1], strides = [1]} : vector<16xi32> to vector<1xi32>
      %squeeze3A_867 = vector.extract %slice3A_866[0] : i32 from vector<1xi32>
      %shift_right_arithmetic3A_868 = arith.constant 7 : i32
      %shift_right_arithmetic3A_869 = arith.shrsi %squeeze3A_867, %shift_right_arithmetic3A_868 : i32
      %shift_left3A_870 = arith.constant 7 : i32
      %shift_left3A_871 = arith.shli %shift_right_arithmetic3A_869, %shift_left3A_870 : i32
      %multiple_of3A_872 = tpu.assume_multiple %shift_left3A_871, 128 : i32
      %add3A_873 = arith.constant 14 : i32
      %add3A_874 = arith.addi %mul3A_617, %add3A_873 : i32
      %mul3A_875 = arith.constant 8 : i32
      %mul3A_876 = arith.muli %add3A_874, %mul3A_875 : i32
      %add3A_877 = arith.constant 14 : i32
      %add3A_878 = arith.addi %mul3A_617, %add3A_877 : i32
      %dma_start3A_879 = arith.constant 0 : i32
      %dma_start3A_880 = tpu.memref_slice %arg10[%add3A_878, %dma_start3A_879] : memref<256x128xf32, #tpu.memory_space<vmem>> -> memref<1x128xf32, #tpu.memory_space<vmem>>
      %dma_start3A_881 = tpu.memref_slice %arg9[%mul3A_876] : memref<1024xi32, #tpu.memory_space<vmem>> -> memref<1xi32, #tpu.memory_space<vmem>>
      %dma_start3A_882 = arith.constant 0 : i32
      %dma_start3A_883 = tpu.memref_slice %arg2[%dma_start3A_882, %multiple_of3A_872] : memref<4096x100000xf32, #tpu.memory_space<hbm>> -> memref<4096x128xf32, #tpu.memory_space<hbm>>
      tpu.enqueue_indirect_dma source(%dma_start3A_883 : memref<4096x128xf32, #tpu.memory_space<hbm>>) target(%dma_start3A_880 : memref<1x128xf32, #tpu.memory_space<vmem>>) offsets(%dma_start3A_881 : memref<1xi32, #tpu.memory_space<vmem>>) semaphore(%arg14 : memref<!tpu.dma_semaphore, #tpu.memory_space<semaphore_mem>>)
      %slice3A_884 = vector.extract_strided_slice %get3A_618 {offsets = [15], sizes = [1], strides = [1]} : vector<16xi32> to vector<1xi32>
      %squeeze3A_885 = vector.extract %slice3A_884[0] : i32 from vector<1xi32>
      %shift_right_arithmetic3A_886 = arith.constant 7 : i32
      %shift_right_arithmetic3A_887 = arith.shrsi %squeeze3A_885, %shift_right_arithmetic3A_886 : i32
      %shift_left3A_888 = arith.constant 7 : i32
      %shift_left3A_889 = arith.shli %shift_right_arithmetic3A_887, %shift_left3A_888 : i32
      %multiple_of3A_890 = tpu.assume_multiple %shift_left3A_889, 128 : i32
      %add3A_891 = arith.constant 15 : i32
      %add3A_892 = arith.addi %mul3A_617, %add3A_891 : i32
      %mul3A_893 = arith.constant 8 : i32
      %mul3A_894 = arith.muli %add3A_892, %mul3A_893 : i32
      %add3A_895 = arith.constant 15 : i32
      %add3A_896 = arith.addi %mul3A_617, %add3A_895 : i32
      %dma_start3A_897 = arith.constant 0 : i32
      %dma_start3A_898 = tpu.memref_slice %arg10[%add3A_896, %dma_start3A_897] : memref<256x128xf32, #tpu.memory_space<vmem>> -> memref<1x128xf32, #tpu.memory_space<vmem>>
      %dma_start3A_899 = tpu.memref_slice %arg9[%mul3A_894] : memref<1024xi32, #tpu.memory_space<vmem>> -> memref<1xi32, #tpu.memory_space<vmem>>
      %dma_start3A_900 = arith.constant 0 : i32
      %dma_start3A_901 = tpu.memref_slice %arg2[%dma_start3A_900, %multiple_of3A_890] : memref<4096x100000xf32, #tpu.memory_space<hbm>> -> memref<4096x128xf32, #tpu.memory_space<hbm>>
      tpu.enqueue_indirect_dma source(%dma_start3A_901 : memref<4096x128xf32, #tpu.memory_space<hbm>>) target(%dma_start3A_898 : memref<1x128xf32, #tpu.memory_space<vmem>>) offsets(%dma_start3A_899 : memref<1xi32, #tpu.memory_space<vmem>>) semaphore(%arg14 : memref<!tpu.dma_semaphore, #tpu.memory_space<semaphore_mem>>)
    }
    %scan3A_595 = arith.constant 8 : i32
    %dma_wait3A = arith.constant 0 : i32
    %dma_wait3A_596 = arith.constant 0 : i32
    %dma_wait3A_597 = tpu.memref_slice %arg10[%dma_wait3A, %dma_wait3A_596] : memref<256x128xf32, #tpu.memory_space<vmem>> -> memref<128x128xf32, #tpu.memory_space<vmem>>
    %dma_wait3A_598 = arith.constant 0 : i32
    %dma_wait3A_599 = arith.constant 0 : i32
    %dma_wait3A_600 = tpu.memref_slice %arg2[%dma_wait3A_598, %dma_wait3A_599] : memref<4096x100000xf32, #tpu.memory_space<hbm>> -> memref<128x128xf32, #tpu.memory_space<hbm>>
    %dma_wait3A_601 = arith.constant 0 : i32
    %dma_wait3A_602 = arith.constant 0 : i32
    %dma_wait3A_603 = tpu.memref_slice %arg10[%dma_wait3A_601, %dma_wait3A_602] : memref<256x128xf32, #tpu.memory_space<vmem>> -> memref<128x128xf32, #tpu.memory_space<vmem>>
    %dma_wait3A_604 = arith.constant 0 : i32
    %dma_wait3A_605 = arith.constant 0 : i32
    %dma_wait3A_606 = tpu.memref_slice %arg2[%dma_wait3A_604, %dma_wait3A_605] : memref<4096x100000xf32, #tpu.memory_space<hbm>> -> memref<128x128xf32, #tpu.memory_space<hbm>>
    tpu.wait_dma2 semaphore(%arg14 : memref<!tpu.dma_semaphore, #tpu.memory_space<semaphore_mem>>) src(%dma_wait3A_606 : memref<128x128xf32, #tpu.memory_space<hbm>>) dst(%dma_wait3A_603 : memref<128x128xf32, #tpu.memory_space<vmem>>)
    %scan3A_607 = arith.constant 0 : i32
    %scan3A_608 = arith.constant 0 : i32
    %scan3A_609 = arith.constant 8 : i32
    %scan3A_610 = arith.addi %scan3A_608, %scan3A_609 : i32
    %scan3A_611 = arith.constant 1 : i32
    scf.for %scan3A_615 = %scan3A_608 to %scan3A_610 step %scan3A_611  : i32 {
      %mul3A_616 = arith.constant 16 : i32
      %mul3A_617 = arith.muli %scan3A_615, %mul3A_616 : i32
      %get3A = arith.index_cast %mul3A_617 : i32 to index
      %get3A_618 = tpu.vector_load %arg7[%get3A] {strides = array<i32>} : memref<128xi32, #tpu.memory_space<vmem>>, vector<16xi32>,
      %and3A = arith.constant 127 : i32
      %and3A_619 = vector.broadcast %and3A : i32 to vector<16xi32>
      %and3A_620 = arith.andi %get3A_618, %and3A_619 : vector<16xi32>
      %add3A_621 = vector.broadcast %mul3A_617 : i32 to vector<16xi32>
      %add3A_622 = arith.addi %add3A_621, %iota3A : vector<16xi32>
      %gather3A = tpu.vector_load_idx %arg10[%add3A_622, %and3A_620] : memref<256x128xf32, #tpu.memory_space<vmem>>[vector<16xi32>, vector<16xi32>], vector<16xf32>,
      %swap3A_623 = arith.index_cast %mul3A_617 : i32 to index
      %swap3A_624 = tpu.vector_load %arg12[%swap3A_623] {strides = array<i32>} : memref<128xf32, #tpu.memory_space<vmem>>, vector<16xf32>,
      tpu.vector_store %arg12[%swap3A_623], %gather3A {strides = array<i32>} : memref<128xf32, #tpu.memory_space<vmem>>, vector<16xf32>,
    }
    %scan3A_612 = arith.constant 8 : i32
    "tpu.region"() ({
      %run_scoped3A = tpu.sem_alloc : memref<!tpu.dma_semaphore, #tpu.memory_space<semaphore_mem>>
      %dma_start3A = tpu.memref_slice %arg5[%mul3A_2] : memref<4096xf32, #tpu.memory_space<hbm>> -> memref<128xf32, #tpu.memory_space<hbm>>
      %dma_start3A_615 = tpu.memref_slice %arg5[%mul3A_2] : memref<4096xf32, #tpu.memory_space<hbm>> -> memref<128xf32, #tpu.memory_space<hbm>>
      tpu.enqueue_dma source(%arg12 : memref<128xf32, #tpu.memory_space<vmem>>) target(%dma_start3A_615 : memref<128xf32, #tpu.memory_space<hbm>>) target_semaphore(%run_scoped3A : memref<!tpu.dma_semaphore, #tpu.memory_space<semaphore_mem>>)
      %dma_wait3A_616 = tpu.memref_slice %arg5[%mul3A_2] : memref<4096xf32, #tpu.memory_space<hbm>> -> memref<128xf32, #tpu.memory_space<hbm>>
      %dma_wait3A_617 = tpu.memref_slice %arg5[%mul3A_2] : memref<4096xf32, #tpu.memory_space<hbm>> -> memref<128xf32, #tpu.memory_space<hbm>>
      tpu.wait_dma2 semaphore(%run_scoped3A : memref<!tpu.dma_semaphore, #tpu.memory_space<semaphore_mem>>) src(%arg12 : memref<128xf32, #tpu.memory_space<vmem>>) dst(%dma_wait3A_617 : memref<128xf32, #tpu.memory_space<hbm>>)
      tpu.yield
    }) : () -> ()
    %mul3A_613 = arith.constant 64 : i32
    %mul3A_614 = arith.muli %mul3A_2, %mul3A_613 : i32
    "tpu.region"() ({
      %run_scoped3A = tpu.sem_alloc : memref<!tpu.dma_semaphore, #tpu.memory_space<semaphore_mem>>
      %dma_start3A = tpu.memref_slice %arg6[%mul3A_614] : memref<262144xf32, #tpu.memory_space<hbm>> -> memref<8192xf32, #tpu.memory_space<hbm>>
      %dma_start3A_615 = tpu.memref_slice %arg6[%mul3A_614] : memref<262144xf32, #tpu.memory_space<hbm>> -> memref<8192xf32, #tpu.memory_space<hbm>>
      tpu.enqueue_dma source(%arg13 : memref<8192xf32, #tpu.memory_space<vmem>>) target(%dma_start3A_615 : memref<8192xf32, #tpu.memory_space<hbm>>) target_semaphore(%run_scoped3A : memref<!tpu.dma_semaphore, #tpu.memory_space<semaphore_mem>>)
      %dma_wait3A_616 = tpu.memref_slice %arg6[%mul3A_614] : memref<262144xf32, #tpu.memory_space<hbm>> -> memref<8192xf32, #tpu.memory_space<hbm>>
      %dma_wait3A_617 = tpu.memref_slice %arg6[%mul3A_614] : memref<262144xf32, #tpu.memory_space<hbm>> -> memref<8192xf32, #tpu.memory_space<hbm>>
      tpu.wait_dma2 semaphore(%run_scoped3A : memref<!tpu.dma_semaphore, #tpu.memory_space<semaphore_mem>>) src(%arg13 : memref<8192xf32, #tpu.memory_space<vmem>>) dst(%dma_wait3A_617 : memref<8192xf32, #tpu.memory_space<hbm>>)
      tpu.yield
    }) : () -> ()
    return
  }
}

module attributes {stable_mosaic.version = 14 : i64} {
  func.func @_tc_loss_body(%arg0: memref<32x128xf32, #tpu.memory_space<vmem>>, %arg1: memref<2048x128xf32, #tpu.memory_space<vmem>>, %arg2: memref<1x1xf32, #tpu.memory_space<smem>>) attributes {dimension_semantics = [], scalar_prefetch = 0 : i64, scratch_operands = 0 : i64, tpu.core_type = #tpu.core_type<tc>} {
    %get3A = arith.constant 0 : index
    %get3A_0 = arith.constant 0 : index
    %get3A_1 = vector.load %arg0[%get3A, %get3A_0] : memref<32x128xf32, #tpu.memory_space<vmem>>, vector<32x128xf32>
    %get3A_2 = arith.constant 0 : index
    %get3A_3 = arith.constant 0 : index
    %get3A_4 = vector.load %arg1[%get3A_2, %get3A_3] : memref<2048x128xf32, #tpu.memory_space<vmem>>, vector<2048x128xf32>
    %min3A = arith.constant 0.000000e+00 : f32
    %min3A_5 = vector.broadcast %min3A : f32 to vector<32x128xf32>
    %min3A_6 = arith.minimumf %get3A_1, %min3A_5 : vector<32x128xf32>
    %abs3A = math.absf %get3A_1 : vector<32x128xf32>
    %neg3A = arith.constant 0.000000e+00 : f32
    %neg3A_7 = vector.broadcast %neg3A : f32 to vector<32x128xf32>
    %neg3A_8 = arith.subf %neg3A_7, %abs3A : vector<32x128xf32>
    %exp3A = math.exp %neg3A_8 : vector<32x128xf32>
    %log1p3A = math.log1p %exp3A : vector<32x128xf32>
    %sub3A = arith.subf %min3A_6, %log1p3A : vector<32x128xf32>
    %neg3A_9 = arith.constant 0.000000e+00 : f32
    %neg3A_10 = vector.broadcast %neg3A_9 : f32 to vector<2048x128xf32>
    %neg3A_11 = arith.subf %neg3A_10, %get3A_4 : vector<2048x128xf32>
    %min3A_12 = arith.constant 0.000000e+00 : f32
    %min3A_13 = vector.broadcast %min3A_12 : f32 to vector<2048x128xf32>
    %min3A_14 = arith.minimumf %neg3A_11, %min3A_13 : vector<2048x128xf32>
    %abs3A_15 = math.absf %get3A_4 : vector<2048x128xf32>
    %neg3A_16 = arith.constant 0.000000e+00 : f32
    %neg3A_17 = vector.broadcast %neg3A_16 : f32 to vector<2048x128xf32>
    %neg3A_18 = arith.subf %neg3A_17, %abs3A_15 : vector<2048x128xf32>
    %exp3A_19 = math.exp %neg3A_18 : vector<2048x128xf32>
    %log1p3A_20 = math.log1p %exp3A_19 : vector<2048x128xf32>
    %sub3A_21 = arith.subf %min3A_14, %log1p3A_20 : vector<2048x128xf32>
    %reduce_sum3A = vector.shape_cast %sub3A : vector<32x128xf32> to vector<1x32x128xf32>
    %reduce_sum3A_22 = arith.constant dense<0.000000e+00> : vector<1xf32>
    %reduce_sum3A_23 = vector.multi_reduction <add>, %reduce_sum3A, %reduce_sum3A_22 [1, 2] : vector<1x32x128xf32> to vector<1xf32>
    %reduce_sum3A_24 = vector.shape_cast %reduce_sum3A_23 : vector<1xf32> to vector<1x1x1xf32>
    %reduce_sum3A_25 = vector.extract %reduce_sum3A_24[0, 0, 0] : f32 from vector<1x1x1xf32>
    %reduce_sum3A_26 = vector.shape_cast %sub3A_21 : vector<2048x128xf32> to vector<1x2048x128xf32>
    %reduce_sum3A_27 = arith.constant dense<0.000000e+00> : vector<1xf32>
    %reduce_sum3A_28 = vector.multi_reduction <add>, %reduce_sum3A_26, %reduce_sum3A_27 [1, 2] : vector<1x2048x128xf32> to vector<1xf32>
    %reduce_sum3A_29 = vector.shape_cast %reduce_sum3A_28 : vector<1xf32> to vector<1x1x1xf32>
    %reduce_sum3A_30 = vector.extract %reduce_sum3A_29[0, 0, 0] : f32 from vector<1x1x1xf32>
    %add3A = arith.addf %reduce_sum3A_25, %reduce_sum3A_30 : f32
    %neg3A_31 = arith.constant 0.000000e+00 : f32
    %neg3A_32 = arith.subf %neg3A_31, %add3A : f32
    %div3A = arith.constant 4.096000e+03 : f32
    %div3A_33 = arith.divf %neg3A_32, %div3A : f32
    %swap3A = arith.constant 0 : index
    %swap3A_34 = arith.constant 0 : index
    %swap3A_35 = memref.load %arg2[%swap3A, %swap3A_34] : memref<1x1xf32, #tpu.memory_space<smem>>
    memref.store %div3A_33, %arg2[%swap3A, %swap3A_34] : memref<1x1xf32, #tpu.memory_space<smem>>
    return
  }
}

</mosaic_0001>

<sc_bundles>
// kernel: kernel.4.cloned.1.call-start
scs
__scs_entry_jumppad:
0x0: {  	(pc) =	sbr.rel $0x88, $3  }
0x1: {  	(tag) =	ssettag $0x0;
	lr =	simm.s32 $0x1  }
0x2: {  	[smem:$0x3F9E] =	sst lr;
	_ =	strace $0xD0000000  }
0x3: {  	_ = 	snop  }
0x4: {  	_ = 	snop  }
0x5: {  	_ = 	snop  }
0x6: {  	_ = 	snop  }
0x7: {  	_ = 	snop  }
__scs_overlays_trampoline_lowered:
0x8: {  	[smem:$0x3FAD] =	sst s0  }
0x9: {  	[smem:$0x3FAE] =	sst s1  }
0xa: {  	[smem:$0x3FAF] =	sst s2  }
0xb: {  	[smem:$0x3FB0] =	sst s3  }
0xc: {  	[smem:$0x3FB1] =	sst s4  }
0xd: {  	[smem:$0x3FB2] =	sst s5  }
0xe: {  	[smem:$0x3FB3] =	sst s6  }
0xf: {  	[smem:$0x3FB4] =	sst s7  }
0x10: {  	[smem:$0x3FB5] =	sst s8  }
0x11: {  	[smem:$0x3FB6] =	sst s9;
	s0 =	simm.s32 @!p0 $0x0  }
0x12: {  	s1 =	sld [smem:$0x3F9C];
	s0 =	simm.s32 @p0 $0x1  }
0x13: {  	[smem:$0x3FB7] =	sst s0;
	s0 =	simm.s32 @!p1 $0x0  }
0x14: {  	s2 =	sld [smem:$0x3F9B];
	s0 =	simm.s32 @p1 $0x1  }
0x15: {  	[smem:$0x3FB8] =	sst s0;
	s0 =	simm.s32 @!p2 $0x0  }
0x16: {  	s3 =	sld [smem:$0x3FDB];
	s0 =	simm.s32 @p2 $0x1  }
0x17: {  	s4 =	simm.s32 $0x1BF5;
	[smem:$0x3FBA] =	sst s0  }
0x18: {  	s0 =	sld [smem:$0x3F9D];
	_ =	swait.ge [sflag:s4], $0x0  }
0x19: {  	s7 =	sld [smem:$0x3F9E]  }
0x1a: {  	s8 =	sadd.s32 $0xFFFFE003, lr  }
0x1b: {  	s9 =	sadd.s32 $0xFFFFFEF7, lr;
	s5 =	simm.s32 $0xFFFFFFFF;
	p2 =	slt.u32 s8, $0xFFFFF086  }
0x1c: {  	p1 =	slt.u32 s9, $0xF7A;
	s5 =	simm.s32 @!p2 $0x0  }
0x1d: {  	s5 =	simm.s32 @p1 $0x1;
	p0 =	seq.s32 s7, s2  }
0x1e: {  	s7 =	smul.u32 @!p0 $0xF7A, s2;
	p2 =	seq.s32 @!p0 s5, $0x0  }
0x1f: {  	s9 =	smul.u32 $0xF7A, s1;
	s8 =	simm.s32 @!p0 $0x1BF5;
	p2 =	por !p2, p0  }
0x20: {  	[sflag:s8] =	ssyncset.s32 @!p0 $0xFFFFF086;
	s6 =	sadd.s32 @!p0 s3, s7;
	s7 =	simm.s32 @!p0 $0x108  }
0x21: {  	s3 =	sadd.s32 s3, s9;
	s6 =	sadd.s32 @!p0 $0x88, s6;
	s7 =	simm.s32 @p2 $0x1082  }
0x22: {  	[simem:s7], [sflag:s8] =	dma.local @!p0 [hbm:s6], $0xF7A  }
0x23: {  	s9 =	sor.u32 $0xD0000000, s2;
	s6 =	simm.s32 $0x108;
	_ =	swait.ge @!p0 [sflag:s8], $0x0  }
0x24: {  	s3 =	sadd.s32 $0x88, s3;
	s6 =	simm.s32 @!p1 $0x1082;
	[sflag:s4] =	ssyncset.s32 $0xFFFFF086  }
0x25: {  	[simem:s6], [sflag:s4] =	dma.local [hbm:s3], $0xF7A  }
0x26: {  	[smem:$0x3F9E] =	sst s1;
	(tag) =	ssettag s2;
	_ =	strace s9  }
0x27: {  	s1 =	sld [smem:$0x3FAE]  }
0x28: {  	s2 =	sld [smem:$0x3FAF]  }
0x29: {  	s4 =	sld [smem:$0x3FB1]  }
0x2a: {  	p0 =	seq.s32 s5, $0x0;
	s5 =	sld [smem:$0x3FB2]  }
0x2b: {  	s6 =	sld [smem:$0x3FB3]  }
0x2c: {  	s7 =	sld [smem:$0x3FB4]  }
0x2d: {  	s3 =	simm.s32 $0x108;
	s8 =	sld [smem:$0x3FB5]  }
0x2e: {  	s3 =	simm.s32 @!p0 $0x1082;
	s9 =	sld [smem:$0x3FB6]  }
0x2f: {  	lr =	sadd.s32 s0, s3;
	s0 =	sld [smem:$0x3FAD]  }
0x30: {  	s3 =	sld [smem:$0x3FB0]  }
0x31: {  	[smem:$0x3FB9] =	sst s10  }
0x32: {  	s10 =	sld [smem:$0x3FB7];
	_ =	sdelay $0x3  }
0x33: {  	p0 =	seq.s32 s10, $0x1;
	s10 =	sld [smem:$0x3FB9];
	_ =	sdelay $0x3  }
0x34: {  	[smem:$0x3FB9] =	sst s10  }
0x35: {  	s10 =	sld [smem:$0x3FB8];
	_ =	sdelay $0x3  }
0x36: {  	p1 =	seq.s32 s10, $0x1;
	s10 =	sld [smem:$0x3FB9];
	_ =	sdelay $0x3  }
0x37: {  	[smem:$0x3FB9] =	sst s10  }
0x38: {  	s10 =	sld [smem:$0x3FBA]  }
0x39: {  	_ = 	snop;
	(pc) =	sbr.ind lr, $3  }
0x3a: {  	_ = 	snop  }
0x3b: {  	_ = 	snop  }
0x3c: {  	p2 =	seq.s32 s10, $0x1;
	s10 =	sld [smem:$0x3FB9]  }
0x3d: {  	_ =	shalt  }
0x3e: {  	_ =	shalt  }
0x3f: {  	_ =	shalt  }
0x40: {  	_ =	shalt  }
0x41: {  	_ =	shalt  }
0x42: {  	_ =	shalt  }
0x43: {  	_ =	shalt  }
0x44: {  	_ =	shalt  }
0x45: {  	_ =	shalt  }
0x46: {  	_ =	shalt  }
0x47: {  	_ =	shalt  }
0x48: {  	_ =	shalt  }
0x49: {  	_ =	shalt  }
0x4a: {  	_ =	shalt  }
0x4b: {  	_ =	shalt  }
0x4c: {  	_ =	shalt  }
0x4d: {  	_ =	shalt  }
0x4e: {  	_ =	shalt  }
0x4f: {  	_ =	shalt  }
0x50: {  	_ =	shalt  }
0x51: {  	_ =	shalt  }
0x52: {  	_ =	shalt  }
0x53: {  	_ =	shalt  }
0x54: {  	_ =	shalt  }
0x55: {  	_ =	shalt  }
0x56: {  	_ =	shalt  }
0x57: {  	_ =	shalt  }
0x58: {  	_ =	shalt  }
0x59: {  	_ =	shalt  }
0x5a: {  	_ =	shalt  }
0x5b: {  	_ =	shalt  }
0x5c: {  	_ =	shalt  }
0x5d: {  	_ =	shalt  }
0x5e: {  	_ =	shalt  }
0x5f: {  	_ =	shalt  }
0x60: {  	_ =	shalt  }
0x61: {  	_ =	shalt  }
0x62: {  	_ =	shalt  }
0x63: {  	_ =	shalt  }
0x64: {  	_ =	shalt  }
0x65: {  	_ =	shalt  }
0x66: {  	_ =	shalt  }
0x67: {  	_ =	shalt  }
0x68: {  	_ =	shalt  }
0x69: {  	_ =	shalt  }
0x6a: {  	_ =	shalt  }
0x6b: {  	_ =	shalt  }
0x6c: {  	_ =	shalt  }
0x6d: {  	_ =	shalt  }
0x6e: {  	_ =	shalt  }
0x6f: {  	_ =	shalt  }
0x70: {  	_ =	shalt  }
0x71: {  	_ =	shalt  }
0x72: {  	_ =	shalt  }
0x73: {  	_ =	shalt  }
0x74: {  	_ =	shalt  }
0x75: {  	_ =	shalt  }
0x76: {  	_ =	shalt  }
0x77: {  	_ =	shalt  }
0x78: {  	_ =	shalt  }
0x79: {  	_ =	shalt  }
0x7a: {  	_ =	shalt  }
0x7b: {  	_ =	shalt  }
0x7c: {  	_ =	shalt  }
0x7d: {  	_ =	shalt  }
0x7e: {  	_ =	shalt  }
0x7f: {  	_ =	shalt  }
0x80: {  	_ =	shalt  }
0x81: {  	_ =	shalt  }
0x82: {  	_ =	shalt  }
0x83: {  	_ =	shalt  }
0x84: {  	_ =	shalt  }
0x85: {  	_ =	shalt  }
0x86: {  	_ =	shalt  }
0x87: {  	_ =	shalt  }
.Lfunc_end0:
.L_simem_size_0:
called_computation_lowered:
.L_overlay_start_0:
0x88: {  	s2 =	sld [smem:$0x3FD9]  }
0x89: {  	s3 =	sld [smem:$0x3FFE];
	_ =	sdelay $0x1  }
0x8a: {  	s1 =	srdreg.scid  }
0x8b: {  	s0 =	sand.u32 $0x1, s1  }
0x8c: {  	s17 =	sshll.u32 s0, $0xA;
	s2 =	sadd.s32 s3, s2  }
0x8d: {  	s2 =	sadd.s32 s2, s17  }
0x8e: {  	[smem:$0x3FC5] =	sst s2  }
0x8f: {  	_ = 	snop  }
0x90: {  	s2 =	sld [smem:$0x3FC8];
	(tm) =	ssettm $0x1  }
0x91: {  	s18 =	sld [smem:$0x3FFB];
	_ =	sdelay $0x3  }
0x92: {  	_ =	strace s18  }
0x93: {  	s3 =	sld [smem:$0x3FFC];
	_ =	sdelay $0x3  }
0x94: {  	_ =	strace s3  }
0x95: {  	s3 =	sld [smem:$0x3FFD];
	_ =	sdelay $0x3  }
0x96: {  	_ =	strace s3  }
0x97: {  	_ =	strace $0x8FFFFFFF  }
0x98: {  	s19 =	sld [smem:$0x3FDB];
	_ =	sdelay $0x1  }
0x99: {  	s4 =	simm.s32 $_scs_section_size  }
0x9a: {  	s5 =	simm.s32 $_size__tile_overlayer_lowered;
	s6 =	simm.s32 $_tile_overlayer_lowered  }
0x9b: {  	s22 =	simm.s32 $0x1BFF;
	s21 =	sshll.u32 s6, $0x1;
	s3 =	sadd.s32 s4, s19  }
0x9c: {  	s7 =	simm.s32 $0x0;
	s20 =	sshll.u32 s5, $0x1;
	s5 =	sadd.s32 s21, s3  }
0x9d: {  	[timem:s7], [sflag:s22] =	dma.local [hbm:s5], s20  }
0x9e: {  	_ =	swait.ge [sflag:s22], s20  }
0x9f: {  	s4 =	ssub.s32 $0x0, s20;
	[sflag:s22] =	ssyncset.done $0x0  }
0xa0: {  	[sflag:s22] =	ssyncadd.s32 s4;
	_ =	sdelay $0x1  }
0xa1: {  	s23 =	simm.s32 $0x1B8B  }
0xa2: {  	_ =	swait.ge [sflag:s23], $0x1  }
0xa3: {  	[sflag:s23] =	ssyncset.done $0x0  }
0xa4: {  	s25 =	simm.s32 $0x1B8E;
	s24 =	sld [smem:$0x3FFE];
	[sflag:s23] =	ssyncadd.s32 $0xFFFFFFFF  }
0xa5: {  	s26 =	simm.s32 $execute0_lowered;
	[smem:$0x3FD2] =	sst s25  }
0xa6: {  	s5 =	sshll.u32 s26, $0x1;
	_ =	strace $0x80000046;
	[dreg:$0x1] =	wrdreg $0xFFFFFFFF  }
0xa7: {  	s28 =	simm.s32 $_size_execute0_lowered;
	s3 =	sadd.s32 s3, s5;
	[dreg:$0x0] =	wrdreg $0x0  }
0xa8: {  	s5 =	sshll.u32 s28, $0x1;
	[dreg:$0x2] =	wrdreg s3  }
0xa9: {  	[dreg:$0x3] =	wrdreg s5  }
0xaa: {  	[dreg:$0x4] =	wrdreg $0xC0  }
0xab: {  	_ =	task [dreg:s7], $0x5FFFF  }
0xac: {  	[dreg:$0x1] =	wrdreg $0xFFFFFFFF  }
0xad: {  	[dreg:$0x0] =	wrdreg $0x60  }
0xae: {  	[dreg:$0x2] =	wrdreg s24  }
0xaf: {  	[dreg:$0x3] =	wrdreg s2  }
0xb0: {  	[dreg:$0x4] =	wrdreg $0x9  }
0xb1: {  	_ =	task.clear_ibuf [dreg:s7], $0x5FFFF;
	_ =	strace $0x90000046  }
0xb2: {  	s29 =	simm.s32 $0x9;
	_ =	strace $0x80000048  }
0xb3: {  	_ =	swait.ge [sflag:s29], $0x1  }
0xb4: {  	[sflag:s29] =	ssyncadd.s32 $0xFFFFFFFF  }
0xb5: {  	_ =	strace $0x90000048  }
0xb6: {  	_ =	sfence  }
0xb7: {  	s30 =	sld [smem:$0x0];
	_ =	sdelay $0x2  }
0xb8: {  	s31 =	sshll.u32 s1, $0xD;
	s1 =	sshrl.u32 s1, $0x2  }
0xb9: {  	s3 =	sand.u32 $0x4000, s31;
	s1 =	sadd.s32 s1, s30  }
0xba: {  	s0 =	sor.u32 s3, s0;
	s1 =	sshll.u32 s1, $0x11  }
0xbb: {  	s0 =	sor.u32 s1, s0  }
0xbc: {  	s0 =	sadd.s32 $0x8F2B, s0  }
0xbd: {  	[sflag:s0] =	ssyncadd.remote.s32 $0x1  }
0xbe: {  	_ =	sfence.sel $0xFFFF  }
0xbf: {  	[dreg:$0x0] =	wrdreg $0xFFFFFFFF;
	(pc) =	sbr.abs _section_cstart, $3  }
0xc0: {  	[dreg:$0x1] =	wrdreg $0xFFFFFFFF  }
0xc1: {  	_ =	task.clear_ibuf [dreg:s7], $0x2FFFF;
	_ =	strace $0x9FFFFFFF  }
0xc2: {  	(tm) =	ssettm $0x7FFFFFFF  }
0xc3: {  	_ =	shalt  }
tec
execute0_lowered:
.L_overlay_start_1:
0x0: {  	(tag) =	ssettag $0x1  }
0x1: {  	s4 =	rddreg [dreg:$0x0]  }
0x2: {  	s9 =	rddreg [dreg:$0x1]  }
0x3: {  	s2 =	simm.s32 $0x0;
	s3 =	srdreg.scid;
	s0 =	stileid.u32  }
0x4: {  	[smem:$0x7FF] =	sst s2;
	s5 =	sand.u32 $0x1, s3;
	s6 =	sshll.u32 s0, $0x1  }
0x5: {  	s3 =	sadd.s32 $0x8C00, s4;
	_ =	strace $0x80000047;
	s10 =	sor.u32 s5, s6  }
0x6: {  	s5 =	ssub.s32 $0x2, s5;
	s11 =	sshll.u32 s10, $0x4;
	s7 =	sshll.u32 s10, $0xA  }
0x7: {  	s21 =	sshrl.u32 s5, $0x1;
	s6 =	sadd.s32 s11, s4;
	s7 =	sadd.s32 s7, s4  }
0x8: {  	s8 =	ssub.s32 s5, s21;
	s5 =	sshll.u32 s10, $0x7;
	s4 =	sadd.s32 s9, s11  }
0x9: {  	s9 =	simm.s32 $0x3;
	s11 =	simm.s32 $0x2480;
	s22 =	sor.u32 $0x2, s5  }
0xa: {  	v0 =	vlaneseq.u32;
	s10 =	sor.u32 $0x4, s5;
	s23 =	sor.u32 $0x6, s5;
	s12 =	sor.u32 $0x8, s5  }
0xb: {  	v1 =	vshrl.u32 v0, $0x3;
	s13 =	sor.u32 $0xA, s5;
	s14 =	sor.u32 $0xC, s5;
	s15 =	sor.u32 $0xE, s5  }
0xc: {  	vm0 =	vmmov $0x1;
	s16 =	sor.u32 $0x10, s5;
	s17 =	sor.u32 $0x12, s5;
	s24 =	sor.u32 $0x14, s5;
	v52 =	vor.u32 s5, v1;
	v2 =	vor.u32 s22, v1  }
0xd: {  	s25 =	sor.u32 $0x16, s5;
	s26 =	sor.u32 $0x18, s5;
	s28 =	sor.u32 $0x1A, s5;
	v8 =	vor.u32 s16, v1;
	v9 =	vor.u32 s17, v1;
	v10 =	vor.u32 s24, v1  }
0xe: {  	s29 =	sor.u32 $0x1C, s5;
	s30 =	sor.u32 $0x1E, s5;
	s31 =	sor.u32 $0x20, s5;
	v11 =	vor.u32 s25, v1;
	v12 =	vor.u32 s26, v1;
	v13 =	vor.u32 s28, v1  }
0xf: {  	s0 =	sor.u32 $0x22, s5;
	s1 =	sor.u32 $0x24, s5;
	s18 =	sor.u32 $0x26, s5;
	v14 =	vor.u32 s29, v1;
	v15 =	vor.u32 s30, v1;
	v16 =	vor.u32 s31, v1  }
0x10: {  	s19 =	sor.u32 $0x28, s5;
	s20 =	sor.u32 $0x2A, s5;
	s21 =	sor.u32 $0x2C, s5;
	v17 =	vor.u32 s0, v1;
	v18 =	vor.u32 s1, v1;
	v19 =	vor.u32 s18, v1  }
0x11: {  	s6 =	sadd.s32 $0x30F0C00, s6;
	s22 =	sor.u32 $0x2E, s5;
	s24 =	sor.u32 $0x32, s5;
	v20 =	vor.u32 s19, v1;
	v21 =	vor.u32 s20, v1;
	v22 =	vor.u32 s21, v1  }
0x12: {  	s25 =	sor.u32 $0x34, s5;
	s26 =	sor.u32 $0x36, s5;
	s28 =	sor.u32 $0x38, s5;
	[tilespmem:$0x1FF90] =	vst v2;
	v2 =	vor.u32 s10, v1;
	v23 =	vor.u32 s22, v1;
	v25 =	vor.u32 s24, v1  }
0x13: {  	s29 =	sor.u32 $0x3A, s5;
	s30 =	sor.u32 $0x3C, s5;
	s31 =	sor.u32 $0x3E, s5;
	v26 =	vor.u32 s25, v1;
	v27 =	vor.u32 s26, v1;
	v28 =	vor.u32 s28, v1  }
0x14: {  	s0 =	sor.u32 $0x40, s5;
	s1 =	sor.u32 $0x42, s5;
	s18 =	sor.u32 $0x44, s5;
	v29 =	vor.u32 s29, v1;
	v30 =	vor.u32 s30, v1;
	v31 =	vor.u32 s31, v1  }
0x15: {  	s19 =	sor.u32 $0x46, s5;
	s20 =	sor.u32 $0x48, s5;
	s21 =	sor.u32 $0x4A, s5;
	v32 =	vor.u32 s0, v1;
	v33 =	vor.u32 s1, v1;
	v34 =	vor.u32 s18, v1  }
0x16: {  	s8 =	smax.u32 s8, $0x1;
	s22 =	sor.u32 $0x4C, s5;
	s24 =	sor.u32 $0x50, s5;
	v35 =	vor.u32 s19, v1;
	v36 =	vor.u32 s20, v1;
	v37 =	vor.u32 s21, v1  }
0x17: {  	s25 =	sor.u32 $0x52, s5;
	s26 =	sor.u32 $0x54, s5;
	s28 =	sor.u32 $0x56, s5;
	[tilespmem:$0x1FFA0] =	vst v2;
	v2 =	vor.u32 s23, v1;
	v38 =	vor.u32 s22, v1;
	v40 =	vor.u32 s24, v1  }
0x18: {  	s29 =	sor.u32 $0x58, s5;
	s30 =	sor.u32 $0x5A, s5;
	s31 =	sor.u32 $0x5C, s5;
	v41 =	vor.u32 s25, v1;
	v42 =	vor.u32 s26, v1;
	v43 =	vor.u32 s28, v1  }
0x19: {  	s0 =	sor.u32 $0x5E, s5;
	s1 =	sor.u32 $0x60, s5;
	s18 =	sor.u32 $0x64, s5;
	v44 =	vor.u32 s29, v1;
	v45 =	vor.u32 s30, v1;
	v46 =	vor.u32 s31, v1  }
0x1a: {  	s19 =	sor.u32 $0x66, s5;
	s20 =	sor.u32 $0x68, s5;
	s21 =	sor.u32 $0x6A, s5;
	v47 =	vor.u32 s0, v1;
	v48 =	vor.u32 s1, v1;
	v50 =	vor.u32 s18, v1  }
0x1b: {  	s16 =	simm.s32 $0x0;
	s23 =	sor.u32 $0x30, s5;
	s22 =	sor.u32 $0x6C, s5;
	v51 =	vor.u32 s19, v1;
	v53 =	vor.u32 s20, v1;
	v54 =	vor.u32 s21, v1  }
0x1c: {  	s24 =	sor.u32 $0x70, s5;
	s25 =	sor.u32 $0x72, s5;
	s26 =	sor.u32 $0x74, s5;
	[tilespmem:$0x1FFB0] =	vst v2;
	v2 =	vor.u32 s12, v1;
	v24 =	vor.u32 s23, v1;
	v55 =	vor.u32 s22, v1  }
0x1d: {  	s10 =	simm.s32 $0x1;
	s28 =	sor.u32 $0x76, s5;
	s29 =	sor.u32 $0x78, s5;
	v57 =	vor.u32 s24, v1;
	v58 =	vor.u32 s25, v1;
	v59 =	vor.u32 s26, v1  }
0x1e: {  	s30 =	sor.u32 $0x7A, s5;
	s31 =	sor.u32 $0x7C, s5;
	s23 =	sor.u32 $0x4E, s5;
	v60 =	vor.u32 s28, v1;
	v61 =	vor.u32 s29, v1;
	[tilespmem:$0x1FFC0] =	vst v2;
	v2 =	vor.u32 s13, v1  }
0x1f: {  	s18 =	sor.u32 $0x7E, s5;
	v62 =	vor.u32 s30, v1;
	s12 =	simm.s32 $0x2;
	v39 =	vor.u32 s23, v1;
	s23 =	sor.u32 $0x6E, s5;
	[tilespmem:$0x1FFD0] =	vst v2;
	v2 =	vor.u32 s14, v1  }
0x20: {  	v63 =	vor.u32 s31, v1;
	s13 =	simm.s32 $0xA480;
	s14 =	sor.u32 $0x62, s5;
	v56 =	vor.u32 s23, v1;
	s5 =	sadd.s32 $0xC00, s7;
	[tilespmem:$0x1FFE0] =	vst v2;
	v2 =	vor.u32 s15, v1  }
0x21: {  	s7 =	sadd.s32 $0x30E8C00, s7;
	v49 =	vor.u32 s14, v1;
	v1 =	vor.u32 s18, v1;
	s14 =	simm.s32 $0x12480;
	s15 =	simm.s32 $0x12500;
	[tilespmem:$0x1FFF0] =	vst v2;
	v2 =	vimm.s32 $0x0  }
.LBB2_1:
0x22: {  	[tilespmem:s2], [sflag:$0x3] =	stream.linear.gather [hbm4b:s4+s2], $0x80, $0x38;
	[tilespmem:$0x14500] =	vst v63  }
0x23: {  	_ =	swait.ge [sflag:s9], $0x80  }
0x24: {  	[sflag:s9] =	ssyncset.done $0x0  }
0x25: {  	s17 =	simm.s32 $0x80;
	[sflag:s9] =	ssyncadd.s32 $0xFFFFFF80  }
0x26: {  	[tilespmem:s17], [sflag:$0x3] =	stream.linear.gather [hbm4b:s5+s2], $0x2000, $0x38;
	[tilespmem:$0x14500] =	vst v63  }
0x27: {  	_ =	swait.ge [sflag:s9], $0x2000  }
0x28: {  	[sflag:s9] =	ssyncset.done $0x0  }
0x29: {  	[sflag:s9] =	ssyncadd.s32 $0xFFFFE000  }
0x2a: {  	[tilespmem:$0x2080] =	vst v52  }
0x2b: {  	[tilespmem:$0x2100] =	vst v8  }
0x2c: {  	[tilespmem:$0x2110] =	vst v9  }
0x2d: {  	[tilespmem:$0x2120] =	vst v10  }
0x2e: {  	[tilespmem:$0x2130] =	vst v11  }
0x2f: {  	[tilespmem:$0x2140] =	vst v12  }
0x30: {  	[tilespmem:$0x2150] =	vst v13  }
0x31: {  	[tilespmem:$0x2160] =	vst v14  }
0x32: {  	[tilespmem:$0x2170] =	vst v15  }
0x33: {  	[tilespmem:$0x2180] =	vst v16  }
0x34: {  	[tilespmem:$0x2190] =	vst v17  }
0x35: {  	[tilespmem:$0x21A0] =	vst v18  }
0x36: {  	[tilespmem:$0x21B0] =	vst v19  }
0x37: {  	[tilespmem:$0x21C0] =	vst v20  }
0x38: {  	[tilespmem:$0x21D0] =	vst v21  }
0x39: {  	[tilespmem:$0x21E0] =	vst v22  }
0x3a: {  	[tilespmem:$0x21F0] =	vst v23  }
0x3b: {  	[tilespmem:$0x2200] =	vst v24  }
0x3c: {  	[tilespmem:$0x2210] =	vst v25  }
0x3d: {  	[tilespmem:$0x2220] =	vst v26  }
0x3e: {  	[tilespmem:$0x2230] =	vst v27  }
0x3f: {  	[tilespmem:$0x2240] =	vst v28  }
0x40: {  	[tilespmem:$0x2250] =	vst v29  }
0x41: {  	[tilespmem:$0x2260] =	vst v30  }
0x42: {  	[tilespmem:$0x2270] =	vst v31  }
0x43: {  	[tilespmem:$0x2280] =	vst v32  }
0x44: {  	[tilespmem:$0x2290] =	vst v33  }
0x45: {  	[tilespmem:$0x22A0] =	vst v34  }
0x46: {  	v3 =	vld [tilespmem:$0x1FF90];
	[tilespmem:$0x22B0] =	vst v35  }
0x47: {  	[tilespmem:$0x22C0] =	vst v36  }
0x48: {  	[tilespmem:$0x22D0] =	vst v37  }
0x49: {  	[tilespmem:$0x22E0] =	vst v38  }
0x4a: {  	[tilespmem:$0x22F0] =	vst v39  }
0x4b: {  	[tilespmem:$0x2090] =	vst v3;
	v3 =	vld [tilespmem:$0x1FFA0]  }
0x4c: {  	[tilespmem:$0x2300] =	vst v40  }
0x4d: {  	[tilespmem:$0x2310] =	vst v41  }
0x4e: {  	[tilespmem:$0x2320] =	vst v42  }
0x4f: {  	[tilespmem:$0x2330] =	vst v43  }
0x50: {  	[tilespmem:$0x20A0] =	vst v3;
	v3 =	vld [tilespmem:$0x1FFB0]  }
0x51: {  	[tilespmem:$0x2340] =	vst v44  }
0x52: {  	[tilespmem:$0x2350] =	vst v45  }
0x53: {  	[tilespmem:$0x2360] =	vst v46  }
0x54: {  	[tilespmem:$0x2370] =	vst v47  }
0x55: {  	[tilespmem:$0x20B0] =	vst v3;
	v3 =	vld [tilespmem:$0x1FFC0]  }
0x56: {  	[tilespmem:$0x2380] =	vst v48  }
0x57: {  	[tilespmem:$0x2390] =	vst v49  }
0x58: {  	[tilespmem:$0x23A0] =	vst v50  }
0x59: {  	[tilespmem:$0x23B0] =	vst v51  }
0x5a: {  	[tilespmem:$0x20C0] =	vst v3;
	v3 =	vld [tilespmem:$0x1FFD0]  }
0x5b: {  	[tilespmem:$0x23C0] =	vst v53  }
0x5c: {  	[tilespmem:$0x23D0] =	vst v54  }
0x5d: {  	[tilespmem:$0x23E0] =	vst v55  }
0x5e: {  	[tilespmem:$0x23F0] =	vst v56  }
0x5f: {  	[tilespmem:$0x20D0] =	vst v3;
	v3 =	vld [tilespmem:$0x1FFE0]  }
0x60: {  	[tilespmem:$0x2400] =	vst v57  }
0x61: {  	[tilespmem:$0x2410] =	vst v58  }
0x62: {  	[tilespmem:$0x2420] =	vst v59  }
0x63: {  	[tilespmem:$0x2430] =	vst v60  }
0x64: {  	[tilespmem:$0x20E0] =	vst v3;
	v3 =	vld [tilespmem:$0x1FFF0]  }
0x65: {  	[tilespmem:$0x2440] =	vst v61  }
0x66: {  	[tilespmem:$0x2450] =	vst v62  }
0x67: {  	[tilespmem:$0x2460] =	vst v63  }
0x68: {  	[tilespmem:$0x2470] =	vst v1  }
0x69: {  	s19 =	simm.s32 $0x80;
	s20 =	simm.s32 $0x0;
	s21 =	simm.s32 $0x0;
	[tilespmem:$0x20F0] =	vst v3  }
.LBB2_2:
0x6a: {  	v4 =	vld [tilespmem:s19+$0x0];
	_ =	sdelay $0x4  }
0x6b: {  	s18 =	sand.u32 $0x18, s20;
	(v2sf) =	vpush v4, $0x0  }
0x6c: {  	s22 =	sor.u32 $0x2080, s18  }
0x6d: {  	v3 =	vld.msk [tilespmem:s22+$0x0], $0x1;
	_ =	sdelay $0x4  }
0x6e: {  	v5 =	vshrl.u32 v3, $0x3  }
0x6f: {  	v5 =	vmul.u32 $0x1870, v5  }
0x70: {  	v3 =	vand.u32 $0x7, v3  }
0x71: {  	v3 =	vor.u32 v3, v5  }
0x72: {  	v5 =	vperm.xlane v3, v2;
	v3 =	vmul.u32 $0x8, v0;
	_ =	sdelay $0x1  }
0x73: {  	v5 =	vadd.s32 v3, v5;
	_ =	sdelay $0x1  }
0x74: {  	s24 =	spop (v2sf)  }
0x75: {  	s23 =	sshra.s32 s21, $0x2;
	s18 =	sand.u32 $0xFFFFF80, s24  }
0x76: {  	(v2sf) =	vpush v4, $0x1;
	s24 =	sadd.s32 $0x2480, s23;
	s25 =	sadd.s32 s3, s18;
	s18 =	simm.s32 $0x0  }
0x77: {  	[tilespmem:s24], [sflag:$0x1] =	stream.indirect_vreg.gather [hbm4b:s25+s18], $0x80, v5, vm0, $0xb8;
	[tilespmem:$0x14500] =	vst v63  }
0x78: {  	v5 =	vld.msk [tilespmem:s22+$0x0], $0x1;
	_ =	sdelay $0x4  }
0x79: {  	v6 =	vshrl.u32 v5, $0x3  }
0x7a: {  	v6 =	vmul.u32 $0x1870, v6  }
0x7b: {  	v5 =	vand.u32 $0x7, v5  }
0x7c: {  	v5 =	vor.u32 v5, v6  }
0x7d: {  	v5 =	vperm.xlane v5, v2;
	_ =	sdelay $0x1  }
0x7e: {  	v5 =	vadd.s32 v3, v5;
	_ =	sdelay $0x1  }
0x7f: {  	s25 =	spop (v2sf)  }
0x80: {  	s24 =	sand.u32 $0xFFFFF80, s25  }
0x81: {  	s26 =	sadd.s32 $0x2500, s23;
	(v2sf) =	vpush v4, $0x2;
	s24 =	sadd.s32 s3, s24  }
0x82: {  	[tilespmem:s26], [sflag:$0x1] =	stream.indirect_vreg.gather [hbm4b:s24+s18], $0x80, v5, vm0, $0xb8;
	[tilespmem:$0x14500] =	vst v63  }
0x83: {  	v5 =	vld.msk [tilespmem:s22+$0x0], $0x1;
	_ =	sdelay $0x4  }
0x84: {  	v6 =	vshrl.u32 v5, $0x3  }
0x85: {  	v6 =	vmul.u32 $0x1870, v6  }
0x86: {  	v5 =	vand.u32 $0x7, v5  }
0x87: {  	v5 =	vor.u32 v5, v6  }
0x88: {  	v5 =	vperm.xlane v5, v2;
	_ =	sdelay $0x1  }
0x89: {  	v5 =	vadd.s32 v3, v5;
	_ =	sdelay $0x1  }
0x8a: {  	s28 =	spop (v2sf)  }
0x8b: {  	s24 =	sand.u32 $0xFFFFF80, s28  }
0x8c: {  	s29 =	sadd.s32 $0x2580, s23;
	(v2sf) =	vpush v4, $0x3;
	s24 =	sadd.s32 s3, s24  }
0x8d: {  	[tilespmem:s29], [sflag:$0x1] =	stream.indirect_vreg.gather [hbm4b:s24+s18], $0x80, v5, vm0, $0xb8;
	[tilespmem:$0x14500] =	vst v63  }
0x8e: {  	v5 =	vld.msk [tilespmem:s22+$0x0], $0x1;
	_ =	sdelay $0x4  }
0x8f: {  	v6 =	vshrl.u32 v5, $0x3  }
0x90: {  	v6 =	vmul.u32 $0x1870, v6  }
0x91: {  	v5 =	vand.u32 $0x7, v5  }
0x92: {  	v5 =	vor.u32 v5, v6  }
0x93: {  	v5 =	vperm.xlane v5, v2;
	_ =	sdelay $0x1  }
0x94: {  	v5 =	vadd.s32 v3, v5;
	_ =	sdelay $0x1  }
0x95: {  	s30 =	spop (v2sf)  }
0x96: {  	s24 =	sand.u32 $0xFFFFF80, s30  }
0x97: {  	s31 =	sadd.s32 $0x2600, s23;
	(v2sf) =	vpush v4, $0x4;
	s24 =	sadd.s32 s3, s24  }
0x98: {  	[tilespmem:s31], [sflag:$0x1] =	stream.indirect_vreg.gather [hbm4b:s24+s18], $0x80, v5, vm0, $0xb8;
	[tilespmem:$0x14500] =	vst v63  }
0x99: {  	v5 =	vld.msk [tilespmem:s22+$0x0], $0x1;
	_ =	sdelay $0x4  }
0x9a: {  	v6 =	vshrl.u32 v5, $0x3  }
0x9b: {  	v6 =	vmul.u32 $0x1870, v6  }
0x9c: {  	v5 =	vand.u32 $0x7, v5  }
0x9d: {  	v5 =	vor.u32 v5, v6  }
0x9e: {  	v5 =	vperm.xlane v5, v2;
	_ =	sdelay $0x1  }
0x9f: {  	v5 =	vadd.s32 v3, v5;
	_ =	sdelay $0x1  }
0xa0: {  	s0 =	spop (v2sf)  }
0xa1: {  	s24 =	sand.u32 $0xFFFFF80, s0  }
0xa2: {  	s1 =	sadd.s32 $0x2680, s23;
	(v2sf) =	vpush v4, $0x5;
	s24 =	sadd.s32 s3, s24  }
0xa3: {  	[tilespmem:s1], [sflag:$0x1] =	stream.indirect_vreg.gather [hbm4b:s24+s18], $0x80, v5, vm0, $0xb8;
	[tilespmem:$0x14500] =	vst v63  }
0xa4: {  	v5 =	vld.msk [tilespmem:s22+$0x0], $0x1;
	_ =	sdelay $0x4  }
0xa5: {  	v6 =	vshrl.u32 v5, $0x3  }
0xa6: {  	v6 =	vmul.u32 $0x1870, v6  }
0xa7: {  	v5 =	vand.u32 $0x7, v5  }
0xa8: {  	v5 =	vor.u32 v5, v6  }
0xa9: {  	v5 =	vperm.xlane v5, v2;
	_ =	sdelay $0x1  }
0xaa: {  	v5 =	vadd.s32 v3, v5;
	_ =	sdelay $0x1  }
0xab: {  	s25 =	spop (v2sf)  }
0xac: {  	s24 =	sand.u32 $0xFFFFF80, s25  }
0xad: {  	s26 =	sadd.s32 $0x2700, s23;
	(v2sf) =	vpush v4, $0x6;
	s24 =	sadd.s32 s3, s24  }
0xae: {  	[tilespmem:s26], [sflag:$0x1] =	stream.indirect_vreg.gather [hbm4b:s24+s18], $0x80, v5, vm0, $0xb8;
	[tilespmem:$0x14500] =	vst v63  }
0xaf: {  	v5 =	vld.msk [tilespmem:s22+$0x0], $0x1;
	_ =	sdelay $0x4  }
0xb0: {  	v6 =	vshrl.u32 v5, $0x3  }
0xb1: {  	v6 =	vmul.u32 $0x1870, v6  }
0xb2: {  	v5 =	vand.u32 $0x7, v5  }
0xb3: {  	v5 =	vor.u32 v5, v6  }
0xb4: {  	v5 =	vperm.xlane v5, v2;
	_ =	sdelay $0x1  }
0xb5: {  	v5 =	vadd.s32 v3, v5;
	_ =	sdelay $0x1  }
0xb6: {  	s28 =	spop (v2sf)  }
0xb7: {  	s24 =	sand.u32 $0xFFFFF80, s28  }
0xb8: {  	s29 =	sadd.s32 $0x2780, s23;
	(v2sf) =	vpush v4, $0x7;
	s24 =	sadd.s32 s3, s24  }
0xb9: {  	[tilespmem:s29], [sflag:$0x1] =	stream.indirect_vreg.gather [hbm4b:s24+s18], $0x80, v5, vm0, $0xb8;
	[tilespmem:$0x14500] =	vst v63  }
0xba: {  	v5 =	vld.msk [tilespmem:s22+$0x0], $0x1;
	_ =	sdelay $0x4  }
0xbb: {  	v6 =	vshrl.u32 v5, $0x3  }
0xbc: {  	v6 =	vmul.u32 $0x1870, v6  }
0xbd: {  	v5 =	vand.u32 $0x7, v5  }
0xbe: {  	v5 =	vor.u32 v5, v6  }
0xbf: {  	v5 =	vperm.xlane v5, v2;
	_ =	sdelay $0x1  }
0xc0: {  	v5 =	vadd.s32 v3, v5;
	_ =	sdelay $0x1  }
0xc1: {  	s30 =	spop (v2sf)  }
0xc2: {  	s24 =	sand.u32 $0xFFFFF80, s30  }
0xc3: {  	s31 =	sadd.s32 $0x2800, s23;
	(v2sf) =	vpush v4, $0x8;
	s24 =	sadd.s32 s3, s24  }
0xc4: {  	[tilespmem:s31], [sflag:$0x1] =	stream.indirect_vreg.gather [hbm4b:s24+s18], $0x80, v5, vm0, $0xb8;
	[tilespmem:$0x14500] =	vst v63  }
0xc5: {  	v5 =	vld.msk [tilespmem:s22+$0x0], $0x1;
	_ =	sdelay $0x4  }
0xc6: {  	v6 =	vshrl.u32 v5, $0x3  }
0xc7: {  	v6 =	vmul.u32 $0x1870, v6  }
0xc8: {  	v5 =	vand.u32 $0x7, v5  }
0xc9: {  	v5 =	vor.u32 v5, v6  }
0xca: {  	v5 =	vperm.xlane v5, v2;
	_ =	sdelay $0x1  }
0xcb: {  	v5 =	vadd.s32 v3, v5;
	_ =	sdelay $0x1  }
0xcc: {  	s0 =	spop (v2sf)  }
0xcd: {  	s24 =	sand.u32 $0xFFFFF80, s0  }
0xce: {  	s1 =	sadd.s32 $0x2880, s23;
	(v2sf) =	vpush v4, $0x9;
	s24 =	sadd.s32 s3, s24  }
0xcf: {  	[tilespmem:s1], [sflag:$0x1] =	stream.indirect_vreg.gather [hbm4b:s24+s18], $0x80, v5, vm0, $0xb8;
	[tilespmem:$0x14500] =	vst v63  }
0xd0: {  	v5 =	vld.msk [tilespmem:s22+$0x0], $0x1;
	_ =	sdelay $0x4  }
0xd1: {  	v6 =	vshrl.u32 v5, $0x3  }
0xd2: {  	v6 =	vmul.u32 $0x1870, v6  }
0xd3: {  	v5 =	vand.u32 $0x7, v5  }
0xd4: {  	v5 =	vor.u32 v5, v6  }
0xd5: {  	v5 =	vperm.xlane v5, v2;
	_ =	sdelay $0x1  }
0xd6: {  	v5 =	vadd.s32 v3, v5;
	_ =	sdelay $0x1  }
0xd7: {  	s25 =	spop (v2sf)  }
0xd8: {  	s24 =	sand.u32 $0xFFFFF80, s25  }
0xd9: {  	s26 =	sadd.s32 $0x2900, s23;
	(v2sf) =	vpush v4, $0xA;
	s24 =	sadd.s32 s3, s24  }
0xda: {  	[tilespmem:s26], [sflag:$0x1] =	stream.indirect_vreg.gather [hbm4b:s24+s18], $0x80, v5, vm0, $0xb8;
	[tilespmem:$0x14500] =	vst v63  }
0xdb: {  	v5 =	vld.msk [tilespmem:s22+$0x0], $0x1;
	_ =	sdelay $0x4  }
0xdc: {  	v6 =	vshrl.u32 v5, $0x3  }
0xdd: {  	v6 =	vmul.u32 $0x1870, v6  }
0xde: {  	v5 =	vand.u32 $0x7, v5  }
0xdf: {  	v5 =	vor.u32 v5, v6  }
0xe0: {  	v5 =	vperm.xlane v5, v2;
	_ =	sdelay $0x1  }
0xe1: {  	v5 =	vadd.s32 v3, v5;
	_ =	sdelay $0x1  }
0xe2: {  	s28 =	spop (v2sf)  }
0xe3: {  	s24 =	sand.u32 $0xFFFFF80, s28  }
0xe4: {  	s29 =	sadd.s32 $0x2980, s23;
	(v2sf) =	vpush v4, $0xB;
	s24 =	sadd.s32 s3, s24  }
0xe5: {  	[tilespmem:s29], [sflag:$0x1] =	stream.indirect_vreg.gather [hbm4b:s24+s18], $0x80, v5, vm0, $0xb8;
	[tilespmem:$0x14500] =	vst v63  }
0xe6: {  	v5 =	vld.msk [tilespmem:s22+$0x0], $0x1;
	_ =	sdelay $0x4  }
0xe7: {  	v6 =	vshrl.u32 v5, $0x3  }
0xe8: {  	v6 =	vmul.u32 $0x1870, v6  }
0xe9: {  	v5 =	vand.u32 $0x7, v5  }
0xea: {  	v5 =	vor.u32 v5, v6  }
0xeb: {  	v5 =	vperm.xlane v5, v2;
	_ =	sdelay $0x1  }
0xec: {  	v5 =	vadd.s32 v3, v5;
	_ =	sdelay $0x1  }
0xed: {  	s30 =	spop (v2sf)  }
0xee: {  	s24 =	sand.u32 $0xFFFFF80, s30  }
0xef: {  	s31 =	sadd.s32 $0x2A00, s23;
	(v2sf) =	vpush v4, $0xC;
	s24 =	sadd.s32 s3, s24  }
0xf0: {  	[tilespmem:s31], [sflag:$0x1] =	stream.indirect_vreg.gather [hbm4b:s24+s18], $0x80, v5, vm0, $0xb8;
	[tilespmem:$0x14500] =	vst v63  }
0xf1: {  	v5 =	vld.msk [tilespmem:s22+$0x0], $0x1;
	_ =	sdelay $0x4  }
0xf2: {  	v6 =	vshrl.u32 v5, $0x3  }
0xf3: {  	v6 =	vmul.u32 $0x1870, v6  }
0xf4: {  	v5 =	vand.u32 $0x7, v5  }
0xf5: {  	v5 =	vor.u32 v5, v6  }
0xf6: {  	v5 =	vperm.xlane v5, v2;
	_ =	sdelay $0x1  }
0xf7: {  	v5 =	vadd.s32 v3, v5;
	_ =	sdelay $0x1  }
0xf8: {  	s0 =	spop (v2sf)  }
0xf9: {  	s24 =	sand.u32 $0xFFFFF80, s0  }
0xfa: {  	s1 =	sadd.s32 $0x2A80, s23;
	(v2sf) =	vpush v4, $0xD;
	s24 =	sadd.s32 s3, s24  }
0xfb: {  	[tilespmem:s1], [sflag:$0x1] =	stream.indirect_vreg.gather [hbm4b:s24+s18], $0x80, v5, vm0, $0xb8;
	[tilespmem:$0x14500] =	vst v63  }
0xfc: {  	v5 =	vld.msk [tilespmem:s22+$0x0], $0x1;
	_ =	sdelay $0x4  }
0xfd: {  	v6 =	vshrl.u32 v5, $0x3  }
0xfe: {  	v6 =	vmul.u32 $0x1870, v6  }
0xff: {  	v5 =	vand.u32 $0x7, v5  }
0x100: {  	v5 =	vor.u32 v5, v6  }
0x101: {  	v5 =	vperm.xlane v5, v2;
	_ =	sdelay $0x1  }
0x102: {  	v5 =	vadd.s32 v3, v5;
	_ =	sdelay $0x1  }
0x103: {  	s26 =	spop (v2sf)  }
0x104: {  	s24 =	sand.u32 $0xFFFFF80, s26  }
0x105: {  	s28 =	sadd.s32 $0x2B00, s23;
	(v2sf) =	vpush v4, $0xE;
	s24 =	sadd.s32 s3, s24  }
0x106: {  	[tilespmem:s28], [sflag:$0x1] =	stream.indirect_vreg.gather [hbm4b:s24+s18], $0x80, v5, vm0, $0xb8;
	[tilespmem:$0x14500] =	vst v63  }
0x107: {  	v5 =	vld.msk [tilespmem:s22+$0x0], $0x1;
	_ =	sdelay $0x4  }
0x108: {  	v6 =	vshrl.u32 v5, $0x3  }
0x109: {  	v6 =	vmul.u32 $0x1870, v6  }
0x10a: {  	v5 =	vand.u32 $0x7, v5  }
0x10b: {  	v5 =	vor.u32 v5, v6  }
0x10c: {  	v5 =	vperm.xlane v5, v2;
	_ =	sdelay $0x1  }
0x10d: {  	v5 =	vadd.s32 v3, v5;
	_ =	sdelay $0x1  }
0x10e: {  	s29 =	spop (v2sf)  }
0x10f: {  	s24 =	sand.u32 $0xFFFFF80, s29  }
0x110: {  	s30 =	sadd.s32 $0x2B80, s23;
	(v2sf) =	vpush v4, $0xF;
	s24 =	sadd.s32 s3, s24  }
0x111: {  	[tilespmem:s30], [sflag:$0x1] =	stream.indirect_vreg.gather [hbm4b:s24+s18], $0x80, v5, vm0, $0xb8;
	[tilespmem:$0x14500] =	vst v63  }
0x112: {  	v4 =	vld.msk [tilespmem:s22+$0x0], $0x1;
	_ =	sdelay $0x4  }
0x113: {  	v5 =	vshrl.u32 v4, $0x3  }
0x114: {  	v5 =	vmul.u32 $0x1870, v5  }
0x115: {  	v4 =	vand.u32 $0x7, v4  }
0x116: {  	v4 =	vor.u32 v4, v5  }
0x117: {  	v4 =	vperm.xlane v4, v2;
	_ =	sdelay $0x1  }
0x118: {  	p0 =	sne.s32 s21, $0x1E000;
	v4 =	vadd.s32 v3, v4  }
.Ltmp0:
0x119: {  	_ = 	snop;
	(pc) =	sbr.rel @p0 .LBB2_2-.Ltmp0, $4  }
0x11a: {  	s31 =	spop (v2sf)  }
0x11b: {  	s20 =	sadd.s32 $0x2, s20;
	s19 =	sadd.s32 $0x10, s19;
	s22 =	sand.u32 $0xFFFFF80, s31  }
0x11c: {  	s21 =	sadd.s32 $0x2000, s21;
	s23 =	sadd.s32 $0x2C00, s23;
	s22 =	sadd.s32 s3, s22  }
0x11d: {  	[tilespmem:s23], [sflag:$0x1] =	stream.indirect_vreg.gather [hbm4b:s22+s18], $0x80, v4, vm0, $0xb8;
	[tilespmem:$0x14500] =	vst v63  }
0x11e: {  	s19 =	simm.s32 $0x100  }
0x11f: {  	s20 =	simm.s32 $0x20;
	s21 =	simm.s32 $0x12500;
	s22 =	simm.s32 $0x200  }
0x120: {  	s23 =	simm.s32 $0x40;
	s24 =	simm.s32 $0x180;
	s25 =	simm.s32 $0x12600  }
.LBB2_4:
0x121: {  	s26 =	smov.u32 s20;
	s28 =	simm.s32 $0x0;
	s29 =	simm.s32 $0x0  }
.LBB2_5:
0x122: {  	s30 =	sadd.s32 s28, s19  }
0x123: {  	s31 =	sand.u32 $0x70, s28;
	s30 =	sand.u32 $0x1F80, s30  }
0x124: {  	s30 =	sor.u32 s31, s30  }
0x125: {  	v4 =	vld [tilespmem:s30+$0x80];
	_ =	sdelay $0x4  }
0x126: {  	(v2sf) =	vpush v4, $0x0  }
0x127: {  	s30 =	sand.u32 $0xFFFFFF8, s26  }
0x128: {  	v5 =	vld.msk [tilespmem:s30+$0x2080], $0x1;
	_ =	sdelay $0x4  }
0x129: {  	v6 =	vshrl.u32 v5, $0x3  }
0x12a: {  	v6 =	vmul.u32 $0x1870, v6  }
0x12b: {  	v5 =	vand.u32 $0x7, v5  }
0x12c: {  	v5 =	vor.u32 v5, v6  }
0x12d: {  	v5 =	vperm.xlane v5, v2;
	_ =	sdelay $0x1  }
0x12e: {  	v5 =	vadd.s32 v3, v5;
	_ =	sdelay $0x1  }
0x12f: {  	s0 =	spop (v2sf)  }
0x130: {  	s31 =	sshra.s32 s29, $0x2;
	s0 =	sand.u32 $0xFFFFF80, s0  }
0x131: {  	s1 =	sadd.s32 $0xA480, s31;
	(v2sf) =	vpush v4, $0x1;
	s0 =	sadd.s32 s3, s0  }
0x132: {  	[tilespmem:s1], [sflag:$0x2] =	stream.indirect_vreg.gather [hbm4b:s0+s2], $0x80, v5, vm0, $0xb8;
	[tilespmem:$0x14500] =	vst v63  }
0x133: {  	v5 =	vld.msk [tilespmem:s30+$0x2080], $0x1;
	_ =	sdelay $0x4  }
0x134: {  	v6 =	vshrl.u32 v5, $0x3  }
0x135: {  	v6 =	vmul.u32 $0x1870, v6  }
0x136: {  	v5 =	vand.u32 $0x7, v5  }
0x137: {  	v5 =	vor.u32 v5, v6  }
0x138: {  	v5 =	vperm.xlane v5, v2;
	_ =	sdelay $0x1  }
0x139: {  	v5 =	vadd.s32 v3, v5;
	_ =	sdelay $0x1  }
0x13a: {  	s1 =	spop (v2sf)  }
0x13b: {  	s0 =	sand.u32 $0xFFFFF80, s1  }
0x13c: {  	(v2sf) =	vpush v4, $0x2;
	s1 =	sadd.s32 $0xA500, s31;
	s0 =	sadd.s32 s3, s0  }
0x13d: {  	[tilespmem:s1], [sflag:$0x2] =	stream.indirect_vreg.gather [hbm4b:s0+s2], $0x80, v5, vm0, $0xb8;
	[tilespmem:$0x14500] =	vst v63  }
0x13e: {  	v5 =	vld.msk [tilespmem:s30+$0x2080], $0x1;
	_ =	sdelay $0x4  }
0x13f: {  	v6 =	vshrl.u32 v5, $0x3  }
0x140: {  	v6 =	vmul.u32 $0x1870, v6  }
0x141: {  	v5 =	vand.u32 $0x7, v5  }
0x142: {  	v5 =	vor.u32 v5, v6  }
0x143: {  	v5 =	vperm.xlane v5, v2;
	_ =	sdelay $0x1  }
0x144: {  	v5 =	vadd.s32 v3, v5;
	_ =	sdelay $0x1  }
0x145: {  	s1 =	spop (v2sf)  }
0x146: {  	s0 =	sand.u32 $0xFFFFF80, s1  }
0x147: {  	(v2sf) =	vpush v4, $0x3;
	s1 =	sadd.s32 $0xA580, s31;
	s0 =	sadd.s32 s3, s0  }
0x148: {  	[tilespmem:s1], [sflag:$0x2] =	stream.indirect_vreg.gather [hbm4b:s0+s2], $0x80, v5, vm0, $0xb8;
	[tilespmem:$0x14500] =	vst v63  }
0x149: {  	v5 =	vld.msk [tilespmem:s30+$0x2080], $0x1;
	_ =	sdelay $0x4  }
0x14a: {  	v6 =	vshrl.u32 v5, $0x3  }
0x14b: {  	v6 =	vmul.u32 $0x1870, v6  }
0x14c: {  	v5 =	vand.u32 $0x7, v5  }
0x14d: {  	v5 =	vor.u32 v5, v6  }
0x14e: {  	v5 =	vperm.xlane v5, v2;
	_ =	sdelay $0x1  }
0x14f: {  	v5 =	vadd.s32 v3, v5;
	_ =	sdelay $0x1  }
0x150: {  	s1 =	spop (v2sf)  }
0x151: {  	s0 =	sand.u32 $0xFFFFF80, s1  }
0x152: {  	(v2sf) =	vpush v4, $0x4;
	s1 =	sadd.s32 $0xA600, s31;
	s0 =	sadd.s32 s3, s0  }
0x153: {  	[tilespmem:s1], [sflag:$0x2] =	stream.indirect_vreg.gather [hbm4b:s0+s2], $0x80, v5, vm0, $0xb8;
	[tilespmem:$0x14500] =	vst v63  }
0x154: {  	v5 =	vld.msk [tilespmem:s30+$0x2080], $0x1;
	_ =	sdelay $0x4  }
0x155: {  	v6 =	vshrl.u32 v5, $0x3  }
0x156: {  	v6 =	vmul.u32 $0x1870, v6  }
0x157: {  	v5 =	vand.u32 $0x7, v5  }
0x158: {  	v5 =	vor.u32 v5, v6  }
0x159: {  	v5 =	vperm.xlane v5, v2;
	_ =	sdelay $0x1  }
0x15a: {  	v5 =	vadd.s32 v3, v5;
	_ =	sdelay $0x1  }
0x15b: {  	s1 =	spop (v2sf)  }
0x15c: {  	s0 =	sand.u32 $0xFFFFF80, s1  }
0x15d: {  	(v2sf) =	vpush v4, $0x5;
	s1 =	sadd.s32 $0xA680, s31;
	s0 =	sadd.s32 s3, s0  }
0x15e: {  	[tilespmem:s1], [sflag:$0x2] =	stream.indirect_vreg.gather [hbm4b:s0+s2], $0x80, v5, vm0, $0xb8;
	[tilespmem:$0x14500] =	vst v63  }
0x15f: {  	v5 =	vld.msk [tilespmem:s30+$0x2080], $0x1;
	_ =	sdelay $0x4  }
0x160: {  	v6 =	vshrl.u32 v5, $0x3  }
0x161: {  	v6 =	vmul.u32 $0x1870, v6  }
0x162: {  	v5 =	vand.u32 $0x7, v5  }
0x163: {  	v5 =	vor.u32 v5, v6  }
0x164: {  	v5 =	vperm.xlane v5, v2;
	_ =	sdelay $0x1  }
0x165: {  	v5 =	vadd.s32 v3, v5;
	_ =	sdelay $0x1  }
0x166: {  	s1 =	spop (v2sf)  }
0x167: {  	s0 =	sand.u32 $0xFFFFF80, s1  }
0x168: {  	(v2sf) =	vpush v4, $0x6;
	s1 =	sadd.s32 $0xA700, s31;
	s0 =	sadd.s32 s3, s0  }
0x169: {  	[tilespmem:s1], [sflag:$0x2] =	stream.indirect_vreg.gather [hbm4b:s0+s2], $0x80, v5, vm0, $0xb8;
	[tilespmem:$0x14500] =	vst v63  }
0x16a: {  	v5 =	vld.msk [tilespmem:s30+$0x2080], $0x1;
	_ =	sdelay $0x4  }
0x16b: {  	v6 =	vshrl.u32 v5, $0x3  }
0x16c: {  	v6 =	vmul.u32 $0x1870, v6  }
0x16d: {  	v5 =	vand.u32 $0x7, v5  }
0x16e: {  	v5 =	vor.u32 v5, v6  }
0x16f: {  	v5 =	vperm.xlane v5, v2;
	_ =	sdelay $0x1  }
0x170: {  	v5 =	vadd.s32 v3, v5;
	_ =	sdelay $0x1  }
0x171: {  	s1 =	spop (v2sf)  }
0x172: {  	s0 =	sand.u32 $0xFFFFF80, s1  }
0x173: {  	(v2sf) =	vpush v4, $0x7;
	s1 =	sadd.s32 $0xA780, s31;
	s0 =	sadd.s32 s3, s0  }
0x174: {  	[tilespmem:s1], [sflag:$0x2] =	stream.indirect_vreg.gather [hbm4b:s0+s2], $0x80, v5, vm0, $0xb8;
	[tilespmem:$0x14500] =	vst v63  }
0x175: {  	v5 =	vld.msk [tilespmem:s30+$0x2080], $0x1;
	_ =	sdelay $0x4  }
0x176: {  	v6 =	vshrl.u32 v5, $0x3  }
0x177: {  	v6 =	vmul.u32 $0x1870, v6  }
0x178: {  	v5 =	vand.u32 $0x7, v5  }
0x179: {  	v5 =	vor.u32 v5, v6  }
0x17a: {  	v5 =	vperm.xlane v5, v2;
	_ =	sdelay $0x1  }
0x17b: {  	v5 =	vadd.s32 v3, v5;
	_ =	sdelay $0x1  }
0x17c: {  	s1 =	spop (v2sf)  }
0x17d: {  	s0 =	sand.u32 $0xFFFFF80, s1  }
0x17e: {  	(v2sf) =	vpush v4, $0x8;
	s1 =	sadd.s32 $0xA800, s31;
	s0 =	sadd.s32 s3, s0  }
0x17f: {  	[tilespmem:s1], [sflag:$0x2] =	stream.indirect_vreg.gather [hbm4b:s0+s2], $0x80, v5, vm0, $0xb8;
	[tilespmem:$0x14500] =	vst v63  }
0x180: {  	v5 =	vld.msk [tilespmem:s30+$0x2080], $0x1;
	_ =	sdelay $0x4  }
0x181: {  	v6 =	vshrl.u32 v5, $0x3  }
0x182: {  	v6 =	vmul.u32 $0x1870, v6  }
0x183: {  	v5 =	vand.u32 $0x7, v5  }
0x184: {  	v5 =	vor.u32 v5, v6  }
0x185: {  	v5 =	vperm.xlane v5, v2;
	_ =	sdelay $0x1  }
0x186: {  	v5 =	vadd.s32 v3, v5;
	_ =	sdelay $0x1  }
0x187: {  	s1 =	spop (v2sf)  }
0x188: {  	s0 =	sand.u32 $0xFFFFF80, s1  }
0x189: {  	(v2sf) =	vpush v4, $0x9;
	s1 =	sadd.s32 $0xA880, s31;
	s0 =	sadd.s32 s3, s0  }
0x18a: {  	[tilespmem:s1], [sflag:$0x2] =	stream.indirect_vreg.gather [hbm4b:s0+s2], $0x80, v5, vm0, $0xb8;
	[tilespmem:$0x14500] =	vst v63  }
0x18b: {  	v5 =	vld.msk [tilespmem:s30+$0x2080], $0x1;
	_ =	sdelay $0x4  }
0x18c: {  	v6 =	vshrl.u32 v5, $0x3  }
0x18d: {  	v6 =	vmul.u32 $0x1870, v6  }
0x18e: {  	v5 =	vand.u32 $0x7, v5  }
0x18f: {  	v5 =	vor.u32 v5, v6  }
0x190: {  	v5 =	vperm.xlane v5, v2;
	_ =	sdelay $0x1  }
0x191: {  	v5 =	vadd.s32 v3, v5;
	_ =	sdelay $0x1  }
0x192: {  	s1 =	spop (v2sf)  }
0x193: {  	s0 =	sand.u32 $0xFFFFF80, s1  }
0x194: {  	(v2sf) =	vpush v4, $0xA;
	s1 =	sadd.s32 $0xA900, s31;
	s0 =	sadd.s32 s3, s0  }
0x195: {  	[tilespmem:s1], [sflag:$0x2] =	stream.indirect_vreg.gather [hbm4b:s0+s2], $0x80, v5, vm0, $0xb8;
	[tilespmem:$0x14500] =	vst v63  }
0x196: {  	v5 =	vld.msk [tilespmem:s30+$0x2080], $0x1;
	_ =	sdelay $0x4  }
0x197: {  	v6 =	vshrl.u32 v5, $0x3  }
0x198: {  	v6 =	vmul.u32 $0x1870, v6  }
0x199: {  	v5 =	vand.u32 $0x7, v5  }
0x19a: {  	v5 =	vor.u32 v5, v6  }
0x19b: {  	v5 =	vperm.xlane v5, v2;
	_ =	sdelay $0x1  }
0x19c: {  	v5 =	vadd.s32 v3, v5;
	_ =	sdelay $0x1  }
0x19d: {  	s1 =	spop (v2sf)  }
0x19e: {  	s0 =	sand.u32 $0xFFFFF80, s1  }
0x19f: {  	(v2sf) =	vpush v4, $0xB;
	s1 =	sadd.s32 $0xA980, s31;
	s0 =	sadd.s32 s3, s0  }
0x1a0: {  	[tilespmem:s1], [sflag:$0x2] =	stream.indirect_vreg.gather [hbm4b:s0+s2], $0x80, v5, vm0, $0xb8;
	[tilespmem:$0x14500] =	vst v63  }
0x1a1: {  	v5 =	vld.msk [tilespmem:s30+$0x2080], $0x1;
	_ =	sdelay $0x4  }
0x1a2: {  	v6 =	vshrl.u32 v5, $0x3  }
0x1a3: {  	v6 =	vmul.u32 $0x1870, v6  }
0x1a4: {  	v5 =	vand.u32 $0x7, v5  }
0x1a5: {  	v5 =	vor.u32 v5, v6  }
0x1a6: {  	v5 =	vperm.xlane v5, v2;
	_ =	sdelay $0x1  }
0x1a7: {  	v5 =	vadd.s32 v3, v5;
	_ =	sdelay $0x1  }
0x1a8: {  	s1 =	spop (v2sf)  }
0x1a9: {  	s0 =	sand.u32 $0xFFFFF80, s1  }
0x1aa: {  	(v2sf) =	vpush v4, $0xC;
	s1 =	sadd.s32 $0xAA00, s31;
	s0 =	sadd.s32 s3, s0  }
0x1ab: {  	[tilespmem:s1], [sflag:$0x2] =	stream.indirect_vreg.gather [hbm4b:s0+s2], $0x80, v5, vm0, $0xb8;
	[tilespmem:$0x14500] =	vst v63  }
0x1ac: {  	v5 =	vld.msk [tilespmem:s30+$0x2080], $0x1;
	_ =	sdelay $0x4  }
0x1ad: {  	v6 =	vshrl.u32 v5, $0x3  }
0x1ae: {  	v6 =	vmul.u32 $0x1870, v6  }
0x1af: {  	v5 =	vand.u32 $0x7, v5  }
0x1b0: {  	v5 =	vor.u32 v5, v6  }
0x1b1: {  	v5 =	vperm.xlane v5, v2;
	_ =	sdelay $0x1  }
0x1b2: {  	v5 =	vadd.s32 v3, v5;
	_ =	sdelay $0x1  }
0x1b3: {  	s1 =	spop (v2sf)  }
0x1b4: {  	s0 =	sand.u32 $0xFFFFF80, s1  }
0x1b5: {  	(v2sf) =	vpush v4, $0xD;
	s1 =	sadd.s32 $0xAA80, s31;
	s0 =	sadd.s32 s3, s0  }
0x1b6: {  	[tilespmem:s1], [sflag:$0x2] =	stream.indirect_vreg.gather [hbm4b:s0+s2], $0x80, v5, vm0, $0xb8;
	[tilespmem:$0x14500] =	vst v63  }
0x1b7: {  	v5 =	vld.msk [tilespmem:s30+$0x2080], $0x1;
	_ =	sdelay $0x4  }
0x1b8: {  	v6 =	vshrl.u32 v5, $0x3  }
0x1b9: {  	v6 =	vmul.u32 $0x1870, v6  }
0x1ba: {  	v5 =	vand.u32 $0x7, v5  }
0x1bb: {  	v5 =	vor.u32 v5, v6  }
0x1bc: {  	v5 =	vperm.xlane v5, v2;
	_ =	sdelay $0x1  }
0x1bd: {  	v5 =	vadd.s32 v3, v5;
	_ =	sdelay $0x1  }
0x1be: {  	s1 =	spop (v2sf)  }
0x1bf: {  	s0 =	sand.u32 $0xFFFFF80, s1  }
0x1c0: {  	(v2sf) =	vpush v4, $0xE;
	s1 =	sadd.s32 $0xAB00, s31;
	s0 =	sadd.s32 s3, s0  }
0x1c1: {  	[tilespmem:s1], [sflag:$0x2] =	stream.indirect_vreg.gather [hbm4b:s0+s2], $0x80, v5, vm0, $0xb8;
	[tilespmem:$0x14500] =	vst v63  }
0x1c2: {  	v5 =	vld.msk [tilespmem:s30+$0x2080], $0x1;
	_ =	sdelay $0x4  }
0x1c3: {  	v6 =	vshrl.u32 v5, $0x3  }
0x1c4: {  	v6 =	vmul.u32 $0x1870, v6  }
0x1c5: {  	v5 =	vand.u32 $0x7, v5  }
0x1c6: {  	v5 =	vor.u32 v5, v6  }
0x1c7: {  	v5 =	vperm.xlane v5, v2;
	_ =	sdelay $0x1  }
0x1c8: {  	v5 =	vadd.s32 v3, v5;
	_ =	sdelay $0x1  }
0x1c9: {  	s1 =	spop (v2sf)  }
0x1ca: {  	s0 =	sand.u32 $0xFFFFF80, s1  }
0x1cb: {  	(v2sf) =	vpush v4, $0xF;
	s1 =	sadd.s32 $0xAB80, s31;
	s0 =	sadd.s32 s3, s0  }
0x1cc: {  	[tilespmem:s1], [sflag:$0x2] =	stream.indirect_vreg.gather [hbm4b:s0+s2], $0x80, v5, vm0, $0xb8;
	[tilespmem:$0x14500] =	vst v63  }
0x1cd: {  	v4 =	vld.msk [tilespmem:s30+$0x2080], $0x1;
	_ =	sdelay $0x4  }
0x1ce: {  	v5 =	vshrl.u32 v4, $0x3  }
0x1cf: {  	v5 =	vmul.u32 $0x1870, v5  }
0x1d0: {  	v4 =	vand.u32 $0x7, v4  }
0x1d1: {  	v4 =	vor.u32 v4, v5  }
0x1d2: {  	v4 =	vperm.xlane v4, v2;
	_ =	sdelay $0x1  }
0x1d3: {  	p0 =	sne.s32 s29, $0x1E000;
	v4 =	vadd.s32 v3, v4  }
.Ltmp1:
0x1d4: {  	_ = 	snop;
	(pc) =	sbr.rel @p0 .LBB2_5-.Ltmp1, $4  }
0x1d5: {  	s30 =	spop (v2sf)  }
0x1d6: {  	s28 =	sadd.s32 $0x10, s28;
	s29 =	sadd.s32 $0x2000, s29;
	s0 =	sand.u32 $0xFFFFF80, s30  }
0x1d7: {  	s26 =	sadd.s32 $0x2, s26;
	s31 =	sadd.s32 $0xAC00, s31;
	s0 =	sadd.s32 s3, s0  }
0x1d8: {  	[tilespmem:s31], [sflag:$0x2] =	stream.indirect_vreg.gather [hbm4b:s0+s2], $0x80, v4, vm0, $0xb8;
	[tilespmem:$0x14500] =	vst v63  }
0x1d9: {  	_ =	swait.ge [sflag:s10], $0x8000  }
0x1da: {  	[sflag:s10] =	ssyncset.done $0x0  }
0x1db: {  	[sflag:s10] =	ssyncadd.s32 $0xFFFF8000  }
0x1dc: {  	v5 =	vld [tilespmem:s17+$0x0];
	_ =	sdelay $0x1  }
0x1dd: {  	s0 =	simm.s32 $0x0  }
0x1de: {  	v4 =	vmul.u32 $0x80, v0;
	v6 =	vmov s0  }
0x1df: {  	v6 =	vshll.u32 v6, $0x7  }
0x1e0: {  	v6 =	vor.u32 v4, v6;
	v5 =	vand.u32 $0x7F, v5  }
0x1e1: {  	v5 =	vor.u32 v6, v5;
	_ =	sdelay $0x4  }
0x1e2: {  	v5 =	vld.idx.msk [tilespmem:v5+s11+$0x0], $0xffff;
	_ =	sdelay $0x4  }
0x1e3: {  	s28 =	sadd.s32 $0x10, s17;
	[tilespmem:s21+$0x0] =	vst v5  }
0x1e4: {  	s29 =	simm.s32 $0x10;
	s30 =	simm.s32 $0x20;
	s26 =	smov.u32 s21;
	v5 =	vld [tilespmem:s28+$0x0]  }
.LBB2_7:
0x1e5: {  	p0 =	sne.s32 s30, $0xF0;
	_ =	sdelay $0x1  }
0x1e6: {  	v6 =	vmov s29;
	s29 =	smov.u32 s30  }
0x1e7: {  	v6 =	vshll.u32 v6, $0x7  }
0x1e8: {  	v6 =	vor.u32 v4, v6;
	v5 =	vand.u32 $0x7F, v5  }
0x1e9: {  	v5 =	vor.u32 v6, v5;
	_ =	sdelay $0x4  }
0x1ea: {  	v5 =	vld.idx.msk [tilespmem:v5+s11+$0x0], $0xffff;
	_ =	sdelay $0x2  }
.Ltmp2:
0x1eb: {  	(pc) =	sbr.rel @p0 .LBB2_7-.Ltmp2, $4  }
0x1ec: {  	_ = 	snop  }
0x1ed: {  	s26 =	sadd.s32 $0x10, s26  }
0x1ee: {  	s28 =	sadd.s32 $0x10, s28;
	[tilespmem:s26+$0x0] =	vst v5  }
0x1ef: {  	s30 =	sadd.s32 $0x10, s30;
	v5 =	vld [tilespmem:s28+$0x0]  }
0x1f0: {  	_ =	sdelay $0x1  }
0x1f1: {  	v6 =	vmov s29  }
0x1f2: {  	v6 =	vshll.u32 v6, $0x7  }
0x1f3: {  	v6 =	vor.u32 v4, v6;
	v5 =	vand.u32 $0x7F, v5  }
0x1f4: {  	v5 =	vor.u32 v6, v5;
	_ =	sdelay $0x4  }
0x1f5: {  	p0 =	seq.s32 s18, $0xF;
	v5 =	vld.idx.msk [tilespmem:v5+s11+$0x0], $0xffff  }
.Ltmp3:
0x1f6: {  	_ = 	snop;
	(pc) =	sbr.rel @p0 .LBB2_10-.Ltmp3, $3  }
0x1f7: {  	_ =	sdelay $0x1  }
0x1f8: {  	s0 =	sadd.s32 $0x10, s26  }
0x1f9: {  	s26 =	simm.s32 $0x0;
	s28 =	smov.u32 s23;
	s29 =	simm.s32 $0x0;
	[tilespmem:s0+$0x0] =	vst v5  }
.LBB2_9:
0x1fa: {  	s0 =	sadd.s32 s26, s22  }
0x1fb: {  	s1 =	sand.u32 $0x70, s26;
	s0 =	sand.u32 $0x3E80, s0  }
0x1fc: {  	s0 =	sor.u32 s1, s0  }
0x1fd: {  	v5 =	vld [tilespmem:s0+$0x80];
	_ =	sdelay $0x4  }
0x1fe: {  	(v2sf) =	vpush v5, $0x0  }
0x1ff: {  	s30 =	sand.u32 $0x7D8, s28  }
0x200: {  	v6 =	vld.msk [tilespmem:s30+$0x2080], $0x1;
	_ =	sdelay $0x4  }
0x201: {  	v7 =	vshrl.u32 v6, $0x3  }
0x202: {  	v7 =	vmul.u32 $0x1870, v7  }
0x203: {  	v6 =	vand.u32 $0x7, v6  }
0x204: {  	v6 =	vor.u32 v6, v7  }
0x205: {  	v6 =	vperm.xlane v6, v2;
	_ =	sdelay $0x1  }
0x206: {  	v6 =	vadd.s32 v3, v6;
	_ =	sdelay $0x1  }
0x207: {  	s31 =	spop (v2sf)  }
0x208: {  	s0 =	sand.u32 $0xFFFFF80, s31;
	s31 =	sshra.s32 s29, $0x2  }
0x209: {  	(v2sf) =	vpush v5, $0x1;
	s1 =	sadd.s32 $0x2480, s31;
	s0 =	sadd.s32 s3, s0  }
0x20a: {  	[tilespmem:s1], [sflag:$0x1] =	stream.indirect_vreg.gather [hbm4b:s0+s2], $0x80, v6, vm0, $0xb8;
	[tilespmem:$0x14500] =	vst v63  }
0x20b: {  	v6 =	vld.msk [tilespmem:s30+$0x2080], $0x1;
	_ =	sdelay $0x4  }
0x20c: {  	v7 =	vshrl.u32 v6, $0x3  }
0x20d: {  	v7 =	vmul.u32 $0x1870, v7  }
0x20e: {  	v6 =	vand.u32 $0x7, v6  }
0x20f: {  	v6 =	vor.u32 v6, v7  }
0x210: {  	v6 =	vperm.xlane v6, v2;
	_ =	sdelay $0x1  }
0x211: {  	v6 =	vadd.s32 v3, v6;
	_ =	sdelay $0x1  }
0x212: {  	s1 =	spop (v2sf)  }
0x213: {  	s0 =	sand.u32 $0xFFFFF80, s1  }
0x214: {  	(v2sf) =	vpush v5, $0x2;
	s1 =	sadd.s32 $0x2500, s31;
	s0 =	sadd.s32 s3, s0  }
0x215: {  	[tilespmem:s1], [sflag:$0x1] =	stream.indirect_vreg.gather [hbm4b:s0+s2], $0x80, v6, vm0, $0xb8;
	[tilespmem:$0x14500] =	vst v63  }
0x216: {  	v6 =	vld.msk [tilespmem:s30+$0x2080], $0x1;
	_ =	sdelay $0x4  }
0x217: {  	v7 =	vshrl.u32 v6, $0x3  }
0x218: {  	v7 =	vmul.u32 $0x1870, v7  }
0x219: {  	v6 =	vand.u32 $0x7, v6  }
0x21a: {  	v6 =	vor.u32 v6, v7  }
0x21b: {  	v6 =	vperm.xlane v6, v2;
	_ =	sdelay $0x1  }
0x21c: {  	v6 =	vadd.s32 v3, v6;
	_ =	sdelay $0x1  }
0x21d: {  	s1 =	spop (v2sf)  }
0x21e: {  	s0 =	sand.u32 $0xFFFFF80, s1  }
0x21f: {  	(v2sf) =	vpush v5, $0x3;
	s1 =	sadd.s32 $0x2580, s31;
	s0 =	sadd.s32 s3, s0  }
0x220: {  	[tilespmem:s1], [sflag:$0x1] =	stream.indirect_vreg.gather [hbm4b:s0+s2], $0x80, v6, vm0, $0xb8;
	[tilespmem:$0x14500] =	vst v63  }
0x221: {  	v6 =	vld.msk [tilespmem:s30+$0x2080], $0x1;
	_ =	sdelay $0x4  }
0x222: {  	v7 =	vshrl.u32 v6, $0x3  }
0x223: {  	v7 =	vmul.u32 $0x1870, v7  }
0x224: {  	v6 =	vand.u32 $0x7, v6  }
0x225: {  	v6 =	vor.u32 v6, v7  }
0x226: {  	v6 =	vperm.xlane v6, v2;
	_ =	sdelay $0x1  }
0x227: {  	v6 =	vadd.s32 v3, v6;
	_ =	sdelay $0x1  }
0x228: {  	s1 =	spop (v2sf)  }
0x229: {  	s0 =	sand.u32 $0xFFFFF80, s1  }
0x22a: {  	(v2sf) =	vpush v5, $0x4;
	s1 =	sadd.s32 $0x2600, s31;
	s0 =	sadd.s32 s3, s0  }
0x22b: {  	[tilespmem:s1], [sflag:$0x1] =	stream.indirect_vreg.gather [hbm4b:s0+s2], $0x80, v6, vm0, $0xb8;
	[tilespmem:$0x14500] =	vst v63  }
0x22c: {  	v6 =	vld.msk [tilespmem:s30+$0x2080], $0x1;
	_ =	sdelay $0x4  }
0x22d: {  	v7 =	vshrl.u32 v6, $0x3  }
0x22e: {  	v7 =	vmul.u32 $0x1870, v7  }
0x22f: {  	v6 =	vand.u32 $0x7, v6  }
0x230: {  	v6 =	vor.u32 v6, v7  }
0x231: {  	v6 =	vperm.xlane v6, v2;
	_ =	sdelay $0x1  }
0x232: {  	v6 =	vadd.s32 v3, v6;
	_ =	sdelay $0x1  }
0x233: {  	s1 =	spop (v2sf)  }
0x234: {  	s0 =	sand.u32 $0xFFFFF80, s1  }
0x235: {  	(v2sf) =	vpush v5, $0x5;
	s1 =	sadd.s32 $0x2680, s31;
	s0 =	sadd.s32 s3, s0  }
0x236: {  	[tilespmem:s1], [sflag:$0x1] =	stream.indirect_vreg.gather [hbm4b:s0+s2], $0x80, v6, vm0, $0xb8;
	[tilespmem:$0x14500] =	vst v63  }
0x237: {  	v6 =	vld.msk [tilespmem:s30+$0x2080], $0x1;
	_ =	sdelay $0x4  }
0x238: {  	v7 =	vshrl.u32 v6, $0x3  }
0x239: {  	v7 =	vmul.u32 $0x1870, v7  }
0x23a: {  	v6 =	vand.u32 $0x7, v6  }
0x23b: {  	v6 =	vor.u32 v6, v7  }
0x23c: {  	v6 =	vperm.xlane v6, v2;
	_ =	sdelay $0x1  }
0x23d: {  	v6 =	vadd.s32 v3, v6;
	_ =	sdelay $0x1  }
0x23e: {  	s1 =	spop (v2sf)  }
0x23f: {  	s0 =	sand.u32 $0xFFFFF80, s1  }
0x240: {  	(v2sf) =	vpush v5, $0x6;
	s1 =	sadd.s32 $0x2700, s31;
	s0 =	sadd.s32 s3, s0  }
0x241: {  	[tilespmem:s1], [sflag:$0x1] =	stream.indirect_vreg.gather [hbm4b:s0+s2], $0x80, v6, vm0, $0xb8;
	[tilespmem:$0x14500] =	vst v63  }
0x242: {  	v6 =	vld.msk [tilespmem:s30+$0x2080], $0x1;
	_ =	sdelay $0x4  }
0x243: {  	v7 =	vshrl.u32 v6, $0x3  }
0x244: {  	v7 =	vmul.u32 $0x1870, v7  }
0x245: {  	v6 =	vand.u32 $0x7, v6  }
0x246: {  	v6 =	vor.u32 v6, v7  }
0x247: {  	v6 =	vperm.xlane v6, v2;
	_ =	sdelay $0x1  }
0x248: {  	v6 =	vadd.s32 v3, v6;
	_ =	sdelay $0x1  }
0x249: {  	s1 =	spop (v2sf)  }
0x24a: {  	s0 =	sand.u32 $0xFFFFF80, s1  }
0x24b: {  	(v2sf) =	vpush v5, $0x7;
	s1 =	sadd.s32 $0x2780, s31;
	s0 =	sadd.s32 s3, s0  }
0x24c: {  	[tilespmem:s1], [sflag:$0x1] =	stream.indirect_vreg.gather [hbm4b:s0+s2], $0x80, v6, vm0, $0xb8;
	[tilespmem:$0x14500] =	vst v63  }
0x24d: {  	v6 =	vld.msk [tilespmem:s30+$0x2080], $0x1;
	_ =	sdelay $0x4  }
0x24e: {  	v7 =	vshrl.u32 v6, $0x3  }
0x24f: {  	v7 =	vmul.u32 $0x1870, v7  }
0x250: {  	v6 =	vand.u32 $0x7, v6  }
0x251: {  	v6 =	vor.u32 v6, v7  }
0x252: {  	v6 =	vperm.xlane v6, v2;
	_ =	sdelay $0x1  }
0x253: {  	v6 =	vadd.s32 v3, v6;
	_ =	sdelay $0x1  }
0x254: {  	s1 =	spop (v2sf)  }
0x255: {  	s0 =	sand.u32 $0xFFFFF80, s1  }
0x256: {  	(v2sf) =	vpush v5, $0x8;
	s1 =	sadd.s32 $0x2800, s31;
	s0 =	sadd.s32 s3, s0  }
0x257: {  	[tilespmem:s1], [sflag:$0x1] =	stream.indirect_vreg.gather [hbm4b:s0+s2], $0x80, v6, vm0, $0xb8;
	[tilespmem:$0x14500] =	vst v63  }
0x258: {  	v6 =	vld.msk [tilespmem:s30+$0x2080], $0x1;
	_ =	sdelay $0x4  }
0x259: {  	v7 =	vshrl.u32 v6, $0x3  }
0x25a: {  	v7 =	vmul.u32 $0x1870, v7  }
0x25b: {  	v6 =	vand.u32 $0x7, v6  }
0x25c: {  	v6 =	vor.u32 v6, v7  }
0x25d: {  	v6 =	vperm.xlane v6, v2;
	_ =	sdelay $0x1  }
0x25e: {  	v6 =	vadd.s32 v3, v6;
	_ =	sdelay $0x1  }
0x25f: {  	s1 =	spop (v2sf)  }
0x260: {  	s0 =	sand.u32 $0xFFFFF80, s1  }
0x261: {  	(v2sf) =	vpush v5, $0x9;
	s1 =	sadd.s32 $0x2880, s31;
	s0 =	sadd.s32 s3, s0  }
0x262: {  	[tilespmem:s1], [sflag:$0x1] =	stream.indirect_vreg.gather [hbm4b:s0+s2], $0x80, v6, vm0, $0xb8;
	[tilespmem:$0x14500] =	vst v63  }
0x263: {  	v6 =	vld.msk [tilespmem:s30+$0x2080], $0x1;
	_ =	sdelay $0x4  }
0x264: {  	v7 =	vshrl.u32 v6, $0x3  }
0x265: {  	v7 =	vmul.u32 $0x1870, v7  }
0x266: {  	v6 =	vand.u32 $0x7, v6  }
0x267: {  	v6 =	vor.u32 v6, v7  }
0x268: {  	v6 =	vperm.xlane v6, v2;
	_ =	sdelay $0x1  }
0x269: {  	v6 =	vadd.s32 v3, v6;
	_ =	sdelay $0x1  }
0x26a: {  	s1 =	spop (v2sf)  }
0x26b: {  	s0 =	sand.u32 $0xFFFFF80, s1  }
0x26c: {  	(v2sf) =	vpush v5, $0xA;
	s1 =	sadd.s32 $0x2900, s31;
	s0 =	sadd.s32 s3, s0  }
0x26d: {  	[tilespmem:s1], [sflag:$0x1] =	stream.indirect_vreg.gather [hbm4b:s0+s2], $0x80, v6, vm0, $0xb8;
	[tilespmem:$0x14500] =	vst v63  }
0x26e: {  	v6 =	vld.msk [tilespmem:s30+$0x2080], $0x1;
	_ =	sdelay $0x4  }
0x26f: {  	v7 =	vshrl.u32 v6, $0x3  }
0x270: {  	v7 =	vmul.u32 $0x1870, v7  }
0x271: {  	v6 =	vand.u32 $0x7, v6  }
0x272: {  	v6 =	vor.u32 v6, v7  }
0x273: {  	v6 =	vperm.xlane v6, v2;
	_ =	sdelay $0x1  }
0x274: {  	v6 =	vadd.s32 v3, v6;
	_ =	sdelay $0x1  }
0x275: {  	s1 =	spop (v2sf)  }
0x276: {  	s0 =	sand.u32 $0xFFFFF80, s1  }
0x277: {  	(v2sf) =	vpush v5, $0xB;
	s1 =	sadd.s32 $0x2980, s31;
	s0 =	sadd.s32 s3, s0  }
0x278: {  	[tilespmem:s1], [sflag:$0x1] =	stream.indirect_vreg.gather [hbm4b:s0+s2], $0x80, v6, vm0, $0xb8;
	[tilespmem:$0x14500] =	vst v63  }
0x279: {  	v6 =	vld.msk [tilespmem:s30+$0x2080], $0x1;
	_ =	sdelay $0x4  }
0x27a: {  	v7 =	vshrl.u32 v6, $0x3  }
0x27b: {  	v7 =	vmul.u32 $0x1870, v7  }
0x27c: {  	v6 =	vand.u32 $0x7, v6  }
0x27d: {  	v6 =	vor.u32 v6, v7  }
0x27e: {  	v6 =	vperm.xlane v6, v2;
	_ =	sdelay $0x1  }
0x27f: {  	v6 =	vadd.s32 v3, v6;
	_ =	sdelay $0x1  }
0x280: {  	s1 =	spop (v2sf)  }
0x281: {  	s0 =	sand.u32 $0xFFFFF80, s1  }
0x282: {  	(v2sf) =	vpush v5, $0xC;
	s1 =	sadd.s32 $0x2A00, s31;
	s0 =	sadd.s32 s3, s0  }
0x283: {  	[tilespmem:s1], [sflag:$0x1] =	stream.indirect_vreg.gather [hbm4b:s0+s2], $0x80, v6, vm0, $0xb8;
	[tilespmem:$0x14500] =	vst v63  }
0x284: {  	v6 =	vld.msk [tilespmem:s30+$0x2080], $0x1;
	_ =	sdelay $0x4  }
0x285: {  	v7 =	vshrl.u32 v6, $0x3  }
0x286: {  	v7 =	vmul.u32 $0x1870, v7  }
0x287: {  	v6 =	vand.u32 $0x7, v6  }
0x288: {  	v6 =	vor.u32 v6, v7  }
0x289: {  	v6 =	vperm.xlane v6, v2;
	_ =	sdelay $0x1  }
0x28a: {  	v6 =	vadd.s32 v3, v6;
	_ =	sdelay $0x1  }
0x28b: {  	s1 =	spop (v2sf)  }
0x28c: {  	s0 =	sand.u32 $0xFFFFF80, s1  }
0x28d: {  	(v2sf) =	vpush v5, $0xD;
	s1 =	sadd.s32 $0x2A80, s31;
	s0 =	sadd.s32 s3, s0  }
0x28e: {  	[tilespmem:s1], [sflag:$0x1] =	stream.indirect_vreg.gather [hbm4b:s0+s2], $0x80, v6, vm0, $0xb8;
	[tilespmem:$0x14500] =	vst v63  }
0x28f: {  	v6 =	vld.msk [tilespmem:s30+$0x2080], $0x1;
	_ =	sdelay $0x4  }
0x290: {  	v7 =	vshrl.u32 v6, $0x3  }
0x291: {  	v7 =	vmul.u32 $0x1870, v7  }
0x292: {  	v6 =	vand.u32 $0x7, v6  }
0x293: {  	v6 =	vor.u32 v6, v7  }
0x294: {  	v6 =	vperm.xlane v6, v2;
	_ =	sdelay $0x1  }
0x295: {  	v6 =	vadd.s32 v3, v6;
	_ =	sdelay $0x1  }
0x296: {  	s1 =	spop (v2sf)  }
0x297: {  	s0 =	sand.u32 $0xFFFFF80, s1  }
0x298: {  	(v2sf) =	vpush v5, $0xE;
	s1 =	sadd.s32 $0x2B00, s31;
	s0 =	sadd.s32 s3, s0  }
0x299: {  	[tilespmem:s1], [sflag:$0x1] =	stream.indirect_vreg.gather [hbm4b:s0+s2], $0x80, v6, vm0, $0xb8;
	[tilespmem:$0x14500] =	vst v63  }
0x29a: {  	v6 =	vld.msk [tilespmem:s30+$0x2080], $0x1;
	_ =	sdelay $0x4  }
0x29b: {  	v7 =	vshrl.u32 v6, $0x3  }
0x29c: {  	v7 =	vmul.u32 $0x1870, v7  }
0x29d: {  	v6 =	vand.u32 $0x7, v6  }
0x29e: {  	v6 =	vor.u32 v6, v7  }
0x29f: {  	v6 =	vperm.xlane v6, v2;
	_ =	sdelay $0x1  }
0x2a0: {  	v6 =	vadd.s32 v3, v6;
	_ =	sdelay $0x1  }
0x2a1: {  	s1 =	spop (v2sf)  }
0x2a2: {  	s0 =	sand.u32 $0xFFFFF80, s1  }
0x2a3: {  	(v2sf) =	vpush v5, $0xF;
	s1 =	sadd.s32 $0x2B80, s31;
	s0 =	sadd.s32 s3, s0  }
0x2a4: {  	[tilespmem:s1], [sflag:$0x1] =	stream.indirect_vreg.gather [hbm4b:s0+s2], $0x80, v6, vm0, $0xb8;
	[tilespmem:$0x14500] =	vst v63  }
0x2a5: {  	v5 =	vld.msk [tilespmem:s30+$0x2080], $0x1;
	_ =	sdelay $0x4  }
0x2a6: {  	v6 =	vshrl.u32 v5, $0x3  }
0x2a7: {  	v6 =	vmul.u32 $0x1870, v6  }
0x2a8: {  	v5 =	vand.u32 $0x7, v5  }
0x2a9: {  	v5 =	vor.u32 v5, v6  }
0x2aa: {  	v5 =	vperm.xlane v5, v2;
	_ =	sdelay $0x1  }
0x2ab: {  	p0 =	sne.s32 s29, $0x1E000;
	v5 =	vadd.s32 v3, v5  }
.Ltmp4:
0x2ac: {  	_ = 	snop;
	(pc) =	sbr.rel @p0 .LBB2_9-.Ltmp4, $4  }
0x2ad: {  	s30 =	spop (v2sf)  }
0x2ae: {  	s26 =	sadd.s32 $0x10, s26;
	s28 =	sadd.s32 $0x2, s28;
	s0 =	sand.u32 $0xFFFFF80, s30  }
0x2af: {  	s29 =	sadd.s32 $0x2000, s29;
	s31 =	sadd.s32 $0x2C00, s31;
	s0 =	sadd.s32 s3, s0  }
0x2b0: {  	[tilespmem:s31], [sflag:$0x1] =	stream.indirect_vreg.gather [hbm4b:s0+s2], $0x80, v5, vm0, $0xb8;
	[tilespmem:$0x14500] =	vst v63  }
.LBB2_10:
0x2b1: {  	_ =	swait.ge [sflag:s12], $0x8000  }
0x2b2: {  	[sflag:s12] =	ssyncset.done $0x0  }
0x2b3: {  	[sflag:s12] =	ssyncadd.s32 $0xFFFF8000  }
0x2b4: {  	v5 =	vld [tilespmem:s24+$0x0];
	_ =	sdelay $0x1  }
0x2b5: {  	s0 =	simm.s32 $0x0  }
0x2b6: {  	v6 =	vmov s0  }
0x2b7: {  	v6 =	vshll.u32 v6, $0x7  }
0x2b8: {  	v6 =	vor.u32 v4, v6;
	v5 =	vand.u32 $0x7F, v5  }
0x2b9: {  	v5 =	vor.u32 v6, v5;
	_ =	sdelay $0x4  }
0x2ba: {  	v5 =	vld.idx.msk [tilespmem:v5+s13+$0x0], $0xffff;
	_ =	sdelay $0x4  }
0x2bb: {  	s28 =	sadd.s32 $0x10, s24;
	[tilespmem:s25+$0x0] =	vst v5  }
0x2bc: {  	s29 =	simm.s32 $0x10;
	s30 =	simm.s32 $0x20;
	s26 =	smov.u32 s25;
	v5 =	vld [tilespmem:s28+$0x0]  }
.LBB2_11:
0x2bd: {  	p0 =	sne.s32 s30, $0xF0;
	_ =	sdelay $0x1  }
0x2be: {  	v6 =	vmov s29;
	s29 =	smov.u32 s30  }
0x2bf: {  	v6 =	vshll.u32 v6, $0x7  }
0x2c0: {  	v6 =	vor.u32 v4, v6;
	v5 =	vand.u32 $0x7F, v5  }
0x2c1: {  	v5 =	vor.u32 v6, v5;
	_ =	sdelay $0x4  }
0x2c2: {  	v5 =	vld.idx.msk [tilespmem:v5+s13+$0x0], $0xffff;
	_ =	sdelay $0x2  }
.Ltmp5:
0x2c3: {  	(pc) =	sbr.rel @p0 .LBB2_11-.Ltmp5, $4  }
0x2c4: {  	_ = 	snop  }
0x2c5: {  	s26 =	sadd.s32 $0x10, s26  }
0x2c6: {  	s28 =	sadd.s32 $0x10, s28;
	[tilespmem:s26+$0x0] =	vst v5  }
0x2c7: {  	s30 =	sadd.s32 $0x10, s30;
	v5 =	vld [tilespmem:s28+$0x0]  }
0x2c8: {  	_ =	sdelay $0x1  }
0x2c9: {  	v6 =	vmov s29  }
0x2ca: {  	v6 =	vshll.u32 v6, $0x7  }
0x2cb: {  	v6 =	vor.u32 v4, v6;
	v5 =	vand.u32 $0x7F, v5  }
0x2cc: {  	v5 =	vor.u32 v6, v5;
	_ =	sdelay $0x3  }
0x2cd: {  	s18 =	sadd.s32 $0x1, s18  }
0x2ce: {  	p0 =	sne.s32 s18, $0x10;
	v5 =	vld.idx.msk [tilespmem:v5+s13+$0x0], $0xffff  }
.Ltmp6:
0x2cf: {  	_ = 	snop;
	(pc) =	sbr.rel @p0 .LBB2_4-.Ltmp6, $4  }
0x2d0: {  	_ = 	snop  }
0x2d1: {  	s0 =	sadd.s32 $0x10, s26;
	s19 =	sadd.s32 $0x200, s19;
	s20 =	sadd.s32 $0x40, s20  }
0x2d2: {  	s17 =	sadd.s32 $0x200, s17;
	s21 =	sadd.s32 $0x200, s21;
	s22 =	sadd.s32 $0x200, s22  }
0x2d3: {  	s23 =	sadd.s32 $0x40, s23;
	s24 =	sadd.s32 $0x200, s24;
	s25 =	sadd.s32 $0x200, s25;
	[tilespmem:s0+$0x0] =	vst v5  }
0x2d4: {  	s17 =	simm.s32 $0x0;
	s18 =	simm.s32 $0x20C0;
	s19 =	simm.s32 $0x0  }
.LBB2_14:
0x2d5: {  	v5 =	vld [tilespmem:s17+$0x0];
	_ =	sdelay $0x4  }
0x2d6: {  	(v2sf) =	vpush v5, $0x0;
	_ =	sdelay $0x1  }
0x2d7: {  	v6 =	vld.msk [tilespmem:s18+$0xFFFFFFC0], $0x1;
	_ =	sdelay $0x4  }
0x2d8: {  	v7 =	vshrl.u32 v6, $0x3  }
0x2d9: {  	v7 =	vmul.u32 $0x1870, v7  }
0x2da: {  	v6 =	vand.u32 $0x7, v6  }
0x2db: {  	v6 =	vor.u32 v6, v7  }
0x2dc: {  	v6 =	vperm.xlane v6, v2;
	_ =	sdelay $0x1  }
0x2dd: {  	v6 =	vadd.s32 v3, v6;
	_ =	sdelay $0x1  }
0x2de: {  	s0 =	spop (v2sf)  }
0x2df: {  	s20 =	sshra.s32 s19, $0x2;
	s0 =	sand.u32 $0xFFFFF80, s0  }
0x2e0: {  	s1 =	sadd.s32 $0x2480, s20;
	(v2sf) =	vpush v5, $0x1;
	s0 =	sadd.s32 s3, s0  }
0x2e1: {  	[tilespmem:s1], [sflag:$0x1] =	stream.indirect_vreg.gather [hbm4b:s0+s2], $0x80, v6, vm0, $0xb8;
	[tilespmem:$0x14500] =	vst v63  }
0x2e2: {  	v6 =	vld.msk [tilespmem:s18+$0xFFFFFFC8], $0x1;
	_ =	sdelay $0x4  }
0x2e3: {  	v7 =	vshrl.u32 v6, $0x3  }
0x2e4: {  	v7 =	vmul.u32 $0x1870, v7  }
0x2e5: {  	v6 =	vand.u32 $0x7, v6  }
0x2e6: {  	v6 =	vor.u32 v6, v7  }
0x2e7: {  	v6 =	vperm.xlane v6, v2;
	_ =	sdelay $0x1  }
0x2e8: {  	v6 =	vadd.s32 v3, v6;
	_ =	sdelay $0x1  }
0x2e9: {  	s21 =	spop (v2sf)  }
0x2ea: {  	s0 =	sand.u32 $0xFFFFF80, s21  }
0x2eb: {  	s22 =	sadd.s32 $0x2500, s20;
	(v2sf) =	vpush v5, $0x2;
	s0 =	sadd.s32 s3, s0  }
0x2ec: {  	[tilespmem:s22], [sflag:$0x1] =	stream.indirect_vreg.gather [hbm4b:s0+s2], $0x80, v6, vm0, $0xb8;
	[tilespmem:$0x14500] =	vst v63  }
0x2ed: {  	v6 =	vld.msk [tilespmem:s18+$0xFFFFFFD0], $0x1;
	_ =	sdelay $0x4  }
0x2ee: {  	v7 =	vshrl.u32 v6, $0x3  }
0x2ef: {  	v7 =	vmul.u32 $0x1870, v7  }
0x2f0: {  	v6 =	vand.u32 $0x7, v6  }
0x2f1: {  	v6 =	vor.u32 v6, v7  }
0x2f2: {  	v6 =	vperm.xlane v6, v2;
	_ =	sdelay $0x1  }
0x2f3: {  	v6 =	vadd.s32 v3, v6;
	_ =	sdelay $0x1  }
0x2f4: {  	s23 =	spop (v2sf)  }
0x2f5: {  	s0 =	sand.u32 $0xFFFFF80, s23  }
0x2f6: {  	s24 =	sadd.s32 $0x2580, s20;
	(v2sf) =	vpush v5, $0x3;
	s0 =	sadd.s32 s3, s0  }
0x2f7: {  	[tilespmem:s24], [sflag:$0x1] =	stream.indirect_vreg.gather [hbm4b:s0+s2], $0x80, v6, vm0, $0xb8;
	[tilespmem:$0x14500] =	vst v63  }
0x2f8: {  	v6 =	vld.msk [tilespmem:s18+$0xFFFFFFD8], $0x1;
	_ =	sdelay $0x4  }
0x2f9: {  	v7 =	vshrl.u32 v6, $0x3  }
0x2fa: {  	v7 =	vmul.u32 $0x1870, v7  }
0x2fb: {  	v6 =	vand.u32 $0x7, v6  }
0x2fc: {  	v6 =	vor.u32 v6, v7  }
0x2fd: {  	v6 =	vperm.xlane v6, v2;
	_ =	sdelay $0x1  }
0x2fe: {  	v6 =	vadd.s32 v3, v6;
	_ =	sdelay $0x1  }
0x2ff: {  	s25 =	spop (v2sf)  }
0x300: {  	s0 =	sand.u32 $0xFFFFF80, s25  }
0x301: {  	s26 =	sadd.s32 $0x2600, s20;
	(v2sf) =	vpush v5, $0x4;
	s0 =	sadd.s32 s3, s0  }
0x302: {  	[tilespmem:s26], [sflag:$0x1] =	stream.indirect_vreg.gather [hbm4b:s0+s2], $0x80, v6, vm0, $0xb8;
	[tilespmem:$0x14500] =	vst v63  }
0x303: {  	v6 =	vld.msk [tilespmem:s18+$0xFFFFFFE0], $0x1;
	_ =	sdelay $0x4  }
0x304: {  	v7 =	vshrl.u32 v6, $0x3  }
0x305: {  	v7 =	vmul.u32 $0x1870, v7  }
0x306: {  	v6 =	vand.u32 $0x7, v6  }
0x307: {  	v6 =	vor.u32 v6, v7  }
0x308: {  	v6 =	vperm.xlane v6, v2;
	_ =	sdelay $0x1  }
0x309: {  	v6 =	vadd.s32 v3, v6;
	_ =	sdelay $0x1  }
0x30a: {  	s28 =	spop (v2sf)  }
0x30b: {  	s0 =	sand.u32 $0xFFFFF80, s28  }
0x30c: {  	s29 =	sadd.s32 $0x2680, s20;
	(v2sf) =	vpush v5, $0x5;
	s0 =	sadd.s32 s3, s0  }
0x30d: {  	[tilespmem:s29], [sflag:$0x1] =	stream.indirect_vreg.gather [hbm4b:s0+s2], $0x80, v6, vm0, $0xb8;
	[tilespmem:$0x14500] =	vst v63  }
0x30e: {  	v6 =	vld.msk [tilespmem:s18+$0xFFFFFFE8], $0x1;
	_ =	sdelay $0x4  }
0x30f: {  	v7 =	vshrl.u32 v6, $0x3  }
0x310: {  	v7 =	vmul.u32 $0x1870, v7  }
0x311: {  	v6 =	vand.u32 $0x7, v6  }
0x312: {  	v6 =	vor.u32 v6, v7  }
0x313: {  	v6 =	vperm.xlane v6, v2;
	_ =	sdelay $0x1  }
0x314: {  	v6 =	vadd.s32 v3, v6;
	_ =	sdelay $0x1  }
0x315: {  	s30 =	spop (v2sf)  }
0x316: {  	s0 =	sand.u32 $0xFFFFF80, s30  }
0x317: {  	s31 =	sadd.s32 $0x2700, s20;
	(v2sf) =	vpush v5, $0x6;
	s0 =	sadd.s32 s3, s0  }
0x318: {  	[tilespmem:s31], [sflag:$0x1] =	stream.indirect_vreg.gather [hbm4b:s0+s2], $0x80, v6, vm0, $0xb8;
	[tilespmem:$0x14500] =	vst v63  }
0x319: {  	v6 =	vld.msk [tilespmem:s18+$0xFFFFFFF0], $0x1;
	_ =	sdelay $0x4  }
0x31a: {  	v7 =	vshrl.u32 v6, $0x3  }
0x31b: {  	v7 =	vmul.u32 $0x1870, v7  }
0x31c: {  	v6 =	vand.u32 $0x7, v6  }
0x31d: {  	v6 =	vor.u32 v6, v7  }
0x31e: {  	v6 =	vperm.xlane v6, v2;
	_ =	sdelay $0x1  }
0x31f: {  	v6 =	vadd.s32 v3, v6;
	_ =	sdelay $0x1  }
0x320: {  	s21 =	spop (v2sf)  }
0x321: {  	s0 =	sand.u32 $0xFFFFF80, s21  }
0x322: {  	s22 =	sadd.s32 $0x2780, s20;
	(v2sf) =	vpush v5, $0x7;
	s0 =	sadd.s32 s3, s0  }
0x323: {  	[tilespmem:s22], [sflag:$0x1] =	stream.indirect_vreg.gather [hbm4b:s0+s2], $0x80, v6, vm0, $0xb8;
	[tilespmem:$0x14500] =	vst v63  }
0x324: {  	v6 =	vld.msk [tilespmem:s18+$0xFFFFFFF8], $0x1;
	_ =	sdelay $0x4  }
0x325: {  	v7 =	vshrl.u32 v6, $0x3  }
0x326: {  	v7 =	vmul.u32 $0x1870, v7  }
0x327: {  	v6 =	vand.u32 $0x7, v6  }
0x328: {  	v6 =	vor.u32 v6, v7  }
0x329: {  	v6 =	vperm.xlane v6, v2;
	_ =	sdelay $0x1  }
0x32a: {  	v6 =	vadd.s32 v3, v6;
	_ =	sdelay $0x1  }
0x32b: {  	s23 =	spop (v2sf)  }
0x32c: {  	s0 =	sand.u32 $0xFFFFF80, s23  }
0x32d: {  	s24 =	sadd.s32 $0x2800, s20;
	(v2sf) =	vpush v5, $0x8;
	s0 =	sadd.s32 s3, s0  }
0x32e: {  	[tilespmem:s24], [sflag:$0x1] =	stream.indirect_vreg.gather [hbm4b:s0+s2], $0x80, v6, vm0, $0xb8;
	[tilespmem:$0x14500] =	vst v63  }
0x32f: {  	v6 =	vld.msk [tilespmem:s18+$0x0], $0x1;
	_ =	sdelay $0x4  }
0x330: {  	v7 =	vshrl.u32 v6, $0x3  }
0x331: {  	v7 =	vmul.u32 $0x1870, v7  }
0x332: {  	v6 =	vand.u32 $0x7, v6  }
0x333: {  	v6 =	vor.u32 v6, v7  }
0x334: {  	v6 =	vperm.xlane v6, v2;
	_ =	sdelay $0x1  }
0x335: {  	v6 =	vadd.s32 v3, v6;
	_ =	sdelay $0x1  }
0x336: {  	s25 =	spop (v2sf)  }
0x337: {  	s0 =	sand.u32 $0xFFFFF80, s25  }
0x338: {  	s26 =	sadd.s32 $0x2880, s20;
	(v2sf) =	vpush v5, $0x9;
	s0 =	sadd.s32 s3, s0  }
0x339: {  	[tilespmem:s26], [sflag:$0x1] =	stream.indirect_vreg.gather [hbm4b:s0+s2], $0x80, v6, vm0, $0xb8;
	[tilespmem:$0x14500] =	vst v63  }
0x33a: {  	v6 =	vld.msk [tilespmem:s18+$0x8], $0x1;
	_ =	sdelay $0x4  }
0x33b: {  	v7 =	vshrl.u32 v6, $0x3  }
0x33c: {  	v7 =	vmul.u32 $0x1870, v7  }
0x33d: {  	v6 =	vand.u32 $0x7, v6  }
0x33e: {  	v6 =	vor.u32 v6, v7  }
0x33f: {  	v6 =	vperm.xlane v6, v2;
	_ =	sdelay $0x1  }
0x340: {  	v6 =	vadd.s32 v3, v6;
	_ =	sdelay $0x1  }
0x341: {  	s28 =	spop (v2sf)  }
0x342: {  	s0 =	sand.u32 $0xFFFFF80, s28  }
0x343: {  	s29 =	sadd.s32 $0x2900, s20;
	(v2sf) =	vpush v5, $0xA;
	s0 =	sadd.s32 s3, s0  }
0x344: {  	[tilespmem:s29], [sflag:$0x1] =	stream.indirect_vreg.gather [hbm4b:s0+s2], $0x80, v6, vm0, $0xb8;
	[tilespmem:$0x14500] =	vst v63  }
0x345: {  	v6 =	vld.msk [tilespmem:s18+$0x10], $0x1;
	_ =	sdelay $0x4  }
0x346: {  	v7 =	vshrl.u32 v6, $0x3  }
0x347: {  	v7 =	vmul.u32 $0x1870, v7  }
0x348: {  	v6 =	vand.u32 $0x7, v6  }
0x349: {  	v6 =	vor.u32 v6, v7  }
0x34a: {  	v6 =	vperm.xlane v6, v2;
	_ =	sdelay $0x1  }
0x34b: {  	v6 =	vadd.s32 v3, v6;
	_ =	sdelay $0x1  }
0x34c: {  	s30 =	spop (v2sf)  }
0x34d: {  	s0 =	sand.u32 $0xFFFFF80, s30  }
0x34e: {  	s31 =	sadd.s32 $0x2980, s20;
	(v2sf) =	vpush v5, $0xB;
	s0 =	sadd.s32 s3, s0  }
0x34f: {  	[tilespmem:s31], [sflag:$0x1] =	stream.indirect_vreg.gather [hbm4b:s0+s2], $0x80, v6, vm0, $0xb8;
	[tilespmem:$0x14500] =	vst v63  }
0x350: {  	v6 =	vld.msk [tilespmem:s18+$0x18], $0x1;
	_ =	sdelay $0x4  }
0x351: {  	v7 =	vshrl.u32 v6, $0x3  }
0x352: {  	v7 =	vmul.u32 $0x1870, v7  }
0x353: {  	v6 =	vand.u32 $0x7, v6  }
0x354: {  	v6 =	vor.u32 v6, v7  }
0x355: {  	v6 =	vperm.xlane v6, v2;
	_ =	sdelay $0x1  }
0x356: {  	v6 =	vadd.s32 v3, v6;
	_ =	sdelay $0x1  }
0x357: {  	s21 =	spop (v2sf)  }
0x358: {  	s0 =	sand.u32 $0xFFFFF80, s21  }
0x359: {  	s22 =	sadd.s32 $0x2A00, s20;
	(v2sf) =	vpush v5, $0xC;
	s0 =	sadd.s32 s3, s0  }
0x35a: {  	[tilespmem:s22], [sflag:$0x1] =	stream.indirect_vreg.gather [hbm4b:s0+s2], $0x80, v6, vm0, $0xb8;
	[tilespmem:$0x14500] =	vst v63  }
0x35b: {  	v6 =	vld.msk [tilespmem:s18+$0x20], $0x1;
	_ =	sdelay $0x4  }
0x35c: {  	v7 =	vshrl.u32 v6, $0x3  }
0x35d: {  	v7 =	vmul.u32 $0x1870, v7  }
0x35e: {  	v6 =	vand.u32 $0x7, v6  }
0x35f: {  	v6 =	vor.u32 v6, v7  }
0x360: {  	v6 =	vperm.xlane v6, v2;
	_ =	sdelay $0x1  }
0x361: {  	v6 =	vadd.s32 v3, v6;
	_ =	sdelay $0x1  }
0x362: {  	s23 =	spop (v2sf)  }
0x363: {  	s0 =	sand.u32 $0xFFFFF80, s23  }
0x364: {  	s24 =	sadd.s32 $0x2A80, s20;
	(v2sf) =	vpush v5, $0xD;
	s0 =	sadd.s32 s3, s0  }
0x365: {  	[tilespmem:s24], [sflag:$0x1] =	stream.indirect_vreg.gather [hbm4b:s0+s2], $0x80, v6, vm0, $0xb8;
	[tilespmem:$0x14500] =	vst v63  }
0x366: {  	v6 =	vld.msk [tilespmem:s18+$0x28], $0x1;
	_ =	sdelay $0x4  }
0x367: {  	v7 =	vshrl.u32 v6, $0x3  }
0x368: {  	v7 =	vmul.u32 $0x1870, v7  }
0x369: {  	v6 =	vand.u32 $0x7, v6  }
0x36a: {  	v6 =	vor.u32 v6, v7  }
0x36b: {  	v6 =	vperm.xlane v6, v2;
	_ =	sdelay $0x1  }
0x36c: {  	v6 =	vadd.s32 v3, v6;
	_ =	sdelay $0x1  }
0x36d: {  	s25 =	spop (v2sf)  }
0x36e: {  	s0 =	sand.u32 $0xFFFFF80, s25  }
0x36f: {  	s26 =	sadd.s32 $0x2B00, s20;
	(v2sf) =	vpush v5, $0xE;
	s0 =	sadd.s32 s3, s0  }
0x370: {  	[tilespmem:s26], [sflag:$0x1] =	stream.indirect_vreg.gather [hbm4b:s0+s2], $0x80, v6, vm0, $0xb8;
	[tilespmem:$0x14500] =	vst v63  }
0x371: {  	v6 =	vld.msk [tilespmem:s18+$0x30], $0x1;
	_ =	sdelay $0x4  }
0x372: {  	v7 =	vshrl.u32 v6, $0x3  }
0x373: {  	v7 =	vmul.u32 $0x1870, v7  }
0x374: {  	v6 =	vand.u32 $0x7, v6  }
0x375: {  	v6 =	vor.u32 v6, v7  }
0x376: {  	v6 =	vperm.xlane v6, v2;
	_ =	sdelay $0x1  }
0x377: {  	v6 =	vadd.s32 v3, v6;
	_ =	sdelay $0x1  }
0x378: {  	s28 =	spop (v2sf)  }
0x379: {  	s0 =	sand.u32 $0xFFFFF80, s28  }
0x37a: {  	s29 =	sadd.s32 $0x2B80, s20;
	(v2sf) =	vpush v5, $0xF;
	s0 =	sadd.s32 s3, s0  }
0x37b: {  	[tilespmem:s29], [sflag:$0x1] =	stream.indirect_vreg.gather [hbm4b:s0+s2], $0x80, v6, vm0, $0xb8;
	[tilespmem:$0x14500] =	vst v63  }
0x37c: {  	v5 =	vld.msk [tilespmem:s18+$0x38], $0x1;
	_ =	sdelay $0x4  }
0x37d: {  	v6 =	vshrl.u32 v5, $0x3  }
0x37e: {  	v6 =	vmul.u32 $0x1870, v6  }
0x37f: {  	v5 =	vand.u32 $0x7, v5  }
0x380: {  	v5 =	vor.u32 v5, v6  }
0x381: {  	v5 =	vperm.xlane v5, v2;
	_ =	sdelay $0x1  }
0x382: {  	p0 =	sne.s32 s19, $0xE000;
	v5 =	vadd.s32 v3, v5  }
.Ltmp7:
0x383: {  	_ = 	snop;
	(pc) =	sbr.rel @p0 .LBB2_14-.Ltmp7, $4  }
0x384: {  	s30 =	spop (v2sf)  }
0x385: {  	s17 =	sadd.s32 $0x10, s17;
	s19 =	sadd.s32 $0x2000, s19;
	s0 =	sand.u32 $0xFFFFF80, s30  }
0x386: {  	s31 =	sadd.s32 $0x2C00, s20;
	s0 =	sadd.s32 s3, s0;
	s18 =	sadd.s32 $0x80, s18  }
0x387: {  	[tilespmem:s31], [sflag:$0x1] =	stream.indirect_vreg.gather [hbm4b:s0+s2], $0x80, v5, vm0, $0xb8;
	[tilespmem:$0x14500] =	vst v63  }
0x388: {  	_ =	swait.ge [sflag:s10], $0x4000  }
0x389: {  	[sflag:s10] =	ssyncset.done $0x0  }
0x38a: {  	s0 =	simm.s32 $0x0;
	[sflag:s10] =	ssyncadd.s32 $0xFFFFC000  }
0x38b: {  	v3 =	vld [tilespmem:s0+$0x0];
	_ =	sdelay $0x2  }
0x38c: {  	v5 =	vmov s0  }
0x38d: {  	v5 =	vshll.u32 v5, $0x7  }
0x38e: {  	v5 =	vor.u32 v4, v5;
	v3 =	vand.u32 $0x7F, v3  }
0x38f: {  	v3 =	vor.u32 v5, v3;
	_ =	sdelay $0x4  }
0x390: {  	v3 =	vld.idx.msk [tilespmem:v3+s11+$0x0], $0xffff;
	_ =	sdelay $0x3  }
0x391: {  	s17 =	simm.s32 $0x12480  }
0x392: {  	s18 =	simm.s32 $0x10;
	[tilespmem:s17+$0x0] =	vst v3  }
0x393: {  	s19 =	simm.s32 $0x20;
	s20 =	simm.s32 $0x10;
	v3 =	vld [tilespmem:s18+$0x0]  }
.LBB2_16:
0x394: {  	p0 =	sne.s32 s19, $0x70;
	_ =	sdelay $0x1  }
0x395: {  	v5 =	vmov s18;
	s18 =	smov.u32 s19  }
0x396: {  	v5 =	vshll.u32 v5, $0x7  }
0x397: {  	v5 =	vor.u32 v4, v5;
	v3 =	vand.u32 $0x7F, v3  }
0x398: {  	v3 =	vor.u32 v5, v3;
	_ =	sdelay $0x4  }
0x399: {  	v3 =	vld.idx.msk [tilespmem:v3+s11+$0x0], $0xffff;
	_ =	sdelay $0x2  }
.Ltmp8:
0x39a: {  	(pc) =	sbr.rel @p0 .LBB2_16-.Ltmp8, $4  }
0x39b: {  	_ = 	snop  }
0x39c: {  	s17 =	sadd.s32 $0x10, s17  }
0x39d: {  	s20 =	sadd.s32 $0x10, s20;
	[tilespmem:s17+$0x0] =	vst v3  }
0x39e: {  	s19 =	sadd.s32 $0x10, s19;
	v3 =	vld [tilespmem:s20+$0x0]  }
0x39f: {  	_ =	sdelay $0x1  }
0x3a0: {  	v5 =	vmov s18  }
0x3a1: {  	v5 =	vshll.u32 v5, $0x7  }
0x3a2: {  	v4 =	vor.u32 v4, v5;
	v3 =	vand.u32 $0x7F, v3  }
0x3a3: {  	v3 =	vor.u32 v4, v3;
	_ =	sdelay $0x4  }
0x3a4: {  	v3 =	vld.idx.msk [tilespmem:v3+s11+$0x0], $0xffff;
	_ =	sdelay $0x3  }
0x3a5: {  	s0 =	sadd.s32 $0x10, s17  }
0x3a6: {  	[tilespmem:s0+$0x0] =	vst v3  }
0x3a7: {  	[hbm4b:s6+s2] =	stream.linear.scatter [tilespmem:s14], [sflag:$0x3], $0x80, $0x38;
	[tilespmem:$0x14500] =	vst v63  }
0x3a8: {  	s16 =	sadd.s32 $0x1, s16;
	_ =	swait.ge [sflag:s9], $0x80  }
0x3a9: {  	p0 =	sne.s32 s16, s8;
	[sflag:s9] =	ssyncset.done $0x0  }
.Ltmp9:
0x3aa: {  	[sflag:s9] =	ssyncadd.s32 $0xFFFFFF80;
	(pc) =	sbr.rel @p0 .LBB2_1-.Ltmp9, $4  }
0x3ab: {  	[hbm4b:s7+s2] =	stream.linear.scatter [tilespmem:s15], [sflag:$0x3], $0x2000, $0x38;
	[tilespmem:$0x14500] =	vst v63  }
0x3ac: {  	_ =	swait.ge [sflag:s9], $0x2000  }
0x3ad: {  	[sflag:s9] =	ssyncset.done $0x0  }
0x3ae: {  	[sflag:s9] =	ssyncadd.s32 $0xFFFFE000  }
0x3af: {  	_ =	sfence.sel $0x180000  }
0x3b0: {  	[bflag:$0x0] =	sbarrier.arrive $0xFFFF  }
0x3b1: {  	_ =	strace $0x90000047  }
0x3b2: {  	s0 =	stileid.u32;
	[bflag:$0x2] =	sbarrier.arrive $0xFFFF  }
0x3b3: {  	p0 =	sne.s32 s0, $0x0;
	s0 =	rddreg [dreg:$0x2]  }
0x3b4: {  	s0 =	sadd.s32 @!p0 $0x100000, s0  }
0x3b5: {  	[sflag:s0] =	ssyncadd.tile.s32 @!p0 $0x1;
	_ =	shalt  }
.Lfunc_end2:
_tile_overlayer_lowered:
.L_overlay_start_2:
0x3b6: {  	(tag) =	ssettag $0x2  }
0x3b7: {  	s0 =	rddreg [dreg:$0x0];
	s2 =	stileid.u32  }
0x3b8: {  	s1 =	rddreg [dreg:$0x1];
	p0 =	sne.s32 s2, $0x0  }
0x3b9: {  	s3 =	rddreg [dreg:$0x2];
	[bflag:$0x3] =	sbarrier.arrive $0xFFFF;
	s2 =	simm.s32 @!p0 $0x1C03  }
0x3ba: {  	[timem:s3], [sflag:s2] =	dma.local @!p0 [hbm:s0], s1  }
0x3bb: {  	s0 =	simm.s32 @!p0 $0x3  }
0x3bc: {  	_ =	swait.ge @!p0 [sflag:s0], s1  }
0x3bd: {  	s1 =	ssub.s32 @!p0 $0x0, s1;
	[sflag:s0] =	ssyncset.done @!p0 $0x0  }
0x3be: {  	[sflag:s0] =	ssyncadd.s32 @!p0 s1  }
0x3bf: {  	[bflag:$0x3] =	sbarrier.arrive $0xFFFF  }
0x3c0: {  	_ =	shalt  }

</sc_bundles>
